<compile_context>
chip_gen: v7x
topology: tpu7x:2x2x1
jax: 0.10.2.dev20260603
libtpu: 0.0.44.dev20260713+nightly
codegen_flags: <defaults>
</compile_context>

<pallas_src>
import functools

import jax
import jax.numpy as jnp
from jax import lax
from jax.experimental import pallas as pl
from jax.experimental.pallas import tpu as pltpu
from jax.experimental.pallas import tpu_sc as plsc

_N = 10000
_E = 160000
_G = 64
_CH = 128
_NT = 16
_NC = 2
_ACC_ROWS = 10240
_RPT = _ACC_ROWS // _NT


def _sc_degree(dst):
  mesh = plsc.VectorSubcoreMesh(core_axis_name="c", subcore_axis_name="s")
  main_e = 5120
  main_ch = main_e // _CH
  last_ch = (_E - 31 * main_e) // _CH

  @functools.partial(
      pl.kernel,
      out_type=jax.ShapeDtypeStruct((_NC, _ACC_ROWS, 16), jnp.float32),
      mesh=mesh,
      scratch_types=[
          pltpu.VMEM((_CH, 16), jnp.float32),
          pltpu.VMEM((_CH,), jnp.int32),
          pltpu.VMEM_SHARED((_ACC_ROWS, 16), jnp.float32),
      ],
  )
  def deg_kernel(dst_hbm, out_hbm, buf, didx, acc):
    c = lax.axis_index("c")
    s = lax.axis_index("s")
    wid = s * _NC + c

    def _zero(i, carry):
      buf[i, :] = jnp.zeros((16,), jnp.float32)
      return carry
    lax.fori_loop(0, _CH, _zero, None)
    for k in range(_RPT // _CH):
      pltpu.sync_copy(buf, acc.at[pl.ds(s * _RPT + k * _CH, _CH)])
    plsc.subcore_barrier()

    def _ones(i, carry):
      buf[i, :] = jnp.ones((16,), jnp.float32)
      return carry
    lax.fori_loop(0, _CH, _ones, None)

    nch = jnp.where(wid == 31, last_ch, main_ch)
    base = wid * main_e

    def _body(j, carry):
      pltpu.sync_copy(dst_hbm.at[pl.ds(base + j * _CH, _CH)], didx)
      pltpu.sync_copy(buf, acc.at[didx], add=True)
      return carry
    lax.fori_loop(0, nch, _body, None)
    plsc.subcore_barrier()
    r0 = s * _RPT
    pltpu.sync_copy(acc.at[pl.ds(r0, _RPT)],
                    out_hbm.at[c].at[pl.ds(r0, _RPT)])

  return deg_kernel(dst)[:, :_N, :]


def _sc_edge_agg(hs_a, hs_b, src, dst, split_edges):
  per_core = _E // 2 if split_edges else _E
  main_e = per_core // _NT - (per_core // _NT) % _CH
  main_ch = main_e // _CH
  last_ch = (per_core - 15 * main_e) // _CH
  assert 15 * main_e + last_ch * _CH == per_core
  mesh = plsc.VectorSubcoreMesh(core_axis_name="c", subcore_axis_name="s")

  @functools.partial(
      pl.kernel,
      out_type=(jax.ShapeDtypeStruct((_ACC_ROWS, 128), jnp.float32),
                jax.ShapeDtypeStruct((_ACC_ROWS, 128), jnp.float32)),
      mesh=mesh,
      scratch_types=[
          pltpu.VMEM((_CH, 128), jnp.float32),
          pltpu.VMEM((_CH,), jnp.int32),
          pltpu.VMEM((_CH,), jnp.int32),
          pltpu.VMEM_SHARED((_ACC_ROWS, 128), jnp.float32),
          pltpu.SemaphoreType.DMA,
      ],
  )
  def agg_kernel(hsa_hbm, hsb_hbm, src_hbm, dst_hbm, outa_hbm, outb_hbm,
                 rows, sidx, didx, acc, sem):
    c = lax.axis_index("c")
    s = lax.axis_index("s")

    def _zero(i, carry):
      for j in range(8):
        rows[i, pl.ds(j * 16, 16)] = jnp.zeros((16,), jnp.float32)
      return carry
    lax.fori_loop(0, _CH, _zero, None)
    for k in range(_RPT // _CH):
      pltpu.sync_copy(rows, acc.at[pl.ds(s * _RPT + k * _CH, _CH)])
    plsc.subcore_barrier()

    nch = jnp.where(s == 15, last_ch, main_ch)
    base = (c * per_core if split_edges else 0) + s * main_e

    def _run(hs_hbm):
      def _body(j, carry):
        e0 = base + j * _CH
        pltpu.sync_copy(src_hbm.at[pl.ds(e0, _CH)], sidx)
        pltpu.sync_copy(dst_hbm.at[pl.ds(e0, _CH)], didx)
        pltpu.async_copy(hs_hbm.at[sidx], rows, sem).wait()
        pltpu.sync_copy(rows, acc.at[didx], add=True)
        return carry
      lax.fori_loop(0, nch, _body, None)

    @pl.when(c == 0)
    def _():
      _run(hsa_hbm)

    @pl.when(c == 1)
    def _():
      _run(hsb_hbm)

    plsc.subcore_barrier()
    r0 = s * _RPT

    @pl.when(c == 0)
    def _():
      pltpu.sync_copy(acc.at[pl.ds(r0, _RPT)],
                      outa_hbm.at[pl.ds(r0, _RPT)])

    @pl.when(c == 1)
    def _():
      pltpu.sync_copy(acc.at[pl.ds(r0, _RPT)],
                      outb_hbm.at[pl.ds(r0, _RPT)])

  oa, ob = agg_kernel(hs_a, hs_b, src, dst)
  return oa[:_N], ob[:_N]


_B = 1000


def _tc_head(x, W_nf, b_nf, W1, cnt):
  def body(x_r, wnf_r, bnf_r, w1_r, cnt_r, hs1_r, dinv_r):
    Wf = jnp.dot(wnf_r[...], w1_r[...], preferred_element_type=jnp.float32)
    bf = jnp.dot(bnf_r[...], w1_r[...], preferred_element_type=jnp.float32)
    h1 = jnp.dot(x_r[...], Wf, preferred_element_type=jnp.float32) + bf
    deg = cnt_r[0, :, 0:1] + cnt_r[1, :, 0:1] + 1.0
    dinv = lax.rsqrt(deg)
    dinv_r[...] = dinv
    hs1_r[...] = h1 * dinv

  return pl.pallas_call(
      body,
      grid=(_N // _B,),
      in_specs=[
          pl.BlockSpec((_B, 256), lambda i: (i, 0)),
          pl.BlockSpec((256, 256), lambda i: (0, 0)),
          pl.BlockSpec((1, 256), lambda i: (0, 0)),
          pl.BlockSpec((256, 128), lambda i: (0, 0)),
          pl.BlockSpec((2, _B, 16), lambda i: (0, i, 0)),
      ],
      out_specs=[pl.BlockSpec((_B, 128), lambda i: (i, 0)),
                 pl.BlockSpec((_B, 1), lambda i: (i, 0))],
      out_shape=[jax.ShapeDtypeStruct((_N, 128), jnp.float32),
                 jax.ShapeDtypeStruct((_N, 1), jnp.float32)],
  )(x, W_nf, b_nf.reshape(1, 256), W1, cnt)


def _tc_pre1(agg_a, agg_b, hs1, dinv, b1):
  def body(aa, ab, hs, dv, b1_r, pre_r, st_r):
    pre = (aa[...] + ab[...] + hs[...]) * dv[...] + b1_r[...]
    pre_r[...] = pre

    @pl.when(pl.program_id(0) == 0)
    def _():
      st_r[...] = jnp.zeros_like(st_r)
    st_r[0:1, :] += jnp.sum(pre, axis=0, keepdims=True)
    st_r[1:2, :] += jnp.sum(pre * pre, axis=0, keepdims=True)

  return pl.pallas_call(
      body,
      grid=(_N // _B,),
      in_specs=[
          pl.BlockSpec((_B, 128), lambda i: (i, 0)),
          pl.BlockSpec((_B, 128), lambda i: (i, 0)),
          pl.BlockSpec((_B, 128), lambda i: (i, 0)),
          pl.BlockSpec((_B, 1), lambda i: (i, 0)),
          pl.BlockSpec((1, 128), lambda i: (0, 0)),
      ],
      out_specs=[pl.BlockSpec((_B, 128), lambda i: (i, 0)),
                 pl.BlockSpec((2, 128), lambda i: (0, 0))],
      out_shape=[jax.ShapeDtypeStruct((_N, 128), jnp.float32),
                 jax.ShapeDtypeStruct((2, 128), jnp.float32)],
  )(agg_a, agg_b, hs1, dinv, b1.reshape(1, 128))


def _bn_apply(pre, st, g, be):
  mu = st[0:1, :] / _N
  var = st[1:2, :] / _N - mu * mu
  xh = (pre - mu) * lax.rsqrt(var + 1e-5) * g + be
  return jnp.where(xh >= 0, xh, 0.01 * xh)


def _tc_conv2_in(pre1, st1, g1, be1, W2, dinv):
  def body(pre_r, st_r, g_r, be_r, w2_r, dv_r, ha_r, hb_r):
    d1 = _bn_apply(pre_r[...], st_r[...], g_r[...], be_r[...])
    h2 = jnp.dot(d1, w2_r[...], preferred_element_type=jnp.float32)
    hs2 = h2 * dv_r[...]
    ha_r[...] = hs2[:, :128]
    hb_r[...] = hs2[:, 128:]

  return pl.pallas_call(
      body,
      grid=(_N // _B,),
      in_specs=[
          pl.BlockSpec((_B, 128), lambda i: (i, 0)),
          pl.BlockSpec((2, 128), lambda i: (0, 0)),
          pl.BlockSpec((1, 128), lambda i: (0, 0)),
          pl.BlockSpec((1, 128), lambda i: (0, 0)),
          pl.BlockSpec((128, 256), lambda i: (0, 0)),
          pl.BlockSpec((_B, 1), lambda i: (i, 0)),
      ],
      out_specs=[pl.BlockSpec((_B, 128), lambda i: (i, 0)),
                 pl.BlockSpec((_B, 128), lambda i: (i, 0))],
      out_shape=[jax.ShapeDtypeStruct((_N, 128), jnp.float32),
                 jax.ShapeDtypeStruct((_N, 128), jnp.float32)],
  )(pre1, st1, g1.reshape(1, 128), be1.reshape(1, 128), W2, dinv)


def _tc_pre2(agg_a, agg_b, hs2a, hs2b, dinv, b2):
  def body(aa, ab, ha, hb, dv, b2_r, pre_r, st_r):
    pa = (aa[...] + ha[...]) * dv[...]
    pb = (ab[...] + hb[...]) * dv[...]
    pre = jnp.concatenate([pa, pb], axis=1) + b2_r[...]
    pre_r[...] = pre

    @pl.when(pl.program_id(0) == 0)
    def _():
      st_r[...] = jnp.zeros_like(st_r)
    st_r[0:1, :] += jnp.sum(pre, axis=0, keepdims=True)
    st_r[1:2, :] += jnp.sum(pre * pre, axis=0, keepdims=True)

  return pl.pallas_call(
      body,
      grid=(_N // _B,),
      in_specs=[
          pl.BlockSpec((_B, 128), lambda i: (i, 0)),
          pl.BlockSpec((_B, 128), lambda i: (i, 0)),
          pl.BlockSpec((_B, 128), lambda i: (i, 0)),
          pl.BlockSpec((_B, 128), lambda i: (i, 0)),
          pl.BlockSpec((_B, 1), lambda i: (i, 0)),
          pl.BlockSpec((1, 256), lambda i: (0, 0)),
      ],
      out_specs=[pl.BlockSpec((_B, 256), lambda i: (i, 0)),
                 pl.BlockSpec((2, 256), lambda i: (0, 0))],
      out_shape=[jax.ShapeDtypeStruct((_N, 256), jnp.float32),
                 jax.ShapeDtypeStruct((2, 256), jnp.float32)],
  )(agg_a, agg_b, hs2a, hs2b, dinv, b2.reshape(1, 256))


def _tc_gate(pre2, st2, g2, be2, Wg, bg, batch2d):
  def body(pre_r, st_r, g_r, be_r, wg_r, bg_r, bt_r, d2_r, gate_r, m_r):
    d2 = _bn_apply(pre_r[...], st_r[...], g_r[...], be_r[...])
    d2_r[...] = d2
    gate = jnp.dot(d2, wg_r[...], preferred_element_type=jnp.float32) + bg_r[...]
    gate_r[...] = gate
    oh = bt_r[...] == lax.broadcasted_iota(jnp.int32, (1, _G), 1)
    part = jnp.max(jnp.where(oh, gate, -3e38), axis=0, keepdims=True)

    @pl.when(pl.program_id(0) == 0)
    def _():
      m_r[...] = jnp.full_like(m_r, -3e38)
    m_r[...] = jnp.maximum(m_r[...], part)

  return pl.pallas_call(
      body,
      grid=(_N // _B,),
      in_specs=[
          pl.BlockSpec((_B, 256), lambda i: (i, 0)),
          pl.BlockSpec((2, 256), lambda i: (0, 0)),
          pl.BlockSpec((1, 256), lambda i: (0, 0)),
          pl.BlockSpec((1, 256), lambda i: (0, 0)),
          pl.BlockSpec((256, 1), lambda i: (0, 0)),
          pl.BlockSpec((1, 1), lambda i: (0, 0)),
          pl.BlockSpec((_B, 1), lambda i: (i, 0)),
      ],
      out_specs=[pl.BlockSpec((_B, 256), lambda i: (i, 0)),
                 pl.BlockSpec((_B, 1), lambda i: (i, 0)),
                 pl.BlockSpec((1, _G), lambda i: (0, 0))],
      out_shape=[jax.ShapeDtypeStruct((_N, 256), jnp.float32),
                 jax.ShapeDtypeStruct((_N, 1), jnp.float32),
                 jax.ShapeDtypeStruct((1, _G), jnp.float32)],
  )(pre2, st2, g2.reshape(1, 256), be2.reshape(1, 256), Wg,
    bg.reshape(1, 1), batch2d)


def _tc_pool(d2, gate, m, batch2d):
  def body(d2_r, gate_r, m_r, bt_r, num_r, den_r):
    oh = (bt_r[...] == lax.broadcasted_iota(jnp.int32, (1, _G), 1)
          ).astype(jnp.float32)
    mnode = jnp.sum(oh * m_r[...], axis=1, keepdims=True)
    a = jnp.exp(gate_r[...] - mnode)

    @pl.when(pl.program_id(0) == 0)
    def _():
      num_r[...] = jnp.zeros_like(num_r)
      den_r[...] = jnp.zeros_like(den_r)
    num_r[...] += lax.dot_general(oh, a * d2_r[...],
                                  (((0,), (0,)), ((), ())),
                                  preferred_element_type=jnp.float32)
    den_r[...] += jnp.sum(oh * a, axis=0, keepdims=True)

  return pl.pallas_call(
      body,
      grid=(_N // _B,),
      in_specs=[
          pl.BlockSpec((_B, 256), lambda i: (i, 0)),
          pl.BlockSpec((_B, 1), lambda i: (i, 0)),
          pl.BlockSpec((1, _G), lambda i: (0, 0)),
          pl.BlockSpec((_B, 1), lambda i: (i, 0)),
      ],
      out_specs=[pl.BlockSpec((_G, 256), lambda i: (0, 0)),
                 pl.BlockSpec((1, _G), lambda i: (0, 0))],
      out_shape=[jax.ShapeDtypeStruct((_G, 256), jnp.float32),
                 jax.ShapeDtypeStruct((1, _G), jnp.float32)],
  )(d2, gate, m, batch2d)


def _tc_final(num, den):
  def body(num_r, den_r, out_r):
    recip = 1.0 / (den_r[...] + 1e-16)
    ii = lax.broadcasted_iota(jnp.int32, (_G, _G), 0)
    jj = lax.broadcasted_iota(jnp.int32, (_G, _G), 1)
    dmat = jnp.where(ii == jj, recip, 0.0)
    out_r[...] = jnp.dot(dmat, num_r[...], preferred_element_type=jnp.float32)

  return pl.pallas_call(
      body,
      out_shape=jax.ShapeDtypeStruct((_G, 256), jnp.float32),
  )(num, den)


def kernel(x, edge_index, batch, W_nf, b_nf, W1, b1, g1, be1,
           W2, b2, g2, be2, Wg, bg):
  src = edge_index[0]
  dst = edge_index[1]
  cnt = _sc_degree(dst)
  hs1, dinv = _tc_head(x, W_nf, b_nf, W1, cnt)
  agg1a, agg1b = _sc_edge_agg(hs1, hs1, src, dst, split_edges=True)
  pre1, st1 = _tc_pre1(agg1a, agg1b, hs1, dinv, b1)
  hs2a, hs2b = _tc_conv2_in(pre1, st1, g1, be1, W2, dinv)
  agg2a, agg2b = _sc_edge_agg(hs2a, hs2b, src, dst, split_edges=False)
  pre2, st2 = _tc_pre2(agg2a, agg2b, hs2a, hs2b, dinv, b2)
  d2, gate, m = _tc_gate(pre2, st2, g2, be2, Wg, bg, batch.reshape(_N, 1))
  num, den = _tc_pool(d2, gate, m, batch.reshape(_N, 1))
  return _tc_final(num, den)

# --- scband reference (transcript-rebuilt; emitter-appended) ---
"""Pipeline reference for scband-graph-position-node-embeddings-60971355734505 (READ-ONLY COPY).

The authoritative reference and input builder live on the scoring server;
editing this copy changes nothing except your own understanding.
"""

import jax, jax.numpy as jnp
import numpy as np

N = 10000
E = 160000
DIN = 256   # num_shapes + num_edge_features
DNF = 256   # num_node_features
H = 128     # embedding_size // 2
D = 256     # embedding_size
G = 64      # number of graphs in batch


def setup_inputs(seed: int = 0) -> dict:
    key = jax.random.key(seed)
    ks = jax.random.split(key, 20)
    s = 0.05
    inp = {}
    inp['x'] = jax.random.normal(ks[0], (N, DIN), dtype=jnp.float32)
    inp['edge_index'] = jax.random.randint(ks[1], (2, E), 0, N, dtype=jnp.int32)
    inp['batch'] = jnp.sort(jax.random.randint(ks[2], (N,), 0, G, dtype=jnp.int32))
    # emb_node_features: Linear(DIN -> DNF)
    inp['W_nf'] = jax.random.normal(ks[3], (DIN, DNF), dtype=jnp.float32) * s
    inp['b_nf'] = jax.random.normal(ks[4], (DNF,), dtype=jnp.float32) * s
    # GCNConv 1: DNF -> H
    inp['W1'] = jax.random.normal(ks[5], (DNF, H), dtype=jnp.float32) * s
    inp['b1'] = jax.random.normal(ks[6], (H,), dtype=jnp.float32) * s
    inp['g1'] = jnp.ones((H,), dtype=jnp.float32)
    inp['be1'] = jnp.zeros((H,), dtype=jnp.float32)
    # GCNConv 2: H -> D
    inp['W2'] = jax.random.normal(ks[7], (H, D), dtype=jnp.float32) * s
    inp['b2'] = jax.random.normal(ks[8], (D,), dtype=jnp.float32) * s
    inp['g2'] = jnp.ones((D,), dtype=jnp.float32)
    inp['be2'] = jnp.zeros((D,), dtype=jnp.float32)
    # gate_nn: Linear(D -> 1)
    inp['Wg'] = jax.random.normal(ks[9], (D, 1), dtype=jnp.float32) * s
    inp['bg'] = jax.random.normal(ks[10], (1,), dtype=jnp.float32) * s
    return inp


def _gcn_conv(x, W, b, src, dst, n):
    # PyG GCNConv: add self-loops, symmetric deg^{-1/2} normalization
    loop = jnp.arange(n, dtype=src.dtype)
    src2 = jnp.concatenate([src, loop])
    dst2 = jnp.concatenate([dst, loop])
    deg = jax.ops.segment_sum(jnp.ones_like(dst2, dtype=jnp.float32), dst2, num_segments=n)
    dinv = jnp.where(deg > 0, jax.lax.rsqrt(deg), 0.0)
    norm = dinv[src2] * dinv[dst2]
    h = x @ W
    msg = h[src2] * norm[:, None]
    out = jax.ops.segment_sum(msg, dst2, num_segments=n)
    return out + b


def _bn_train(x, gamma, beta, eps=1e-5):
    mu = jnp.mean(x, axis=0)
    var = jnp.mean((x - mu) ** 2, axis=0)
    return (x - mu) * jax.lax.rsqrt(var + eps) * gamma + beta


def _leaky(x, slope=0.01):
    return jnp.where(x >= 0, x, slope * x)


def reference(x, edge_index, batch, W_nf, b_nf, W1, b1, g1, be1, W2, b2, g2, be2, Wg, bg):
    n = x.shape[0]
    src, dst = edge_index[0], edge_index[1]
    nf = x @ W_nf + b_nf
    d1 = _gcn_conv(nf, W1, b1, src, dst, n)
    d1 = _leaky(_bn_train(d1, g1, be1))
    d2 = _gcn_conv(d1, W2, b2, src, dst, n)
    d2 = _leaky(_bn_train(d2, g2, be2))
    # AttentionalAggregation: softmax(gate_nn(d2)) per graph, weighted sum
    gate = d2 @ Wg + bg  # [N, 1]
    m = jax.ops.segment_max(gate, batch, num_segments=G)
    m = jax.lax.stop_gradient(m)
    a = jnp.exp(gate - m[batch])
    den = jax.ops.segment_sum(a, batch, num_segments=G)
    alpha = a / (den[batch] + 1e-16)
    out = jax.ops.segment_sum(alpha * d2, batch, num_segments=G)
    return out

if __name__ == "__main__":
    import jax
    _d = setup_inputs()
    print(jax.jit(kernel)(*tuple(_d.values())))

</pallas_src>

<mosaic_0001>
#map = affine_map<(d0, d1) -> (0)>
#map1 = affine_map<(d0, d1) -> (0, 0, 0)>
module attributes {stable_mosaic.version = 14 : i64} {
  func.func @deg_kernel(%arg0: i32, %arg1: i32, %arg2: memref<160000xi32, #tpu.memory_space<hbm>>, %arg3: memref<2x10240x16xf32, #tpu.memory_space<hbm>>, %arg4: memref<128x16xf32, #tpu.memory_space<vmem>>, %arg5: memref<128xi32, #tpu.memory_space<vmem>>, %arg6: memref<10240x16xf32, #tpu.memory_space<vmem_shared>>) attributes {dimension_semantics = [#tpu.dimension_semantics<core_parallel>, #tpu.dimension_semantics<subcore_parallel>], iteration_bounds = array<i64: 2, 16>, scalar_prefetch = 0 : i64, scratch_operands = 3 : i64, tpu.core_type = #tpu.core_type<sc_vector_subcore>, window_params = [{transform_indices = #map}, {transform_indices = #map1}]} {
    %mul3A = arith.constant 2 : i32
    %mul3A_0 = arith.muli %arg1, %mul3A : i32
    %add3A = arith.addi %mul3A_0, %arg0 : i32
    %scan3A = arith.constant 0 : i32
    %scan3A_1 = arith.constant 128 : i32
    %scan3A_2 = arith.addi %scan3A, %scan3A_1 : i32
    %scan3A_3 = arith.constant 1 : i32
    scf.for %scan3A_45 = %scan3A to %scan3A_2 step %scan3A_3  : i32 {
      %broadcast_in_dim3A = arith.constant 0.000000e+00 : f32
      %broadcast_in_dim3A_46 = vector.broadcast %broadcast_in_dim3A : f32 to vector<16xf32>
      %swap3A = arith.index_cast %scan3A_45 : i32 to index
      %swap3A_47 = arith.constant 0 : index
      %swap3A_48 = tpu.vector_load %arg4[%swap3A, %swap3A_47] {strides = array<i32>} : memref<128x16xf32, #tpu.memory_space<vmem>>, vector<1x16xf32>,
      %swap3A_49 = vector.shape_cast %swap3A_48 : vector<1x16xf32> to vector<16xf32>
      %swap3A_50 = vector.shape_cast %broadcast_in_dim3A_46 : vector<16xf32> to vector<1x16xf32>
      tpu.vector_store %arg4[%swap3A, %swap3A_47], %swap3A_50 {strides = array<i32>} : memref<128x16xf32, #tpu.memory_space<vmem>>, vector<1x16xf32>,
    }
    %scan3A_4 = arith.constant 128 : i32
    %mul3A_5 = arith.constant 640 : i32
    %mul3A_6 = arith.muli %arg1, %mul3A_5 : i32
    %add3A_7 = arith.constant 0 : i32
    %add3A_8 = arith.addi %mul3A_6, %add3A_7 : i32
    "tpu.region"() ({
      %run_scoped3A = tpu.sem_alloc : memref<!tpu.dma_semaphore, #tpu.memory_space<semaphore_mem>>
      %dma_start3A = arith.constant 0 : i32
      %dma_start3A_45 = tpu.memref_slice %arg6[%add3A_8, %dma_start3A] : memref<10240x16xf32, #tpu.memory_space<vmem_shared>> -> memref<128x16xf32, #tpu.memory_space<vmem_shared>>
      %dma_start3A_46 = arith.constant 0 : i32
      %dma_start3A_47 = tpu.memref_slice %arg6[%add3A_8, %dma_start3A_46] : memref<10240x16xf32, #tpu.memory_space<vmem_shared>> -> memref<128x16xf32, #tpu.memory_space<vmem_shared>>
      tpu.enqueue_dma source(%arg4 : memref<128x16xf32, #tpu.memory_space<vmem>>) target(%dma_start3A_47 : memref<128x16xf32, #tpu.memory_space<vmem_shared>>) target_semaphore(%run_scoped3A : memref<!tpu.dma_semaphore, #tpu.memory_space<semaphore_mem>>)
      %dma_wait3A = arith.constant 0 : i32
      %dma_wait3A_48 = tpu.memref_slice %arg6[%add3A_8, %dma_wait3A] : memref<10240x16xf32, #tpu.memory_space<vmem_shared>> -> memref<128x16xf32, #tpu.memory_space<vmem_shared>>
      %dma_wait3A_49 = arith.constant 0 : i32
      %dma_wait3A_50 = tpu.memref_slice %arg6[%add3A_8, %dma_wait3A_49] : memref<10240x16xf32, #tpu.memory_space<vmem_shared>> -> memref<128x16xf32, #tpu.memory_space<vmem_shared>>
      tpu.wait_dma2 semaphore(%run_scoped3A : memref<!tpu.dma_semaphore, #tpu.memory_space<semaphore_mem>>) src(%arg4 : memref<128x16xf32, #tpu.memory_space<vmem>>) dst(%dma_wait3A_50 : memref<128x16xf32, #tpu.memory_space<vmem_shared>>)
      tpu.yield
    }) : () -> ()
    %mul3A_9 = arith.constant 640 : i32
    %mul3A_10 = arith.muli %arg1, %mul3A_9 : i32
    %add3A_11 = arith.constant 128 : i32
    %add3A_12 = arith.addi %mul3A_10, %add3A_11 : i32
    "tpu.region"() ({
      %run_scoped3A = tpu.sem_alloc : memref<!tpu.dma_semaphore, #tpu.memory_space<semaphore_mem>>
      %dma_start3A = arith.constant 0 : i32
      %dma_start3A_45 = tpu.memref_slice %arg6[%add3A_12, %dma_start3A] : memref<10240x16xf32, #tpu.memory_space<vmem_shared>> -> memref<128x16xf32, #tpu.memory_space<vmem_shared>>
      %dma_start3A_46 = arith.constant 0 : i32
      %dma_start3A_47 = tpu.memref_slice %arg6[%add3A_12, %dma_start3A_46] : memref<10240x16xf32, #tpu.memory_space<vmem_shared>> -> memref<128x16xf32, #tpu.memory_space<vmem_shared>>
      tpu.enqueue_dma source(%arg4 : memref<128x16xf32, #tpu.memory_space<vmem>>) target(%dma_start3A_47 : memref<128x16xf32, #tpu.memory_space<vmem_shared>>) target_semaphore(%run_scoped3A : memref<!tpu.dma_semaphore, #tpu.memory_space<semaphore_mem>>)
      %dma_wait3A = arith.constant 0 : i32
      %dma_wait3A_48 = tpu.memref_slice %arg6[%add3A_12, %dma_wait3A] : memref<10240x16xf32, #tpu.memory_space<vmem_shared>> -> memref<128x16xf32, #tpu.memory_space<vmem_shared>>
      %dma_wait3A_49 = arith.constant 0 : i32
      %dma_wait3A_50 = tpu.memref_slice %arg6[%add3A_12, %dma_wait3A_49] : memref<10240x16xf32, #tpu.memory_space<vmem_shared>> -> memref<128x16xf32, #tpu.memory_space<vmem_shared>>
      tpu.wait_dma2 semaphore(%run_scoped3A : memref<!tpu.dma_semaphore, #tpu.memory_space<semaphore_mem>>) src(%arg4 : memref<128x16xf32, #tpu.memory_space<vmem>>) dst(%dma_wait3A_50 : memref<128x16xf32, #tpu.memory_space<vmem_shared>>)
      tpu.yield
    }) : () -> ()
    %mul3A_13 = arith.constant 640 : i32
    %mul3A_14 = arith.muli %arg1, %mul3A_13 : i32
    %add3A_15 = arith.constant 256 : i32
    %add3A_16 = arith.addi %mul3A_14, %add3A_15 : i32
    "tpu.region"() ({
      %run_scoped3A = tpu.sem_alloc : memref<!tpu.dma_semaphore, #tpu.memory_space<semaphore_mem>>
      %dma_start3A = arith.constant 0 : i32
      %dma_start3A_45 = tpu.memref_slice %arg6[%add3A_16, %dma_start3A] : memref<10240x16xf32, #tpu.memory_space<vmem_shared>> -> memref<128x16xf32, #tpu.memory_space<vmem_shared>>
      %dma_start3A_46 = arith.constant 0 : i32
      %dma_start3A_47 = tpu.memref_slice %arg6[%add3A_16, %dma_start3A_46] : memref<10240x16xf32, #tpu.memory_space<vmem_shared>> -> memref<128x16xf32, #tpu.memory_space<vmem_shared>>
      tpu.enqueue_dma source(%arg4 : memref<128x16xf32, #tpu.memory_space<vmem>>) target(%dma_start3A_47 : memref<128x16xf32, #tpu.memory_space<vmem_shared>>) target_semaphore(%run_scoped3A : memref<!tpu.dma_semaphore, #tpu.memory_space<semaphore_mem>>)
      %dma_wait3A = arith.constant 0 : i32
      %dma_wait3A_48 = tpu.memref_slice %arg6[%add3A_16, %dma_wait3A] : memref<10240x16xf32, #tpu.memory_space<vmem_shared>> -> memref<128x16xf32, #tpu.memory_space<vmem_shared>>
      %dma_wait3A_49 = arith.constant 0 : i32
      %dma_wait3A_50 = tpu.memref_slice %arg6[%add3A_16, %dma_wait3A_49] : memref<10240x16xf32, #tpu.memory_space<vmem_shared>> -> memref<128x16xf32, #tpu.memory_space<vmem_shared>>
      tpu.wait_dma2 semaphore(%run_scoped3A : memref<!tpu.dma_semaphore, #tpu.memory_space<semaphore_mem>>) src(%arg4 : memref<128x16xf32, #tpu.memory_space<vmem>>) dst(%dma_wait3A_50 : memref<128x16xf32, #tpu.memory_space<vmem_shared>>)
      tpu.yield
    }) : () -> ()
    %mul3A_17 = arith.constant 640 : i32
    %mul3A_18 = arith.muli %arg1, %mul3A_17 : i32
    %add3A_19 = arith.constant 384 : i32
    %add3A_20 = arith.addi %mul3A_18, %add3A_19 : i32
    "tpu.region"() ({
      %run_scoped3A = tpu.sem_alloc : memref<!tpu.dma_semaphore, #tpu.memory_space<semaphore_mem>>
      %dma_start3A = arith.constant 0 : i32
      %dma_start3A_45 = tpu.memref_slice %arg6[%add3A_20, %dma_start3A] : memref<10240x16xf32, #tpu.memory_space<vmem_shared>> -> memref<128x16xf32, #tpu.memory_space<vmem_shared>>
      %dma_start3A_46 = arith.constant 0 : i32
      %dma_start3A_47 = tpu.memref_slice %arg6[%add3A_20, %dma_start3A_46] : memref<10240x16xf32, #tpu.memory_space<vmem_shared>> -> memref<128x16xf32, #tpu.memory_space<vmem_shared>>
      tpu.enqueue_dma source(%arg4 : memref<128x16xf32, #tpu.memory_space<vmem>>) target(%dma_start3A_47 : memref<128x16xf32, #tpu.memory_space<vmem_shared>>) target_semaphore(%run_scoped3A : memref<!tpu.dma_semaphore, #tpu.memory_space<semaphore_mem>>)
      %dma_wait3A = arith.constant 0 : i32
      %dma_wait3A_48 = tpu.memref_slice %arg6[%add3A_20, %dma_wait3A] : memref<10240x16xf32, #tpu.memory_space<vmem_shared>> -> memref<128x16xf32, #tpu.memory_space<vmem_shared>>
      %dma_wait3A_49 = arith.constant 0 : i32
      %dma_wait3A_50 = tpu.memref_slice %arg6[%add3A_20, %dma_wait3A_49] : memref<10240x16xf32, #tpu.memory_space<vmem_shared>> -> memref<128x16xf32, #tpu.memory_space<vmem_shared>>
      tpu.wait_dma2 semaphore(%run_scoped3A : memref<!tpu.dma_semaphore, #tpu.memory_space<semaphore_mem>>) src(%arg4 : memref<128x16xf32, #tpu.memory_space<vmem>>) dst(%dma_wait3A_50 : memref<128x16xf32, #tpu.memory_space<vmem_shared>>)
      tpu.yield
    }) : () -> ()
    %mul3A_21 = arith.constant 640 : i32
    %mul3A_22 = arith.muli %arg1, %mul3A_21 : i32
    %add3A_23 = arith.constant 512 : i32
    %add3A_24 = arith.addi %mul3A_22, %add3A_23 : i32
    "tpu.region"() ({
      %run_scoped3A = tpu.sem_alloc : memref<!tpu.dma_semaphore, #tpu.memory_space<semaphore_mem>>
      %dma_start3A = arith.constant 0 : i32
      %dma_start3A_45 = tpu.memref_slice %arg6[%add3A_24, %dma_start3A] : memref<10240x16xf32, #tpu.memory_space<vmem_shared>> -> memref<128x16xf32, #tpu.memory_space<vmem_shared>>
      %dma_start3A_46 = arith.constant 0 : i32
      %dma_start3A_47 = tpu.memref_slice %arg6[%add3A_24, %dma_start3A_46] : memref<10240x16xf32, #tpu.memory_space<vmem_shared>> -> memref<128x16xf32, #tpu.memory_space<vmem_shared>>
      tpu.enqueue_dma source(%arg4 : memref<128x16xf32, #tpu.memory_space<vmem>>) target(%dma_start3A_47 : memref<128x16xf32, #tpu.memory_space<vmem_shared>>) target_semaphore(%run_scoped3A : memref<!tpu.dma_semaphore, #tpu.memory_space<semaphore_mem>>)
      %dma_wait3A = arith.constant 0 : i32
      %dma_wait3A_48 = tpu.memref_slice %arg6[%add3A_24, %dma_wait3A] : memref<10240x16xf32, #tpu.memory_space<vmem_shared>> -> memref<128x16xf32, #tpu.memory_space<vmem_shared>>
      %dma_wait3A_49 = arith.constant 0 : i32
      %dma_wait3A_50 = tpu.memref_slice %arg6[%add3A_24, %dma_wait3A_49] : memref<10240x16xf32, #tpu.memory_space<vmem_shared>> -> memref<128x16xf32, #tpu.memory_space<vmem_shared>>
      tpu.wait_dma2 semaphore(%run_scoped3A : memref<!tpu.dma_semaphore, #tpu.memory_space<semaphore_mem>>) src(%arg4 : memref<128x16xf32, #tpu.memory_space<vmem>>) dst(%dma_wait3A_50 : memref<128x16xf32, #tpu.memory_space<vmem_shared>>)
      tpu.yield
    }) : () -> ()
    %barrier3A = arith.constant 0 : index
    tpu.barrier barrier_id(%barrier3A)
    %scan3A_25 = arith.constant 0 : i32
    %scan3A_26 = arith.constant 128 : i32
    %scan3A_27 = arith.addi %scan3A_25, %scan3A_26 : i32
    %scan3A_28 = arith.constant 1 : i32
    scf.for %scan3A_45 = %scan3A_25 to %scan3A_27 step %scan3A_28  : i32 {
      %broadcast_in_dim3A = arith.constant 1.000000e+00 : f32
      %broadcast_in_dim3A_46 = vector.broadcast %broadcast_in_dim3A : f32 to vector<16xf32>
      %swap3A = arith.index_cast %scan3A_45 : i32 to index
      %swap3A_47 = arith.constant 0 : index
      %swap3A_48 = tpu.vector_load %arg4[%swap3A, %swap3A_47] {strides = array<i32>} : memref<128x16xf32, #tpu.memory_space<vmem>>, vector<1x16xf32>,
      %swap3A_49 = vector.shape_cast %swap3A_48 : vector<1x16xf32> to vector<16xf32>
      %swap3A_50 = vector.shape_cast %broadcast_in_dim3A_46 : vector<16xf32> to vector<1x16xf32>
      tpu.vector_store %arg4[%swap3A, %swap3A_47], %swap3A_50 {strides = array<i32>} : memref<128x16xf32, #tpu.memory_space<vmem>>, vector<1x16xf32>,
    }
    %scan3A_29 = arith.constant 128 : i32
    %eq3A = arith.constant 31 : i32
    %eq3A_30 = arith.cmpi eq, %add3A, %eq3A : i32
    %jit3A = arith.constant 10 : i32
    %jit3A_31 = arith.constant 40 : i32
    %select_n3A = arith.select %eq3A_30, %jit3A, %jit3A_31 : i32
    %mul3A_32 = arith.constant 5120 : i32
    %mul3A_33 = arith.muli %add3A, %mul3A_32 : i32
    %while3A = arith.constant 0 : i32
    %while3A_34 = arith.subi %select_n3A, %while3A : i32
    %while3A_35 = arith.addi %while3A, %while3A_34 : i32
    %while3A_36 = arith.constant 1 : i32
    %while3A_37 = arith.divsi %while3A_34, %while3A_36 : i32
    %while3A_38 = arith.muli %while3A_37, %while3A_36 : i32
    %while3A_39 = arith.addi %while3A, %while3A_38 : i32
    %while3A_40 = arith.constant 1 : i32
    scf.for %while3A_45 = %while3A to %while3A_39 step %while3A_40  : i32 {
      %mul3A_46 = arith.constant 128 : i32
      %mul3A_47 = arith.muli %while3A_45, %mul3A_46 : i32
      %add3A_48 = arith.addi %mul3A_33, %mul3A_47 : i32
      "tpu.region"() ({
        %run_scoped3A = tpu.sem_alloc : memref<!tpu.dma_semaphore, #tpu.memory_space<semaphore_mem>>
        %dma_start3A = tpu.memref_slice %arg2[%add3A_48] : memref<160000xi32, #tpu.memory_space<hbm>> -> memref<128xi32, #tpu.memory_space<hbm>>
        %dma_start3A_49 = tpu.memref_slice %arg2[%add3A_48] : memref<160000xi32, #tpu.memory_space<hbm>> -> memref<128xi32, #tpu.memory_space<hbm>>
        tpu.enqueue_dma source(%dma_start3A_49 : memref<128xi32, #tpu.memory_space<hbm>>) target(%arg5 : memref<128xi32, #tpu.memory_space<vmem>>) target_semaphore(%run_scoped3A : memref<!tpu.dma_semaphore, #tpu.memory_space<semaphore_mem>>)
        %dma_wait3A = tpu.memref_slice %arg2[%add3A_48] : memref<160000xi32, #tpu.memory_space<hbm>> -> memref<128xi32, #tpu.memory_space<hbm>>
        %dma_wait3A_50 = tpu.memref_slice %arg2[%add3A_48] : memref<160000xi32, #tpu.memory_space<hbm>> -> memref<128xi32, #tpu.memory_space<hbm>>
        tpu.wait_dma2 semaphore(%run_scoped3A : memref<!tpu.dma_semaphore, #tpu.memory_space<semaphore_mem>>) src(%dma_wait3A_50 : memref<128xi32, #tpu.memory_space<hbm>>) dst(%arg5 : memref<128xi32, #tpu.memory_space<vmem>>)
        tpu.yield
      }) : () -> ()
      "tpu.region"() ({
        %run_scoped3A = tpu.sem_alloc : memref<!tpu.dma_semaphore, #tpu.memory_space<semaphore_mem>>
        %dma_start3A = arith.constant 0 : i32
        %dma_start3A_49 = arith.constant 0 : i32
        %dma_start3A_50 = tpu.memref_slice %arg6[%dma_start3A, %dma_start3A_49] : memref<10240x16xf32, #tpu.memory_space<vmem_shared>> -> memref<10240x16xf32, #tpu.memory_space<vmem_shared>>
        tpu.enqueue_indirect_dma source(%arg4 : memref<128x16xf32, #tpu.memory_space<vmem>>) target(%dma_start3A_50 : memref<10240x16xf32, #tpu.memory_space<vmem_shared>>) offsets(%arg5 : memref<128xi32, #tpu.memory_space<vmem>>) semaphore(%run_scoped3A : memref<!tpu.dma_semaphore, #tpu.memory_space<semaphore_mem>>) {add = true}
        %dma_wait3A = arith.constant 0 : i32
        %dma_wait3A_51 = arith.constant 0 : i32
        %dma_wait3A_52 = tpu.memref_slice %arg6[%dma_wait3A, %dma_wait3A_51] : memref<10240x16xf32, #tpu.memory_space<vmem_shared>> -> memref<10240x16xf32, #tpu.memory_space<vmem_shared>>
        tpu.wait_indirect_dma semaphore(%run_scoped3A : memref<!tpu.dma_semaphore, #tpu.memory_space<semaphore_mem>>) src(%arg4 : memref<128x16xf32, #tpu.memory_space<vmem>>) dst(%dma_wait3A_52 : memref<10240x16xf32, #tpu.memory_space<vmem_shared>>)
        tpu.yield
      }) : () -> ()
    }
    %while3A_41 = arith.constant 1 : i32
    scf.for %while3A_45 = %while3A_39 to %while3A_35 step %while3A_41  : i32 {
      %mul3A_46 = arith.constant 128 : i32
      %mul3A_47 = arith.muli %while3A_45, %mul3A_46 : i32
      %add3A_48 = arith.addi %mul3A_33, %mul3A_47 : i32
      "tpu.region"() ({
        %run_scoped3A = tpu.sem_alloc : memref<!tpu.dma_semaphore, #tpu.memory_space<semaphore_mem>>
        %dma_start3A = tpu.memref_slice %arg2[%add3A_48] : memref<160000xi32, #tpu.memory_space<hbm>> -> memref<128xi32, #tpu.memory_space<hbm>>
        %dma_start3A_49 = tpu.memref_slice %arg2[%add3A_48] : memref<160000xi32, #tpu.memory_space<hbm>> -> memref<128xi32, #tpu.memory_space<hbm>>
        tpu.enqueue_dma source(%dma_start3A_49 : memref<128xi32, #tpu.memory_space<hbm>>) target(%arg5 : memref<128xi32, #tpu.memory_space<vmem>>) target_semaphore(%run_scoped3A : memref<!tpu.dma_semaphore, #tpu.memory_space<semaphore_mem>>)
        %dma_wait3A = tpu.memref_slice %arg2[%add3A_48] : memref<160000xi32, #tpu.memory_space<hbm>> -> memref<128xi32, #tpu.memory_space<hbm>>
        %dma_wait3A_50 = tpu.memref_slice %arg2[%add3A_48] : memref<160000xi32, #tpu.memory_space<hbm>> -> memref<128xi32, #tpu.memory_space<hbm>>
        tpu.wait_dma2 semaphore(%run_scoped3A : memref<!tpu.dma_semaphore, #tpu.memory_space<semaphore_mem>>) src(%dma_wait3A_50 : memref<128xi32, #tpu.memory_space<hbm>>) dst(%arg5 : memref<128xi32, #tpu.memory_space<vmem>>)
        tpu.yield
      }) : () -> ()
      "tpu.region"() ({
        %run_scoped3A = tpu.sem_alloc : memref<!tpu.dma_semaphore, #tpu.memory_space<semaphore_mem>>
        %dma_start3A = arith.constant 0 : i32
        %dma_start3A_49 = arith.constant 0 : i32
        %dma_start3A_50 = tpu.memref_slice %arg6[%dma_start3A, %dma_start3A_49] : memref<10240x16xf32, #tpu.memory_space<vmem_shared>> -> memref<10240x16xf32, #tpu.memory_space<vmem_shared>>
        tpu.enqueue_indirect_dma source(%arg4 : memref<128x16xf32, #tpu.memory_space<vmem>>) target(%dma_start3A_50 : memref<10240x16xf32, #tpu.memory_space<vmem_shared>>) offsets(%arg5 : memref<128xi32, #tpu.memory_space<vmem>>) semaphore(%run_scoped3A : memref<!tpu.dma_semaphore, #tpu.memory_space<semaphore_mem>>) {add = true}
        %dma_wait3A = arith.constant 0 : i32
        %dma_wait3A_51 = arith.constant 0 : i32
        %dma_wait3A_52 = tpu.memref_slice %arg6[%dma_wait3A, %dma_wait3A_51] : memref<10240x16xf32, #tpu.memory_space<vmem_shared>> -> memref<10240x16xf32, #tpu.memory_space<vmem_shared>>
        tpu.wait_indirect_dma semaphore(%run_scoped3A : memref<!tpu.dma_semaphore, #tpu.memory_space<semaphore_mem>>) src(%arg4 : memref<128x16xf32, #tpu.memory_space<vmem>>) dst(%dma_wait3A_52 : memref<10240x16xf32, #tpu.memory_space<vmem_shared>>)
        tpu.yield
      }) : () -> ()
    }
    %barrier3A_42 = arith.constant 0 : index
    tpu.barrier barrier_id(%barrier3A_42)
    %mul3A_43 = arith.constant 640 : i32
    %mul3A_44 = arith.muli %arg1, %mul3A_43 : i32
    "tpu.region"() ({
      %run_scoped3A = tpu.sem_alloc : memref<!tpu.dma_semaphore, #tpu.memory_space<semaphore_mem>>
      %dma_start3A = arith.constant 0 : i32
      %dma_start3A_45 = arith.constant 0 : i32
      %dma_start3A_46 = tpu.memref_slice %arg3[%arg0, %dma_start3A, %dma_start3A_45] : memref<2x10240x16xf32, #tpu.memory_space<hbm>> -> memref<1x10240x16xf32, #tpu.memory_space<hbm>>
      %dma_start3A_47 = tpu.memref_squeeze %dma_start3A_46 : memref<1x10240x16xf32, #tpu.memory_space<hbm>> -> memref<10240x16xf32, #tpu.memory_space<hbm>>
      %dma_start3A_48 = arith.constant 0 : i32
      %dma_start3A_49 = tpu.memref_slice %dma_start3A_47[%mul3A_44, %dma_start3A_48] : memref<10240x16xf32, #tpu.memory_space<hbm>> -> memref<640x16xf32, #tpu.memory_space<hbm>>
      %dma_start3A_50 = arith.constant 0 : i32
      %dma_start3A_51 = tpu.memref_slice %arg6[%mul3A_44, %dma_start3A_50] : memref<10240x16xf32, #tpu.memory_space<vmem_shared>> -> memref<640x16xf32, #tpu.memory_space<vmem_shared>>
      tpu.enqueue_dma source(%dma_start3A_51 : memref<640x16xf32, #tpu.memory_space<vmem_shared>>) target(%dma_start3A_49 : memref<640x16xf32, #tpu.memory_space<hbm>>) target_semaphore(%run_scoped3A : memref<!tpu.dma_semaphore, #tpu.memory_space<semaphore_mem>>)
      %dma_wait3A = arith.constant 0 : i32
      %dma_wait3A_52 = arith.constant 0 : i32
      %dma_wait3A_53 = tpu.memref_slice %arg3[%arg0, %dma_wait3A, %dma_wait3A_52] : memref<2x10240x16xf32, #tpu.memory_space<hbm>> -> memref<1x10240x16xf32, #tpu.memory_space<hbm>>
      %dma_wait3A_54 = tpu.memref_squeeze %dma_wait3A_53 : memref<1x10240x16xf32, #tpu.memory_space<hbm>> -> memref<10240x16xf32, #tpu.memory_space<hbm>>
      %dma_wait3A_55 = arith.constant 0 : i32
      %dma_wait3A_56 = tpu.memref_slice %dma_wait3A_54[%mul3A_44, %dma_wait3A_55] : memref<10240x16xf32, #tpu.memory_space<hbm>> -> memref<640x16xf32, #tpu.memory_space<hbm>>
      %dma_wait3A_57 = arith.constant 0 : i32
      %dma_wait3A_58 = tpu.memref_slice %arg6[%mul3A_44, %dma_wait3A_57] : memref<10240x16xf32, #tpu.memory_space<vmem_shared>> -> memref<640x16xf32, #tpu.memory_space<vmem_shared>>
      tpu.wait_dma2 semaphore(%run_scoped3A : memref<!tpu.dma_semaphore, #tpu.memory_space<semaphore_mem>>) src(%dma_wait3A_58 : memref<640x16xf32, #tpu.memory_space<vmem_shared>>) dst(%dma_wait3A_56 : memref<640x16xf32, #tpu.memory_space<hbm>>)
      tpu.yield
    }) : () -> ()
    return
  }
}

#map = affine_map<(d0, d1) -> (0, 0)>
#map1 = affine_map<(d0, d1) -> (0)>
module attributes {stable_mosaic.version = 14 : i64} {
  func.func @agg_kernel(%arg0: i32, %arg1: i32, %arg2: memref<10000x128xf32, #tpu.memory_space<hbm>>, %arg3: memref<10000x128xf32, #tpu.memory_space<hbm>>, %arg4: memref<160000xi32, #tpu.memory_space<hbm>>, %arg5: memref<160000xi32, #tpu.memory_space<hbm>>, %arg6: memref<10240x128xf32, #tpu.memory_space<hbm>>, %arg7: memref<10240x128xf32, #tpu.memory_space<hbm>>, %arg8: memref<128x128xf32, #tpu.memory_space<vmem>>, %arg9: memref<128xi32, #tpu.memory_space<vmem>>, %arg10: memref<128xi32, #tpu.memory_space<vmem>>, %arg11: memref<10240x128xf32, #tpu.memory_space<vmem_shared>>, %arg12: memref<!tpu.dma_semaphore, #tpu.memory_space<semaphore_mem>>) attributes {dimension_semantics = [#tpu.dimension_semantics<core_parallel>, #tpu.dimension_semantics<subcore_parallel>], iteration_bounds = array<i64: 2, 16>, scalar_prefetch = 0 : i64, scratch_operands = 5 : i64, tpu.core_type = #tpu.core_type<sc_vector_subcore>, window_params = [{transform_indices = #map}, {transform_indices = #map}, {transform_indices = #map1}, {transform_indices = #map1}, {transform_indices = #map}, {transform_indices = #map}]} {
    %scan3A = arith.constant 0 : i32
    %scan3A_0 = arith.constant 128 : i32
    %scan3A_1 = arith.addi %scan3A, %scan3A_0 : i32
    %scan3A_2 = arith.constant 1 : i32
    scf.for %scan3A_50 = %scan3A to %scan3A_1 step %scan3A_2  : i32 {
      %broadcast_in_dim3A = arith.constant 0.000000e+00 : f32
      %broadcast_in_dim3A_51 = vector.broadcast %broadcast_in_dim3A : f32 to vector<16xf32>
      %swap3A = arith.index_cast %scan3A_50 : i32 to index
      %swap3A_52 = arith.constant 0 : index
      %swap3A_53 = tpu.vector_load %arg8[%swap3A, %swap3A_52] {strides = array<i32>} : memref<128x128xf32, #tpu.memory_space<vmem>>, vector<1x16xf32>,
      %swap3A_54 = vector.shape_cast %swap3A_53 : vector<1x16xf32> to vector<16xf32>
      %swap3A_55 = vector.shape_cast %broadcast_in_dim3A_51 : vector<16xf32> to vector<1x16xf32>
      tpu.vector_store %arg8[%swap3A, %swap3A_52], %swap3A_55 {strides = array<i32>} : memref<128x128xf32, #tpu.memory_space<vmem>>, vector<1x16xf32>,
      %broadcast_in_dim3A_56 = arith.constant 0.000000e+00 : f32
      %broadcast_in_dim3A_57 = vector.broadcast %broadcast_in_dim3A_56 : f32 to vector<16xf32>
      %swap3A_58 = arith.index_cast %scan3A_50 : i32 to index
      %swap3A_59 = arith.constant 16 : index
      %swap3A_60 = tpu.vector_load %arg8[%swap3A_58, %swap3A_59] {strides = array<i32>} : memref<128x128xf32, #tpu.memory_space<vmem>>, vector<1x16xf32>,
      %swap3A_61 = vector.shape_cast %swap3A_60 : vector<1x16xf32> to vector<16xf32>
      %swap3A_62 = vector.shape_cast %broadcast_in_dim3A_57 : vector<16xf32> to vector<1x16xf32>
      tpu.vector_store %arg8[%swap3A_58, %swap3A_59], %swap3A_62 {strides = array<i32>} : memref<128x128xf32, #tpu.memory_space<vmem>>, vector<1x16xf32>,
      %broadcast_in_dim3A_63 = arith.constant 0.000000e+00 : f32
      %broadcast_in_dim3A_64 = vector.broadcast %broadcast_in_dim3A_63 : f32 to vector<16xf32>
      %swap3A_65 = arith.index_cast %scan3A_50 : i32 to index
      %swap3A_66 = arith.constant 32 : index
      %swap3A_67 = tpu.vector_load %arg8[%swap3A_65, %swap3A_66] {strides = array<i32>} : memref<128x128xf32, #tpu.memory_space<vmem>>, vector<1x16xf32>,
      %swap3A_68 = vector.shape_cast %swap3A_67 : vector<1x16xf32> to vector<16xf32>
      %swap3A_69 = vector.shape_cast %broadcast_in_dim3A_64 : vector<16xf32> to vector<1x16xf32>
      tpu.vector_store %arg8[%swap3A_65, %swap3A_66], %swap3A_69 {strides = array<i32>} : memref<128x128xf32, #tpu.memory_space<vmem>>, vector<1x16xf32>,
      %broadcast_in_dim3A_70 = arith.constant 0.000000e+00 : f32
      %broadcast_in_dim3A_71 = vector.broadcast %broadcast_in_dim3A_70 : f32 to vector<16xf32>
      %swap3A_72 = arith.index_cast %scan3A_50 : i32 to index
      %swap3A_73 = arith.constant 48 : index
      %swap3A_74 = tpu.vector_load %arg8[%swap3A_72, %swap3A_73] {strides = array<i32>} : memref<128x128xf32, #tpu.memory_space<vmem>>, vector<1x16xf32>,
      %swap3A_75 = vector.shape_cast %swap3A_74 : vector<1x16xf32> to vector<16xf32>
      %swap3A_76 = vector.shape_cast %broadcast_in_dim3A_71 : vector<16xf32> to vector<1x16xf32>
      tpu.vector_store %arg8[%swap3A_72, %swap3A_73], %swap3A_76 {strides = array<i32>} : memref<128x128xf32, #tpu.memory_space<vmem>>, vector<1x16xf32>,
      %broadcast_in_dim3A_77 = arith.constant 0.000000e+00 : f32
      %broadcast_in_dim3A_78 = vector.broadcast %broadcast_in_dim3A_77 : f32 to vector<16xf32>
      %swap3A_79 = arith.index_cast %scan3A_50 : i32 to index
      %swap3A_80 = arith.constant 64 : index
      %swap3A_81 = tpu.vector_load %arg8[%swap3A_79, %swap3A_80] {strides = array<i32>} : memref<128x128xf32, #tpu.memory_space<vmem>>, vector<1x16xf32>,
      %swap3A_82 = vector.shape_cast %swap3A_81 : vector<1x16xf32> to vector<16xf32>
      %swap3A_83 = vector.shape_cast %broadcast_in_dim3A_78 : vector<16xf32> to vector<1x16xf32>
      tpu.vector_store %arg8[%swap3A_79, %swap3A_80], %swap3A_83 {strides = array<i32>} : memref<128x128xf32, #tpu.memory_space<vmem>>, vector<1x16xf32>,
      %broadcast_in_dim3A_84 = arith.constant 0.000000e+00 : f32
      %broadcast_in_dim3A_85 = vector.broadcast %broadcast_in_dim3A_84 : f32 to vector<16xf32>
      %swap3A_86 = arith.index_cast %scan3A_50 : i32 to index
      %swap3A_87 = arith.constant 80 : index
      %swap3A_88 = tpu.vector_load %arg8[%swap3A_86, %swap3A_87] {strides = array<i32>} : memref<128x128xf32, #tpu.memory_space<vmem>>, vector<1x16xf32>,
      %swap3A_89 = vector.shape_cast %swap3A_88 : vector<1x16xf32> to vector<16xf32>
      %swap3A_90 = vector.shape_cast %broadcast_in_dim3A_85 : vector<16xf32> to vector<1x16xf32>
      tpu.vector_store %arg8[%swap3A_86, %swap3A_87], %swap3A_90 {strides = array<i32>} : memref<128x128xf32, #tpu.memory_space<vmem>>, vector<1x16xf32>,
      %broadcast_in_dim3A_91 = arith.constant 0.000000e+00 : f32
      %broadcast_in_dim3A_92 = vector.broadcast %broadcast_in_dim3A_91 : f32 to vector<16xf32>
      %swap3A_93 = arith.index_cast %scan3A_50 : i32 to index
      %swap3A_94 = arith.constant 96 : index
      %swap3A_95 = tpu.vector_load %arg8[%swap3A_93, %swap3A_94] {strides = array<i32>} : memref<128x128xf32, #tpu.memory_space<vmem>>, vector<1x16xf32>,
      %swap3A_96 = vector.shape_cast %swap3A_95 : vector<1x16xf32> to vector<16xf32>
      %swap3A_97 = vector.shape_cast %broadcast_in_dim3A_92 : vector<16xf32> to vector<1x16xf32>
      tpu.vector_store %arg8[%swap3A_93, %swap3A_94], %swap3A_97 {strides = array<i32>} : memref<128x128xf32, #tpu.memory_space<vmem>>, vector<1x16xf32>,
      %broadcast_in_dim3A_98 = arith.constant 0.000000e+00 : f32
      %broadcast_in_dim3A_99 = vector.broadcast %broadcast_in_dim3A_98 : f32 to vector<16xf32>
      %swap3A_100 = arith.index_cast %scan3A_50 : i32 to index
      %swap3A_101 = arith.constant 112 : index
      %swap3A_102 = tpu.vector_load %arg8[%swap3A_100, %swap3A_101] {strides = array<i32>} : memref<128x128xf32, #tpu.memory_space<vmem>>, vector<1x16xf32>,
      %swap3A_103 = vector.shape_cast %swap3A_102 : vector<1x16xf32> to vector<16xf32>
      %swap3A_104 = vector.shape_cast %broadcast_in_dim3A_99 : vector<16xf32> to vector<1x16xf32>
      tpu.vector_store %arg8[%swap3A_100, %swap3A_101], %swap3A_104 {strides = array<i32>} : memref<128x128xf32, #tpu.memory_space<vmem>>, vector<1x16xf32>,
    }
    %scan3A_3 = arith.constant 128 : i32
    %mul3A = arith.constant 640 : i32
    %mul3A_4 = arith.muli %arg1, %mul3A : i32
    %add3A = arith.constant 0 : i32
    %add3A_5 = arith.addi %mul3A_4, %add3A : i32
    "tpu.region"() ({
      %run_scoped3A = tpu.sem_alloc : memref<!tpu.dma_semaphore, #tpu.memory_space<semaphore_mem>>
      %dma_start3A = arith.constant 0 : i32
      %dma_start3A_50 = tpu.memref_slice %arg11[%add3A_5, %dma_start3A] : memref<10240x128xf32, #tpu.memory_space<vmem_shared>> -> memref<128x128xf32, #tpu.memory_space<vmem_shared>>
      %dma_start3A_51 = arith.constant 0 : i32
      %dma_start3A_52 = tpu.memref_slice %arg11[%add3A_5, %dma_start3A_51] : memref<10240x128xf32, #tpu.memory_space<vmem_shared>> -> memref<128x128xf32, #tpu.memory_space<vmem_shared>>
      tpu.enqueue_dma source(%arg8 : memref<128x128xf32, #tpu.memory_space<vmem>>) target(%dma_start3A_52 : memref<128x128xf32, #tpu.memory_space<vmem_shared>>) target_semaphore(%run_scoped3A : memref<!tpu.dma_semaphore, #tpu.memory_space<semaphore_mem>>)
      %dma_wait3A = arith.constant 0 : i32
      %dma_wait3A_53 = tpu.memref_slice %arg11[%add3A_5, %dma_wait3A] : memref<10240x128xf32, #tpu.memory_space<vmem_shared>> -> memref<128x128xf32, #tpu.memory_space<vmem_shared>>
      %dma_wait3A_54 = arith.constant 0 : i32
      %dma_wait3A_55 = tpu.memref_slice %arg11[%add3A_5, %dma_wait3A_54] : memref<10240x128xf32, #tpu.memory_space<vmem_shared>> -> memref<128x128xf32, #tpu.memory_space<vmem_shared>>
      tpu.wait_dma2 semaphore(%run_scoped3A : memref<!tpu.dma_semaphore, #tpu.memory_space<semaphore_mem>>) src(%arg8 : memref<128x128xf32, #tpu.memory_space<vmem>>) dst(%dma_wait3A_55 : memref<128x128xf32, #tpu.memory_space<vmem_shared>>)
      tpu.yield
    }) : () -> ()
    %mul3A_6 = arith.constant 640 : i32
    %mul3A_7 = arith.muli %arg1, %mul3A_6 : i32
    %add3A_8 = arith.constant 128 : i32
    %add3A_9 = arith.addi %mul3A_7, %add3A_8 : i32
    "tpu.region"() ({
      %run_scoped3A = tpu.sem_alloc : memref<!tpu.dma_semaphore, #tpu.memory_space<semaphore_mem>>
      %dma_start3A = arith.constant 0 : i32
      %dma_start3A_50 = tpu.memref_slice %arg11[%add3A_9, %dma_start3A] : memref<10240x128xf32, #tpu.memory_space<vmem_shared>> -> memref<128x128xf32, #tpu.memory_space<vmem_shared>>
      %dma_start3A_51 = arith.constant 0 : i32
      %dma_start3A_52 = tpu.memref_slice %arg11[%add3A_9, %dma_start3A_51] : memref<10240x128xf32, #tpu.memory_space<vmem_shared>> -> memref<128x128xf32, #tpu.memory_space<vmem_shared>>
      tpu.enqueue_dma source(%arg8 : memref<128x128xf32, #tpu.memory_space<vmem>>) target(%dma_start3A_52 : memref<128x128xf32, #tpu.memory_space<vmem_shared>>) target_semaphore(%run_scoped3A : memref<!tpu.dma_semaphore, #tpu.memory_space<semaphore_mem>>)
      %dma_wait3A = arith.constant 0 : i32
      %dma_wait3A_53 = tpu.memref_slice %arg11[%add3A_9, %dma_wait3A] : memref<10240x128xf32, #tpu.memory_space<vmem_shared>> -> memref<128x128xf32, #tpu.memory_space<vmem_shared>>
      %dma_wait3A_54 = arith.constant 0 : i32
      %dma_wait3A_55 = tpu.memref_slice %arg11[%add3A_9, %dma_wait3A_54] : memref<10240x128xf32, #tpu.memory_space<vmem_shared>> -> memref<128x128xf32, #tpu.memory_space<vmem_shared>>
      tpu.wait_dma2 semaphore(%run_scoped3A : memref<!tpu.dma_semaphore, #tpu.memory_space<semaphore_mem>>) src(%arg8 : memref<128x128xf32, #tpu.memory_space<vmem>>) dst(%dma_wait3A_55 : memref<128x128xf32, #tpu.memory_space<vmem_shared>>)
      tpu.yield
    }) : () -> ()
    %mul3A_10 = arith.constant 640 : i32
    %mul3A_11 = arith.muli %arg1, %mul3A_10 : i32
    %add3A_12 = arith.constant 256 : i32
    %add3A_13 = arith.addi %mul3A_11, %add3A_12 : i32
    "tpu.region"() ({
      %run_scoped3A = tpu.sem_alloc : memref<!tpu.dma_semaphore, #tpu.memory_space<semaphore_mem>>
      %dma_start3A = arith.constant 0 : i32
      %dma_start3A_50 = tpu.memref_slice %arg11[%add3A_13, %dma_start3A] : memref<10240x128xf32, #tpu.memory_space<vmem_shared>> -> memref<128x128xf32, #tpu.memory_space<vmem_shared>>
      %dma_start3A_51 = arith.constant 0 : i32
      %dma_start3A_52 = tpu.memref_slice %arg11[%add3A_13, %dma_start3A_51] : memref<10240x128xf32, #tpu.memory_space<vmem_shared>> -> memref<128x128xf32, #tpu.memory_space<vmem_shared>>
      tpu.enqueue_dma source(%arg8 : memref<128x128xf32, #tpu.memory_space<vmem>>) target(%dma_start3A_52 : memref<128x128xf32, #tpu.memory_space<vmem_shared>>) target_semaphore(%run_scoped3A : memref<!tpu.dma_semaphore, #tpu.memory_space<semaphore_mem>>)
      %dma_wait3A = arith.constant 0 : i32
      %dma_wait3A_53 = tpu.memref_slice %arg11[%add3A_13, %dma_wait3A] : memref<10240x128xf32, #tpu.memory_space<vmem_shared>> -> memref<128x128xf32, #tpu.memory_space<vmem_shared>>
      %dma_wait3A_54 = arith.constant 0 : i32
      %dma_wait3A_55 = tpu.memref_slice %arg11[%add3A_13, %dma_wait3A_54] : memref<10240x128xf32, #tpu.memory_space<vmem_shared>> -> memref<128x128xf32, #tpu.memory_space<vmem_shared>>
      tpu.wait_dma2 semaphore(%run_scoped3A : memref<!tpu.dma_semaphore, #tpu.memory_space<semaphore_mem>>) src(%arg8 : memref<128x128xf32, #tpu.memory_space<vmem>>) dst(%dma_wait3A_55 : memref<128x128xf32, #tpu.memory_space<vmem_shared>>)
      tpu.yield
    }) : () -> ()
    %mul3A_14 = arith.constant 640 : i32
    %mul3A_15 = arith.muli %arg1, %mul3A_14 : i32
    %add3A_16 = arith.constant 384 : i32
    %add3A_17 = arith.addi %mul3A_15, %add3A_16 : i32
    "tpu.region"() ({
      %run_scoped3A = tpu.sem_alloc : memref<!tpu.dma_semaphore, #tpu.memory_space<semaphore_mem>>
      %dma_start3A = arith.constant 0 : i32
      %dma_start3A_50 = tpu.memref_slice %arg11[%add3A_17, %dma_start3A] : memref<10240x128xf32, #tpu.memory_space<vmem_shared>> -> memref<128x128xf32, #tpu.memory_space<vmem_shared>>
      %dma_start3A_51 = arith.constant 0 : i32
      %dma_start3A_52 = tpu.memref_slice %arg11[%add3A_17, %dma_start3A_51] : memref<10240x128xf32, #tpu.memory_space<vmem_shared>> -> memref<128x128xf32, #tpu.memory_space<vmem_shared>>
      tpu.enqueue_dma source(%arg8 : memref<128x128xf32, #tpu.memory_space<vmem>>) target(%dma_start3A_52 : memref<128x128xf32, #tpu.memory_space<vmem_shared>>) target_semaphore(%run_scoped3A : memref<!tpu.dma_semaphore, #tpu.memory_space<semaphore_mem>>)
      %dma_wait3A = arith.constant 0 : i32
      %dma_wait3A_53 = tpu.memref_slice %arg11[%add3A_17, %dma_wait3A] : memref<10240x128xf32, #tpu.memory_space<vmem_shared>> -> memref<128x128xf32, #tpu.memory_space<vmem_shared>>
      %dma_wait3A_54 = arith.constant 0 : i32
      %dma_wait3A_55 = tpu.memref_slice %arg11[%add3A_17, %dma_wait3A_54] : memref<10240x128xf32, #tpu.memory_space<vmem_shared>> -> memref<128x128xf32, #tpu.memory_space<vmem_shared>>
      tpu.wait_dma2 semaphore(%run_scoped3A : memref<!tpu.dma_semaphore, #tpu.memory_space<semaphore_mem>>) src(%arg8 : memref<128x128xf32, #tpu.memory_space<vmem>>) dst(%dma_wait3A_55 : memref<128x128xf32, #tpu.memory_space<vmem_shared>>)
      tpu.yield
    }) : () -> ()
    %mul3A_18 = arith.constant 640 : i32
    %mul3A_19 = arith.muli %arg1, %mul3A_18 : i32
    %add3A_20 = arith.constant 512 : i32
    %add3A_21 = arith.addi %mul3A_19, %add3A_20 : i32
    "tpu.region"() ({
      %run_scoped3A = tpu.sem_alloc : memref<!tpu.dma_semaphore, #tpu.memory_space<semaphore_mem>>
      %dma_start3A = arith.constant 0 : i32
      %dma_start3A_50 = tpu.memref_slice %arg11[%add3A_21, %dma_start3A] : memref<10240x128xf32, #tpu.memory_space<vmem_shared>> -> memref<128x128xf32, #tpu.memory_space<vmem_shared>>
      %dma_start3A_51 = arith.constant 0 : i32
      %dma_start3A_52 = tpu.memref_slice %arg11[%add3A_21, %dma_start3A_51] : memref<10240x128xf32, #tpu.memory_space<vmem_shared>> -> memref<128x128xf32, #tpu.memory_space<vmem_shared>>
      tpu.enqueue_dma source(%arg8 : memref<128x128xf32, #tpu.memory_space<vmem>>) target(%dma_start3A_52 : memref<128x128xf32, #tpu.memory_space<vmem_shared>>) target_semaphore(%run_scoped3A : memref<!tpu.dma_semaphore, #tpu.memory_space<semaphore_mem>>)
      %dma_wait3A = arith.constant 0 : i32
      %dma_wait3A_53 = tpu.memref_slice %arg11[%add3A_21, %dma_wait3A] : memref<10240x128xf32, #tpu.memory_space<vmem_shared>> -> memref<128x128xf32, #tpu.memory_space<vmem_shared>>
      %dma_wait3A_54 = arith.constant 0 : i32
      %dma_wait3A_55 = tpu.memref_slice %arg11[%add3A_21, %dma_wait3A_54] : memref<10240x128xf32, #tpu.memory_space<vmem_shared>> -> memref<128x128xf32, #tpu.memory_space<vmem_shared>>
      tpu.wait_dma2 semaphore(%run_scoped3A : memref<!tpu.dma_semaphore, #tpu.memory_space<semaphore_mem>>) src(%arg8 : memref<128x128xf32, #tpu.memory_space<vmem>>) dst(%dma_wait3A_55 : memref<128x128xf32, #tpu.memory_space<vmem_shared>>)
      tpu.yield
    }) : () -> ()
    %barrier3A = arith.constant 0 : index
    tpu.barrier barrier_id(%barrier3A)
    %eq3A = arith.constant 15 : i32
    %eq3A_22 = arith.cmpi eq, %arg1, %eq3A : i32
    %jit3A = arith.constant 40 : i32
    %jit3A_23 = arith.constant 39 : i32
    %select_n3A = arith.select %eq3A_22, %jit3A, %jit3A_23 : i32
    %mul3A_24 = arith.constant 80000 : i32
    %mul3A_25 = arith.muli %arg0, %mul3A_24 : i32
    %mul3A_26 = arith.constant 4992 : i32
    %mul3A_27 = arith.muli %arg1, %mul3A_26 : i32
    %add3A_28 = arith.addi %mul3A_25, %mul3A_27 : i32
    %eq3A_29 = arith.constant 0 : i32
    %eq3A_30 = arith.cmpi eq, %arg0, %eq3A_29 : i32
    %convert_element_type3A = arith.extui %eq3A_30 : i1 to i32
    %cond3A = arith.constant 0 : i32
    %cond3A_31 = arith.cmpi ne, %convert_element_type3A, %cond3A : i32
    scf.if %cond3A_31 {
      %while3A = arith.constant 0 : i32
      %while3A_50 = arith.subi %select_n3A, %while3A : i32
      %while3A_51 = arith.addi %while3A, %while3A_50 : i32
      %while3A_52 = arith.constant 1 : i32
      %while3A_53 = arith.divsi %while3A_50, %while3A_52 : i32
      %while3A_54 = arith.muli %while3A_53, %while3A_52 : i32
      %while3A_55 = arith.addi %while3A, %while3A_54 : i32
      %while3A_56 = arith.constant 1 : i32
      scf.for %while3A_58 = %while3A to %while3A_55 step %while3A_56  : i32 {
        %mul3A_59 = arith.constant 128 : i32
        %mul3A_60 = arith.muli %while3A_58, %mul3A_59 : i32
        %add3A_61 = arith.addi %add3A_28, %mul3A_60 : i32
        "tpu.region"() ({
          %run_scoped3A = tpu.sem_alloc : memref<!tpu.dma_semaphore, #tpu.memory_space<semaphore_mem>>
          %dma_start3A_66 = tpu.memref_slice %arg4[%add3A_61] : memref<160000xi32, #tpu.memory_space<hbm>> -> memref<128xi32, #tpu.memory_space<hbm>>
          %dma_start3A_67 = tpu.memref_slice %arg4[%add3A_61] : memref<160000xi32, #tpu.memory_space<hbm>> -> memref<128xi32, #tpu.memory_space<hbm>>
          tpu.enqueue_dma source(%dma_start3A_67 : memref<128xi32, #tpu.memory_space<hbm>>) target(%arg9 : memref<128xi32, #tpu.memory_space<vmem>>) target_semaphore(%run_scoped3A : memref<!tpu.dma_semaphore, #tpu.memory_space<semaphore_mem>>)
          %dma_wait3A_68 = tpu.memref_slice %arg4[%add3A_61] : memref<160000xi32, #tpu.memory_space<hbm>> -> memref<128xi32, #tpu.memory_space<hbm>>
          %dma_wait3A_69 = tpu.memref_slice %arg4[%add3A_61] : memref<160000xi32, #tpu.memory_space<hbm>> -> memref<128xi32, #tpu.memory_space<hbm>>
          tpu.wait_dma2 semaphore(%run_scoped3A : memref<!tpu.dma_semaphore, #tpu.memory_space<semaphore_mem>>) src(%dma_wait3A_69 : memref<128xi32, #tpu.memory_space<hbm>>) dst(%arg9 : memref<128xi32, #tpu.memory_space<vmem>>)
          tpu.yield
        }) : () -> ()
        "tpu.region"() ({
          %run_scoped3A = tpu.sem_alloc : memref<!tpu.dma_semaphore, #tpu.memory_space<semaphore_mem>>
          %dma_start3A_66 = tpu.memref_slice %arg5[%add3A_61] : memref<160000xi32, #tpu.memory_space<hbm>> -> memref<128xi32, #tpu.memory_space<hbm>>
          %dma_start3A_67 = tpu.memref_slice %arg5[%add3A_61] : memref<160000xi32, #tpu.memory_space<hbm>> -> memref<128xi32, #tpu.memory_space<hbm>>
          tpu.enqueue_dma source(%dma_start3A_67 : memref<128xi32, #tpu.memory_space<hbm>>) target(%arg10 : memref<128xi32, #tpu.memory_space<vmem>>) target_semaphore(%run_scoped3A : memref<!tpu.dma_semaphore, #tpu.memory_space<semaphore_mem>>)
          %dma_wait3A_68 = tpu.memref_slice %arg5[%add3A_61] : memref<160000xi32, #tpu.memory_space<hbm>> -> memref<128xi32, #tpu.memory_space<hbm>>
          %dma_wait3A_69 = tpu.memref_slice %arg5[%add3A_61] : memref<160000xi32, #tpu.memory_space<hbm>> -> memref<128xi32, #tpu.memory_space<hbm>>
          tpu.wait_dma2 semaphore(%run_scoped3A : memref<!tpu.dma_semaphore, #tpu.memory_space<semaphore_mem>>) src(%dma_wait3A_69 : memref<128xi32, #tpu.memory_space<hbm>>) dst(%arg10 : memref<128xi32, #tpu.memory_space<vmem>>)
          tpu.yield
        }) : () -> ()
        %dma_start3A = arith.constant 0 : i32
        %dma_start3A_62 = arith.constant 0 : i32
        %dma_start3A_63 = tpu.memref_slice %arg2[%dma_start3A, %dma_start3A_62] : memref<10000x128xf32, #tpu.memory_space<hbm>> -> memref<10000x128xf32, #tpu.memory_space<hbm>>
        tpu.enqueue_indirect_dma source(%dma_start3A_63 : memref<10000x128xf32, #tpu.memory_space<hbm>>) target(%arg8 : memref<128x128xf32, #tpu.memory_space<vmem>>) offsets(%arg9 : memref<128xi32, #tpu.memory_space<vmem>>) semaphore(%arg12 : memref<!tpu.dma_semaphore, #tpu.memory_space<semaphore_mem>>)
        %dma_wait3A = arith.constant 0 : i32
        %dma_wait3A_64 = arith.constant 0 : i32
        %dma_wait3A_65 = tpu.memref_slice %arg2[%dma_wait3A, %dma_wait3A_64] : memref<10000x128xf32, #tpu.memory_space<hbm>> -> memref<10000x128xf32, #tpu.memory_space<hbm>>
        tpu.wait_indirect_dma semaphore(%arg12 : memref<!tpu.dma_semaphore, #tpu.memory_space<semaphore_mem>>) src(%dma_wait3A_65 : memref<10000x128xf32, #tpu.memory_space<hbm>>) dst(%arg8 : memref<128x128xf32, #tpu.memory_space<vmem>>)
        "tpu.region"() ({
          %run_scoped3A = tpu.sem_alloc : memref<!tpu.dma_semaphore, #tpu.memory_space<semaphore_mem>>
          %dma_start3A_66 = arith.constant 0 : i32
          %dma_start3A_67 = arith.constant 0 : i32
          %dma_start3A_68 = tpu.memref_slice %arg11[%dma_start3A_66, %dma_start3A_67] : memref<10240x128xf32, #tpu.memory_space<vmem_shared>> -> memref<10240x128xf32, #tpu.memory_space<vmem_shared>>
          tpu.enqueue_indirect_dma source(%arg8 : memref<128x128xf32, #tpu.memory_space<vmem>>) target(%dma_start3A_68 : memref<10240x128xf32, #tpu.memory_space<vmem_shared>>) offsets(%arg10 : memref<128xi32, #tpu.memory_space<vmem>>) semaphore(%run_scoped3A : memref<!tpu.dma_semaphore, #tpu.memory_space<semaphore_mem>>) {add = true}
          %dma_wait3A_69 = arith.constant 0 : i32
          %dma_wait3A_70 = arith.constant 0 : i32
          %dma_wait3A_71 = tpu.memref_slice %arg11[%dma_wait3A_69, %dma_wait3A_70] : memref<10240x128xf32, #tpu.memory_space<vmem_shared>> -> memref<10240x128xf32, #tpu.memory_space<vmem_shared>>
          tpu.wait_indirect_dma semaphore(%run_scoped3A : memref<!tpu.dma_semaphore, #tpu.memory_space<semaphore_mem>>) src(%arg8 : memref<128x128xf32, #tpu.memory_space<vmem>>) dst(%dma_wait3A_71 : memref<10240x128xf32, #tpu.memory_space<vmem_shared>>)
          tpu.yield
        }) : () -> ()
      }
      %while3A_57 = arith.constant 1 : i32
      scf.for %while3A_58 = %while3A_55 to %while3A_51 step %while3A_57  : i32 {
        %mul3A_59 = arith.constant 128 : i32
        %mul3A_60 = arith.muli %while3A_58, %mul3A_59 : i32
        %add3A_61 = arith.addi %add3A_28, %mul3A_60 : i32
        "tpu.region"() ({
          %run_scoped3A = tpu.sem_alloc : memref<!tpu.dma_semaphore, #tpu.memory_space<semaphore_mem>>
          %dma_start3A_66 = tpu.memref_slice %arg4[%add3A_61] : memref<160000xi32, #tpu.memory_space<hbm>> -> memref<128xi32, #tpu.memory_space<hbm>>
          %dma_start3A_67 = tpu.memref_slice %arg4[%add3A_61] : memref<160000xi32, #tpu.memory_space<hbm>> -> memref<128xi32, #tpu.memory_space<hbm>>
          tpu.enqueue_dma source(%dma_start3A_67 : memref<128xi32, #tpu.memory_space<hbm>>) target(%arg9 : memref<128xi32, #tpu.memory_space<vmem>>) target_semaphore(%run_scoped3A : memref<!tpu.dma_semaphore, #tpu.memory_space<semaphore_mem>>)
          %dma_wait3A_68 = tpu.memref_slice %arg4[%add3A_61] : memref<160000xi32, #tpu.memory_space<hbm>> -> memref<128xi32, #tpu.memory_space<hbm>>
          %dma_wait3A_69 = tpu.memref_slice %arg4[%add3A_61] : memref<160000xi32, #tpu.memory_space<hbm>> -> memref<128xi32, #tpu.memory_space<hbm>>
          tpu.wait_dma2 semaphore(%run_scoped3A : memref<!tpu.dma_semaphore, #tpu.memory_space<semaphore_mem>>) src(%dma_wait3A_69 : memref<128xi32, #tpu.memory_space<hbm>>) dst(%arg9 : memref<128xi32, #tpu.memory_space<vmem>>)
          tpu.yield
        }) : () -> ()
        "tpu.region"() ({
          %run_scoped3A = tpu.sem_alloc : memref<!tpu.dma_semaphore, #tpu.memory_space<semaphore_mem>>
          %dma_start3A_66 = tpu.memref_slice %arg5[%add3A_61] : memref<160000xi32, #tpu.memory_space<hbm>> -> memref<128xi32, #tpu.memory_space<hbm>>
          %dma_start3A_67 = tpu.memref_slice %arg5[%add3A_61] : memref<160000xi32, #tpu.memory_space<hbm>> -> memref<128xi32, #tpu.memory_space<hbm>>
          tpu.enqueue_dma source(%dma_start3A_67 : memref<128xi32, #tpu.memory_space<hbm>>) target(%arg10 : memref<128xi32, #tpu.memory_space<vmem>>) target_semaphore(%run_scoped3A : memref<!tpu.dma_semaphore, #tpu.memory_space<semaphore_mem>>)
          %dma_wait3A_68 = tpu.memref_slice %arg5[%add3A_61] : memref<160000xi32, #tpu.memory_space<hbm>> -> memref<128xi32, #tpu.memory_space<hbm>>
          %dma_wait3A_69 = tpu.memref_slice %arg5[%add3A_61] : memref<160000xi32, #tpu.memory_space<hbm>> -> memref<128xi32, #tpu.memory_space<hbm>>
          tpu.wait_dma2 semaphore(%run_scoped3A : memref<!tpu.dma_semaphore, #tpu.memory_space<semaphore_mem>>) src(%dma_wait3A_69 : memref<128xi32, #tpu.memory_space<hbm>>) dst(%arg10 : memref<128xi32, #tpu.memory_space<vmem>>)
          tpu.yield
        }) : () -> ()
        %dma_start3A = arith.constant 0 : i32
        %dma_start3A_62 = arith.constant 0 : i32
        %dma_start3A_63 = tpu.memref_slice %arg2[%dma_start3A, %dma_start3A_62] : memref<10000x128xf32, #tpu.memory_space<hbm>> -> memref<10000x128xf32, #tpu.memory_space<hbm>>
        tpu.enqueue_indirect_dma source(%dma_start3A_63 : memref<10000x128xf32, #tpu.memory_space<hbm>>) target(%arg8 : memref<128x128xf32, #tpu.memory_space<vmem>>) offsets(%arg9 : memref<128xi32, #tpu.memory_space<vmem>>) semaphore(%arg12 : memref<!tpu.dma_semaphore, #tpu.memory_space<semaphore_mem>>)
        %dma_wait3A = arith.constant 0 : i32
        %dma_wait3A_64 = arith.constant 0 : i32
        %dma_wait3A_65 = tpu.memref_slice %arg2[%dma_wait3A, %dma_wait3A_64] : memref<10000x128xf32, #tpu.memory_space<hbm>> -> memref<10000x128xf32, #tpu.memory_space<hbm>>
        tpu.wait_indirect_dma semaphore(%arg12 : memref<!tpu.dma_semaphore, #tpu.memory_space<semaphore_mem>>) src(%dma_wait3A_65 : memref<10000x128xf32, #tpu.memory_space<hbm>>) dst(%arg8 : memref<128x128xf32, #tpu.memory_space<vmem>>)
        "tpu.region"() ({
          %run_scoped3A = tpu.sem_alloc : memref<!tpu.dma_semaphore, #tpu.memory_space<semaphore_mem>>
          %dma_start3A_66 = arith.constant 0 : i32
          %dma_start3A_67 = arith.constant 0 : i32
          %dma_start3A_68 = tpu.memref_slice %arg11[%dma_start3A_66, %dma_start3A_67] : memref<10240x128xf32, #tpu.memory_space<vmem_shared>> -> memref<10240x128xf32, #tpu.memory_space<vmem_shared>>
          tpu.enqueue_indirect_dma source(%arg8 : memref<128x128xf32, #tpu.memory_space<vmem>>) target(%dma_start3A_68 : memref<10240x128xf32, #tpu.memory_space<vmem_shared>>) offsets(%arg10 : memref<128xi32, #tpu.memory_space<vmem>>) semaphore(%run_scoped3A : memref<!tpu.dma_semaphore, #tpu.memory_space<semaphore_mem>>) {add = true}
          %dma_wait3A_69 = arith.constant 0 : i32
          %dma_wait3A_70 = arith.constant 0 : i32
          %dma_wait3A_71 = tpu.memref_slice %arg11[%dma_wait3A_69, %dma_wait3A_70] : memref<10240x128xf32, #tpu.memory_space<vmem_shared>> -> memref<10240x128xf32, #tpu.memory_space<vmem_shared>>
          tpu.wait_indirect_dma semaphore(%run_scoped3A : memref<!tpu.dma_semaphore, #tpu.memory_space<semaphore_mem>>) src(%arg8 : memref<128x128xf32, #tpu.memory_space<vmem>>) dst(%dma_wait3A_71 : memref<10240x128xf32, #tpu.memory_space<vmem_shared>>)
          tpu.yield
        }) : () -> ()
      }
    } else {
    }
    %eq3A_32 = arith.constant 1 : i32
    %eq3A_33 = arith.cmpi eq, %arg0, %eq3A_32 : i32
    %convert_element_type3A_34 = arith.extui %eq3A_33 : i1 to i32
    %cond3A_35 = arith.constant 0 : i32
    %cond3A_36 = arith.cmpi ne, %convert_element_type3A_34, %cond3A_35 : i32
    scf.if %cond3A_36 {
      %while3A = arith.constant 0 : i32
      %while3A_50 = arith.subi %select_n3A, %while3A : i32
      %while3A_51 = arith.addi %while3A, %while3A_50 : i32
      %while3A_52 = arith.constant 1 : i32
      %while3A_53 = arith.divsi %while3A_50, %while3A_52 : i32
      %while3A_54 = arith.muli %while3A_53, %while3A_52 : i32
      %while3A_55 = arith.addi %while3A, %while3A_54 : i32
      %while3A_56 = arith.constant 1 : i32
      scf.for %while3A_58 = %while3A to %while3A_55 step %while3A_56  : i32 {
        %mul3A_59 = arith.constant 128 : i32
        %mul3A_60 = arith.muli %while3A_58, %mul3A_59 : i32
        %add3A_61 = arith.addi %add3A_28, %mul3A_60 : i32
        "tpu.region"() ({
          %run_scoped3A = tpu.sem_alloc : memref<!tpu.dma_semaphore, #tpu.memory_space<semaphore_mem>>
          %dma_start3A_66 = tpu.memref_slice %arg4[%add3A_61] : memref<160000xi32, #tpu.memory_space<hbm>> -> memref<128xi32, #tpu.memory_space<hbm>>
          %dma_start3A_67 = tpu.memref_slice %arg4[%add3A_61] : memref<160000xi32, #tpu.memory_space<hbm>> -> memref<128xi32, #tpu.memory_space<hbm>>
          tpu.enqueue_dma source(%dma_start3A_67 : memref<128xi32, #tpu.memory_space<hbm>>) target(%arg9 : memref<128xi32, #tpu.memory_space<vmem>>) target_semaphore(%run_scoped3A : memref<!tpu.dma_semaphore, #tpu.memory_space<semaphore_mem>>)
          %dma_wait3A_68 = tpu.memref_slice %arg4[%add3A_61] : memref<160000xi32, #tpu.memory_space<hbm>> -> memref<128xi32, #tpu.memory_space<hbm>>
          %dma_wait3A_69 = tpu.memref_slice %arg4[%add3A_61] : memref<160000xi32, #tpu.memory_space<hbm>> -> memref<128xi32, #tpu.memory_space<hbm>>
          tpu.wait_dma2 semaphore(%run_scoped3A : memref<!tpu.dma_semaphore, #tpu.memory_space<semaphore_mem>>) src(%dma_wait3A_69 : memref<128xi32, #tpu.memory_space<hbm>>) dst(%arg9 : memref<128xi32, #tpu.memory_space<vmem>>)
          tpu.yield
        }) : () -> ()
        "tpu.region"() ({
          %run_scoped3A = tpu.sem_alloc : memref<!tpu.dma_semaphore, #tpu.memory_space<semaphore_mem>>
          %dma_start3A_66 = tpu.memref_slice %arg5[%add3A_61] : memref<160000xi32, #tpu.memory_space<hbm>> -> memref<128xi32, #tpu.memory_space<hbm>>
          %dma_start3A_67 = tpu.memref_slice %arg5[%add3A_61] : memref<160000xi32, #tpu.memory_space<hbm>> -> memref<128xi32, #tpu.memory_space<hbm>>
          tpu.enqueue_dma source(%dma_start3A_67 : memref<128xi32, #tpu.memory_space<hbm>>) target(%arg10 : memref<128xi32, #tpu.memory_space<vmem>>) target_semaphore(%run_scoped3A : memref<!tpu.dma_semaphore, #tpu.memory_space<semaphore_mem>>)
          %dma_wait3A_68 = tpu.memref_slice %arg5[%add3A_61] : memref<160000xi32, #tpu.memory_space<hbm>> -> memref<128xi32, #tpu.memory_space<hbm>>
          %dma_wait3A_69 = tpu.memref_slice %arg5[%add3A_61] : memref<160000xi32, #tpu.memory_space<hbm>> -> memref<128xi32, #tpu.memory_space<hbm>>
          tpu.wait_dma2 semaphore(%run_scoped3A : memref<!tpu.dma_semaphore, #tpu.memory_space<semaphore_mem>>) src(%dma_wait3A_69 : memref<128xi32, #tpu.memory_space<hbm>>) dst(%arg10 : memref<128xi32, #tpu.memory_space<vmem>>)
          tpu.yield
        }) : () -> ()
        %dma_start3A = arith.constant 0 : i32
        %dma_start3A_62 = arith.constant 0 : i32
        %dma_start3A_63 = tpu.memref_slice %arg3[%dma_start3A, %dma_start3A_62] : memref<10000x128xf32, #tpu.memory_space<hbm>> -> memref<10000x128xf32, #tpu.memory_space<hbm>>
        tpu.enqueue_indirect_dma source(%dma_start3A_63 : memref<10000x128xf32, #tpu.memory_space<hbm>>) target(%arg8 : memref<128x128xf32, #tpu.memory_space<vmem>>) offsets(%arg9 : memref<128xi32, #tpu.memory_space<vmem>>) semaphore(%arg12 : memref<!tpu.dma_semaphore, #tpu.memory_space<semaphore_mem>>)
        %dma_wait3A = arith.constant 0 : i32
        %dma_wait3A_64 = arith.constant 0 : i32
        %dma_wait3A_65 = tpu.memref_slice %arg3[%dma_wait3A, %dma_wait3A_64] : memref<10000x128xf32, #tpu.memory_space<hbm>> -> memref<10000x128xf32, #tpu.memory_space<hbm>>
        tpu.wait_indirect_dma semaphore(%arg12 : memref<!tpu.dma_semaphore, #tpu.memory_space<semaphore_mem>>) src(%dma_wait3A_65 : memref<10000x128xf32, #tpu.memory_space<hbm>>) dst(%arg8 : memref<128x128xf32, #tpu.memory_space<vmem>>)
        "tpu.region"() ({
          %run_scoped3A = tpu.sem_alloc : memref<!tpu.dma_semaphore, #tpu.memory_space<semaphore_mem>>
          %dma_start3A_66 = arith.constant 0 : i32
          %dma_start3A_67 = arith.constant 0 : i32
          %dma_start3A_68 = tpu.memref_slice %arg11[%dma_start3A_66, %dma_start3A_67] : memref<10240x128xf32, #tpu.memory_space<vmem_shared>> -> memref<10240x128xf32, #tpu.memory_space<vmem_shared>>
          tpu.enqueue_indirect_dma source(%arg8 : memref<128x128xf32, #tpu.memory_space<vmem>>) target(%dma_start3A_68 : memref<10240x128xf32, #tpu.memory_space<vmem_shared>>) offsets(%arg10 : memref<128xi32, #tpu.memory_space<vmem>>) semaphore(%run_scoped3A : memref<!tpu.dma_semaphore, #tpu.memory_space<semaphore_mem>>) {add = true}
          %dma_wait3A_69 = arith.constant 0 : i32
          %dma_wait3A_70 = arith.constant 0 : i32
          %dma_wait3A_71 = tpu.memref_slice %arg11[%dma_wait3A_69, %dma_wait3A_70] : memref<10240x128xf32, #tpu.memory_space<vmem_shared>> -> memref<10240x128xf32, #tpu.memory_space<vmem_shared>>
          tpu.wait_indirect_dma semaphore(%run_scoped3A : memref<!tpu.dma_semaphore, #tpu.memory_space<semaphore_mem>>) src(%arg8 : memref<128x128xf32, #tpu.memory_space<vmem>>) dst(%dma_wait3A_71 : memref<10240x128xf32, #tpu.memory_space<vmem_shared>>)
          tpu.yield
        }) : () -> ()
      }
      %while3A_57 = arith.constant 1 : i32
      scf.for %while3A_58 = %while3A_55 to %while3A_51 step %while3A_57  : i32 {
        %mul3A_59 = arith.constant 128 : i32
        %mul3A_60 = arith.muli %while3A_58, %mul3A_59 : i32
        %add3A_61 = arith.addi %add3A_28, %mul3A_60 : i32
        "tpu.region"() ({
          %run_scoped3A = tpu.sem_alloc : memref<!tpu.dma_semaphore, #tpu.memory_space<semaphore_mem>>
          %dma_start3A_66 = tpu.memref_slice %arg4[%add3A_61] : memref<160000xi32, #tpu.memory_space<hbm>> -> memref<128xi32, #tpu.memory_space<hbm>>
          %dma_start3A_67 = tpu.memref_slice %arg4[%add3A_61] : memref<160000xi32, #tpu.memory_space<hbm>> -> memref<128xi32, #tpu.memory_space<hbm>>
          tpu.enqueue_dma source(%dma_start3A_67 : memref<128xi32, #tpu.memory_space<hbm>>) target(%arg9 : memref<128xi32, #tpu.memory_space<vmem>>) target_semaphore(%run_scoped3A : memref<!tpu.dma_semaphore, #tpu.memory_space<semaphore_mem>>)
          %dma_wait3A_68 = tpu.memref_slice %arg4[%add3A_61] : memref<160000xi32, #tpu.memory_space<hbm>> -> memref<128xi32, #tpu.memory_space<hbm>>
          %dma_wait3A_69 = tpu.memref_slice %arg4[%add3A_61] : memref<160000xi32, #tpu.memory_space<hbm>> -> memref<128xi32, #tpu.memory_space<hbm>>
          tpu.wait_dma2 semaphore(%run_scoped3A : memref<!tpu.dma_semaphore, #tpu.memory_space<semaphore_mem>>) src(%dma_wait3A_69 : memref<128xi32, #tpu.memory_space<hbm>>) dst(%arg9 : memref<128xi32, #tpu.memory_space<vmem>>)
          tpu.yield
        }) : () -> ()
        "tpu.region"() ({
          %run_scoped3A = tpu.sem_alloc : memref<!tpu.dma_semaphore, #tpu.memory_space<semaphore_mem>>
          %dma_start3A_66 = tpu.memref_slice %arg5[%add3A_61] : memref<160000xi32, #tpu.memory_space<hbm>> -> memref<128xi32, #tpu.memory_space<hbm>>
          %dma_start3A_67 = tpu.memref_slice %arg5[%add3A_61] : memref<160000xi32, #tpu.memory_space<hbm>> -> memref<128xi32, #tpu.memory_space<hbm>>
          tpu.enqueue_dma source(%dma_start3A_67 : memref<128xi32, #tpu.memory_space<hbm>>) target(%arg10 : memref<128xi32, #tpu.memory_space<vmem>>) target_semaphore(%run_scoped3A : memref<!tpu.dma_semaphore, #tpu.memory_space<semaphore_mem>>)
          %dma_wait3A_68 = tpu.memref_slice %arg5[%add3A_61] : memref<160000xi32, #tpu.memory_space<hbm>> -> memref<128xi32, #tpu.memory_space<hbm>>
          %dma_wait3A_69 = tpu.memref_slice %arg5[%add3A_61] : memref<160000xi32, #tpu.memory_space<hbm>> -> memref<128xi32, #tpu.memory_space<hbm>>
          tpu.wait_dma2 semaphore(%run_scoped3A : memref<!tpu.dma_semaphore, #tpu.memory_space<semaphore_mem>>) src(%dma_wait3A_69 : memref<128xi32, #tpu.memory_space<hbm>>) dst(%arg10 : memref<128xi32, #tpu.memory_space<vmem>>)
          tpu.yield
        }) : () -> ()
        %dma_start3A = arith.constant 0 : i32
        %dma_start3A_62 = arith.constant 0 : i32
        %dma_start3A_63 = tpu.memref_slice %arg3[%dma_start3A, %dma_start3A_62] : memref<10000x128xf32, #tpu.memory_space<hbm>> -> memref<10000x128xf32, #tpu.memory_space<hbm>>
        tpu.enqueue_indirect_dma source(%dma_start3A_63 : memref<10000x128xf32, #tpu.memory_space<hbm>>) target(%arg8 : memref<128x128xf32, #tpu.memory_space<vmem>>) offsets(%arg9 : memref<128xi32, #tpu.memory_space<vmem>>) semaphore(%arg12 : memref<!tpu.dma_semaphore, #tpu.memory_space<semaphore_mem>>)
        %dma_wait3A = arith.constant 0 : i32
        %dma_wait3A_64 = arith.constant 0 : i32
        %dma_wait3A_65 = tpu.memref_slice %arg3[%dma_wait3A, %dma_wait3A_64] : memref<10000x128xf32, #tpu.memory_space<hbm>> -> memref<10000x128xf32, #tpu.memory_space<hbm>>
        tpu.wait_indirect_dma semaphore(%arg12 : memref<!tpu.dma_semaphore, #tpu.memory_space<semaphore_mem>>) src(%dma_wait3A_65 : memref<10000x128xf32, #tpu.memory_space<hbm>>) dst(%arg8 : memref<128x128xf32, #tpu.memory_space<vmem>>)
        "tpu.region"() ({
          %run_scoped3A = tpu.sem_alloc : memref<!tpu.dma_semaphore, #tpu.memory_space<semaphore_mem>>
          %dma_start3A_66 = arith.constant 0 : i32
          %dma_start3A_67 = arith.constant 0 : i32
          %dma_start3A_68 = tpu.memref_slice %arg11[%dma_start3A_66, %dma_start3A_67] : memref<10240x128xf32, #tpu.memory_space<vmem_shared>> -> memref<10240x128xf32, #tpu.memory_space<vmem_shared>>
          tpu.enqueue_indirect_dma source(%arg8 : memref<128x128xf32, #tpu.memory_space<vmem>>) target(%dma_start3A_68 : memref<10240x128xf32, #tpu.memory_space<vmem_shared>>) offsets(%arg10 : memref<128xi32, #tpu.memory_space<vmem>>) semaphore(%run_scoped3A : memref<!tpu.dma_semaphore, #tpu.memory_space<semaphore_mem>>) {add = true}
          %dma_wait3A_69 = arith.constant 0 : i32
          %dma_wait3A_70 = arith.constant 0 : i32
          %dma_wait3A_71 = tpu.memref_slice %arg11[%dma_wait3A_69, %dma_wait3A_70] : memref<10240x128xf32, #tpu.memory_space<vmem_shared>> -> memref<10240x128xf32, #tpu.memory_space<vmem_shared>>
          tpu.wait_indirect_dma semaphore(%run_scoped3A : memref<!tpu.dma_semaphore, #tpu.memory_space<semaphore_mem>>) src(%arg8 : memref<128x128xf32, #tpu.memory_space<vmem>>) dst(%dma_wait3A_71 : memref<10240x128xf32, #tpu.memory_space<vmem_shared>>)
          tpu.yield
        }) : () -> ()
      }
    } else {
    }
    %barrier3A_37 = arith.constant 0 : index
    tpu.barrier barrier_id(%barrier3A_37)
    %mul3A_38 = arith.constant 640 : i32
    %mul3A_39 = arith.muli %arg1, %mul3A_38 : i32
    %eq3A_40 = arith.constant 0 : i32
    %eq3A_41 = arith.cmpi eq, %arg0, %eq3A_40 : i32
    %convert_element_type3A_42 = arith.extui %eq3A_41 : i1 to i32
    %cond3A_43 = arith.constant 0 : i32
    %cond3A_44 = arith.cmpi ne, %convert_element_type3A_42, %cond3A_43 : i32
    scf.if %cond3A_44 {
      "tpu.region"() ({
        %run_scoped3A = tpu.sem_alloc : memref<!tpu.dma_semaphore, #tpu.memory_space<semaphore_mem>>
        %dma_start3A = arith.constant 0 : i32
        %dma_start3A_50 = tpu.memref_slice %arg6[%mul3A_39, %dma_start3A] : memref<10240x128xf32, #tpu.memory_space<hbm>> -> memref<640x128xf32, #tpu.memory_space<hbm>>
        %dma_start3A_51 = arith.constant 0 : i32
        %dma_start3A_52 = tpu.memref_slice %arg11[%mul3A_39, %dma_start3A_51] : memref<10240x128xf32, #tpu.memory_space<vmem_shared>> -> memref<640x128xf32, #tpu.memory_space<vmem_shared>>
        tpu.enqueue_dma source(%dma_start3A_52 : memref<640x128xf32, #tpu.memory_space<vmem_shared>>) target(%dma_start3A_50 : memref<640x128xf32, #tpu.memory_space<hbm>>) target_semaphore(%run_scoped3A : memref<!tpu.dma_semaphore, #tpu.memory_space<semaphore_mem>>)
        %dma_wait3A = arith.constant 0 : i32
        %dma_wait3A_53 = tpu.memref_slice %arg6[%mul3A_39, %dma_wait3A] : memref<10240x128xf32, #tpu.memory_space<hbm>> -> memref<640x128xf32, #tpu.memory_space<hbm>>
        %dma_wait3A_54 = arith.constant 0 : i32
        %dma_wait3A_55 = tpu.memref_slice %arg11[%mul3A_39, %dma_wait3A_54] : memref<10240x128xf32, #tpu.memory_space<vmem_shared>> -> memref<640x128xf32, #tpu.memory_space<vmem_shared>>
        tpu.wait_dma2 semaphore(%run_scoped3A : memref<!tpu.dma_semaphore, #tpu.memory_space<semaphore_mem>>) src(%dma_wait3A_55 : memref<640x128xf32, #tpu.memory_space<vmem_shared>>) dst(%dma_wait3A_53 : memref<640x128xf32, #tpu.memory_space<hbm>>)
        tpu.yield
      }) : () -> ()
    } else {
    }
    %eq3A_45 = arith.constant 1 : i32
    %eq3A_46 = arith.cmpi eq, %arg0, %eq3A_45 : i32
    %convert_element_type3A_47 = arith.extui %eq3A_46 : i1 to i32
    %cond3A_48 = arith.constant 0 : i32
    %cond3A_49 = arith.cmpi ne, %convert_element_type3A_47, %cond3A_48 : i32
    scf.if %cond3A_49 {
      "tpu.region"() ({
        %run_scoped3A = tpu.sem_alloc : memref<!tpu.dma_semaphore, #tpu.memory_space<semaphore_mem>>
        %dma_start3A = arith.constant 0 : i32
        %dma_start3A_50 = tpu.memref_slice %arg7[%mul3A_39, %dma_start3A] : memref<10240x128xf32, #tpu.memory_space<hbm>> -> memref<640x128xf32, #tpu.memory_space<hbm>>
        %dma_start3A_51 = arith.constant 0 : i32
        %dma_start3A_52 = tpu.memref_slice %arg11[%mul3A_39, %dma_start3A_51] : memref<10240x128xf32, #tpu.memory_space<vmem_shared>> -> memref<640x128xf32, #tpu.memory_space<vmem_shared>>
        tpu.enqueue_dma source(%dma_start3A_52 : memref<640x128xf32, #tpu.memory_space<vmem_shared>>) target(%dma_start3A_50 : memref<640x128xf32, #tpu.memory_space<hbm>>) target_semaphore(%run_scoped3A : memref<!tpu.dma_semaphore, #tpu.memory_space<semaphore_mem>>)
        %dma_wait3A = arith.constant 0 : i32
        %dma_wait3A_53 = tpu.memref_slice %arg7[%mul3A_39, %dma_wait3A] : memref<10240x128xf32, #tpu.memory_space<hbm>> -> memref<640x128xf32, #tpu.memory_space<hbm>>
        %dma_wait3A_54 = arith.constant 0 : i32
        %dma_wait3A_55 = tpu.memref_slice %arg11[%mul3A_39, %dma_wait3A_54] : memref<10240x128xf32, #tpu.memory_space<vmem_shared>> -> memref<640x128xf32, #tpu.memory_space<vmem_shared>>
        tpu.wait_dma2 semaphore(%run_scoped3A : memref<!tpu.dma_semaphore, #tpu.memory_space<semaphore_mem>>) src(%dma_wait3A_55 : memref<640x128xf32, #tpu.memory_space<vmem_shared>>) dst(%dma_wait3A_53 : memref<640x128xf32, #tpu.memory_space<hbm>>)
        tpu.yield
      }) : () -> ()
    } else {
    }
    return
  }
}

#map = affine_map<(d0, d1) -> (0, 0)>
#map1 = affine_map<(d0, d1) -> (0)>
module attributes {stable_mosaic.version = 14 : i64} {
  func.func @agg_kernel(%arg0: i32, %arg1: i32, %arg2: memref<10000x128xf32, #tpu.memory_space<hbm>>, %arg3: memref<10000x128xf32, #tpu.memory_space<hbm>>, %arg4: memref<160000xi32, #tpu.memory_space<hbm>>, %arg5: memref<160000xi32, #tpu.memory_space<hbm>>, %arg6: memref<10240x128xf32, #tpu.memory_space<hbm>>, %arg7: memref<10240x128xf32, #tpu.memory_space<hbm>>, %arg8: memref<128x128xf32, #tpu.memory_space<vmem>>, %arg9: memref<128xi32, #tpu.memory_space<vmem>>, %arg10: memref<128xi32, #tpu.memory_space<vmem>>, %arg11: memref<10240x128xf32, #tpu.memory_space<vmem_shared>>, %arg12: memref<!tpu.dma_semaphore, #tpu.memory_space<semaphore_mem>>) attributes {dimension_semantics = [#tpu.dimension_semantics<core_parallel>, #tpu.dimension_semantics<subcore_parallel>], iteration_bounds = array<i64: 2, 16>, scalar_prefetch = 0 : i64, scratch_operands = 5 : i64, tpu.core_type = #tpu.core_type<sc_vector_subcore>, window_params = [{transform_indices = #map}, {transform_indices = #map}, {transform_indices = #map1}, {transform_indices = #map1}, {transform_indices = #map}, {transform_indices = #map}]} {
    %scan3A = arith.constant 0 : i32
    %scan3A_0 = arith.constant 128 : i32
    %scan3A_1 = arith.addi %scan3A, %scan3A_0 : i32
    %scan3A_2 = arith.constant 1 : i32
    scf.for %scan3A_49 = %scan3A to %scan3A_1 step %scan3A_2  : i32 {
      %broadcast_in_dim3A = arith.constant 0.000000e+00 : f32
      %broadcast_in_dim3A_50 = vector.broadcast %broadcast_in_dim3A : f32 to vector<16xf32>
      %swap3A = arith.index_cast %scan3A_49 : i32 to index
      %swap3A_51 = arith.constant 0 : index
      %swap3A_52 = tpu.vector_load %arg8[%swap3A, %swap3A_51] {strides = array<i32>} : memref<128x128xf32, #tpu.memory_space<vmem>>, vector<1x16xf32>,
      %swap3A_53 = vector.shape_cast %swap3A_52 : vector<1x16xf32> to vector<16xf32>
      %swap3A_54 = vector.shape_cast %broadcast_in_dim3A_50 : vector<16xf32> to vector<1x16xf32>
      tpu.vector_store %arg8[%swap3A, %swap3A_51], %swap3A_54 {strides = array<i32>} : memref<128x128xf32, #tpu.memory_space<vmem>>, vector<1x16xf32>,
      %broadcast_in_dim3A_55 = arith.constant 0.000000e+00 : f32
      %broadcast_in_dim3A_56 = vector.broadcast %broadcast_in_dim3A_55 : f32 to vector<16xf32>
      %swap3A_57 = arith.index_cast %scan3A_49 : i32 to index
      %swap3A_58 = arith.constant 16 : index
      %swap3A_59 = tpu.vector_load %arg8[%swap3A_57, %swap3A_58] {strides = array<i32>} : memref<128x128xf32, #tpu.memory_space<vmem>>, vector<1x16xf32>,
      %swap3A_60 = vector.shape_cast %swap3A_59 : vector<1x16xf32> to vector<16xf32>
      %swap3A_61 = vector.shape_cast %broadcast_in_dim3A_56 : vector<16xf32> to vector<1x16xf32>
      tpu.vector_store %arg8[%swap3A_57, %swap3A_58], %swap3A_61 {strides = array<i32>} : memref<128x128xf32, #tpu.memory_space<vmem>>, vector<1x16xf32>,
      %broadcast_in_dim3A_62 = arith.constant 0.000000e+00 : f32
      %broadcast_in_dim3A_63 = vector.broadcast %broadcast_in_dim3A_62 : f32 to vector<16xf32>
      %swap3A_64 = arith.index_cast %scan3A_49 : i32 to index
      %swap3A_65 = arith.constant 32 : index
      %swap3A_66 = tpu.vector_load %arg8[%swap3A_64, %swap3A_65] {strides = array<i32>} : memref<128x128xf32, #tpu.memory_space<vmem>>, vector<1x16xf32>,
      %swap3A_67 = vector.shape_cast %swap3A_66 : vector<1x16xf32> to vector<16xf32>
      %swap3A_68 = vector.shape_cast %broadcast_in_dim3A_63 : vector<16xf32> to vector<1x16xf32>
      tpu.vector_store %arg8[%swap3A_64, %swap3A_65], %swap3A_68 {strides = array<i32>} : memref<128x128xf32, #tpu.memory_space<vmem>>, vector<1x16xf32>,
      %broadcast_in_dim3A_69 = arith.constant 0.000000e+00 : f32
      %broadcast_in_dim3A_70 = vector.broadcast %broadcast_in_dim3A_69 : f32 to vector<16xf32>
      %swap3A_71 = arith.index_cast %scan3A_49 : i32 to index
      %swap3A_72 = arith.constant 48 : index
      %swap3A_73 = tpu.vector_load %arg8[%swap3A_71, %swap3A_72] {strides = array<i32>} : memref<128x128xf32, #tpu.memory_space<vmem>>, vector<1x16xf32>,
      %swap3A_74 = vector.shape_cast %swap3A_73 : vector<1x16xf32> to vector<16xf32>
      %swap3A_75 = vector.shape_cast %broadcast_in_dim3A_70 : vector<16xf32> to vector<1x16xf32>
      tpu.vector_store %arg8[%swap3A_71, %swap3A_72], %swap3A_75 {strides = array<i32>} : memref<128x128xf32, #tpu.memory_space<vmem>>, vector<1x16xf32>,
      %broadcast_in_dim3A_76 = arith.constant 0.000000e+00 : f32
      %broadcast_in_dim3A_77 = vector.broadcast %broadcast_in_dim3A_76 : f32 to vector<16xf32>
      %swap3A_78 = arith.index_cast %scan3A_49 : i32 to index
      %swap3A_79 = arith.constant 64 : index
      %swap3A_80 = tpu.vector_load %arg8[%swap3A_78, %swap3A_79] {strides = array<i32>} : memref<128x128xf32, #tpu.memory_space<vmem>>, vector<1x16xf32>,
      %swap3A_81 = vector.shape_cast %swap3A_80 : vector<1x16xf32> to vector<16xf32>
      %swap3A_82 = vector.shape_cast %broadcast_in_dim3A_77 : vector<16xf32> to vector<1x16xf32>
      tpu.vector_store %arg8[%swap3A_78, %swap3A_79], %swap3A_82 {strides = array<i32>} : memref<128x128xf32, #tpu.memory_space<vmem>>, vector<1x16xf32>,
      %broadcast_in_dim3A_83 = arith.constant 0.000000e+00 : f32
      %broadcast_in_dim3A_84 = vector.broadcast %broadcast_in_dim3A_83 : f32 to vector<16xf32>
      %swap3A_85 = arith.index_cast %scan3A_49 : i32 to index
      %swap3A_86 = arith.constant 80 : index
      %swap3A_87 = tpu.vector_load %arg8[%swap3A_85, %swap3A_86] {strides = array<i32>} : memref<128x128xf32, #tpu.memory_space<vmem>>, vector<1x16xf32>,
      %swap3A_88 = vector.shape_cast %swap3A_87 : vector<1x16xf32> to vector<16xf32>
      %swap3A_89 = vector.shape_cast %broadcast_in_dim3A_84 : vector<16xf32> to vector<1x16xf32>
      tpu.vector_store %arg8[%swap3A_85, %swap3A_86], %swap3A_89 {strides = array<i32>} : memref<128x128xf32, #tpu.memory_space<vmem>>, vector<1x16xf32>,
      %broadcast_in_dim3A_90 = arith.constant 0.000000e+00 : f32
      %broadcast_in_dim3A_91 = vector.broadcast %broadcast_in_dim3A_90 : f32 to vector<16xf32>
      %swap3A_92 = arith.index_cast %scan3A_49 : i32 to index
      %swap3A_93 = arith.constant 96 : index
      %swap3A_94 = tpu.vector_load %arg8[%swap3A_92, %swap3A_93] {strides = array<i32>} : memref<128x128xf32, #tpu.memory_space<vmem>>, vector<1x16xf32>,
      %swap3A_95 = vector.shape_cast %swap3A_94 : vector<1x16xf32> to vector<16xf32>
      %swap3A_96 = vector.shape_cast %broadcast_in_dim3A_91 : vector<16xf32> to vector<1x16xf32>
      tpu.vector_store %arg8[%swap3A_92, %swap3A_93], %swap3A_96 {strides = array<i32>} : memref<128x128xf32, #tpu.memory_space<vmem>>, vector<1x16xf32>,
      %broadcast_in_dim3A_97 = arith.constant 0.000000e+00 : f32
      %broadcast_in_dim3A_98 = vector.broadcast %broadcast_in_dim3A_97 : f32 to vector<16xf32>
      %swap3A_99 = arith.index_cast %scan3A_49 : i32 to index
      %swap3A_100 = arith.constant 112 : index
      %swap3A_101 = tpu.vector_load %arg8[%swap3A_99, %swap3A_100] {strides = array<i32>} : memref<128x128xf32, #tpu.memory_space<vmem>>, vector<1x16xf32>,
      %swap3A_102 = vector.shape_cast %swap3A_101 : vector<1x16xf32> to vector<16xf32>
      %swap3A_103 = vector.shape_cast %broadcast_in_dim3A_98 : vector<16xf32> to vector<1x16xf32>
      tpu.vector_store %arg8[%swap3A_99, %swap3A_100], %swap3A_103 {strides = array<i32>} : memref<128x128xf32, #tpu.memory_space<vmem>>, vector<1x16xf32>,
    }
    %scan3A_3 = arith.constant 128 : i32
    %mul3A = arith.constant 640 : i32
    %mul3A_4 = arith.muli %arg1, %mul3A : i32
    %add3A = arith.constant 0 : i32
    %add3A_5 = arith.addi %mul3A_4, %add3A : i32
    "tpu.region"() ({
      %run_scoped3A = tpu.sem_alloc : memref<!tpu.dma_semaphore, #tpu.memory_space<semaphore_mem>>
      %dma_start3A = arith.constant 0 : i32
      %dma_start3A_49 = tpu.memref_slice %arg11[%add3A_5, %dma_start3A] : memref<10240x128xf32, #tpu.memory_space<vmem_shared>> -> memref<128x128xf32, #tpu.memory_space<vmem_shared>>
      %dma_start3A_50 = arith.constant 0 : i32
      %dma_start3A_51 = tpu.memref_slice %arg11[%add3A_5, %dma_start3A_50] : memref<10240x128xf32, #tpu.memory_space<vmem_shared>> -> memref<128x128xf32, #tpu.memory_space<vmem_shared>>
      tpu.enqueue_dma source(%arg8 : memref<128x128xf32, #tpu.memory_space<vmem>>) target(%dma_start3A_51 : memref<128x128xf32, #tpu.memory_space<vmem_shared>>) target_semaphore(%run_scoped3A : memref<!tpu.dma_semaphore, #tpu.memory_space<semaphore_mem>>)
      %dma_wait3A = arith.constant 0 : i32
      %dma_wait3A_52 = tpu.memref_slice %arg11[%add3A_5, %dma_wait3A] : memref<10240x128xf32, #tpu.memory_space<vmem_shared>> -> memref<128x128xf32, #tpu.memory_space<vmem_shared>>
      %dma_wait3A_53 = arith.constant 0 : i32
      %dma_wait3A_54 = tpu.memref_slice %arg11[%add3A_5, %dma_wait3A_53] : memref<10240x128xf32, #tpu.memory_space<vmem_shared>> -> memref<128x128xf32, #tpu.memory_space<vmem_shared>>
      tpu.wait_dma2 semaphore(%run_scoped3A : memref<!tpu.dma_semaphore, #tpu.memory_space<semaphore_mem>>) src(%arg8 : memref<128x128xf32, #tpu.memory_space<vmem>>) dst(%dma_wait3A_54 : memref<128x128xf32, #tpu.memory_space<vmem_shared>>)
      tpu.yield
    }) : () -> ()
    %mul3A_6 = arith.constant 640 : i32
    %mul3A_7 = arith.muli %arg1, %mul3A_6 : i32
    %add3A_8 = arith.constant 128 : i32
    %add3A_9 = arith.addi %mul3A_7, %add3A_8 : i32
    "tpu.region"() ({
      %run_scoped3A = tpu.sem_alloc : memref<!tpu.dma_semaphore, #tpu.memory_space<semaphore_mem>>
      %dma_start3A = arith.constant 0 : i32
      %dma_start3A_49 = tpu.memref_slice %arg11[%add3A_9, %dma_start3A] : memref<10240x128xf32, #tpu.memory_space<vmem_shared>> -> memref<128x128xf32, #tpu.memory_space<vmem_shared>>
      %dma_start3A_50 = arith.constant 0 : i32
      %dma_start3A_51 = tpu.memref_slice %arg11[%add3A_9, %dma_start3A_50] : memref<10240x128xf32, #tpu.memory_space<vmem_shared>> -> memref<128x128xf32, #tpu.memory_space<vmem_shared>>
      tpu.enqueue_dma source(%arg8 : memref<128x128xf32, #tpu.memory_space<vmem>>) target(%dma_start3A_51 : memref<128x128xf32, #tpu.memory_space<vmem_shared>>) target_semaphore(%run_scoped3A : memref<!tpu.dma_semaphore, #tpu.memory_space<semaphore_mem>>)
      %dma_wait3A = arith.constant 0 : i32
      %dma_wait3A_52 = tpu.memref_slice %arg11[%add3A_9, %dma_wait3A] : memref<10240x128xf32, #tpu.memory_space<vmem_shared>> -> memref<128x128xf32, #tpu.memory_space<vmem_shared>>
      %dma_wait3A_53 = arith.constant 0 : i32
      %dma_wait3A_54 = tpu.memref_slice %arg11[%add3A_9, %dma_wait3A_53] : memref<10240x128xf32, #tpu.memory_space<vmem_shared>> -> memref<128x128xf32, #tpu.memory_space<vmem_shared>>
      tpu.wait_dma2 semaphore(%run_scoped3A : memref<!tpu.dma_semaphore, #tpu.memory_space<semaphore_mem>>) src(%arg8 : memref<128x128xf32, #tpu.memory_space<vmem>>) dst(%dma_wait3A_54 : memref<128x128xf32, #tpu.memory_space<vmem_shared>>)
      tpu.yield
    }) : () -> ()
    %mul3A_10 = arith.constant 640 : i32
    %mul3A_11 = arith.muli %arg1, %mul3A_10 : i32
    %add3A_12 = arith.constant 256 : i32
    %add3A_13 = arith.addi %mul3A_11, %add3A_12 : i32
    "tpu.region"() ({
      %run_scoped3A = tpu.sem_alloc : memref<!tpu.dma_semaphore, #tpu.memory_space<semaphore_mem>>
      %dma_start3A = arith.constant 0 : i32
      %dma_start3A_49 = tpu.memref_slice %arg11[%add3A_13, %dma_start3A] : memref<10240x128xf32, #tpu.memory_space<vmem_shared>> -> memref<128x128xf32, #tpu.memory_space<vmem_shared>>
      %dma_start3A_50 = arith.constant 0 : i32
      %dma_start3A_51 = tpu.memref_slice %arg11[%add3A_13, %dma_start3A_50] : memref<10240x128xf32, #tpu.memory_space<vmem_shared>> -> memref<128x128xf32, #tpu.memory_space<vmem_shared>>
      tpu.enqueue_dma source(%arg8 : memref<128x128xf32, #tpu.memory_space<vmem>>) target(%dma_start3A_51 : memref<128x128xf32, #tpu.memory_space<vmem_shared>>) target_semaphore(%run_scoped3A : memref<!tpu.dma_semaphore, #tpu.memory_space<semaphore_mem>>)
      %dma_wait3A = arith.constant 0 : i32
      %dma_wait3A_52 = tpu.memref_slice %arg11[%add3A_13, %dma_wait3A] : memref<10240x128xf32, #tpu.memory_space<vmem_shared>> -> memref<128x128xf32, #tpu.memory_space<vmem_shared>>
      %dma_wait3A_53 = arith.constant 0 : i32
      %dma_wait3A_54 = tpu.memref_slice %arg11[%add3A_13, %dma_wait3A_53] : memref<10240x128xf32, #tpu.memory_space<vmem_shared>> -> memref<128x128xf32, #tpu.memory_space<vmem_shared>>
      tpu.wait_dma2 semaphore(%run_scoped3A : memref<!tpu.dma_semaphore, #tpu.memory_space<semaphore_mem>>) src(%arg8 : memref<128x128xf32, #tpu.memory_space<vmem>>) dst(%dma_wait3A_54 : memref<128x128xf32, #tpu.memory_space<vmem_shared>>)
      tpu.yield
    }) : () -> ()
    %mul3A_14 = arith.constant 640 : i32
    %mul3A_15 = arith.muli %arg1, %mul3A_14 : i32
    %add3A_16 = arith.constant 384 : i32
    %add3A_17 = arith.addi %mul3A_15, %add3A_16 : i32
    "tpu.region"() ({
      %run_scoped3A = tpu.sem_alloc : memref<!tpu.dma_semaphore, #tpu.memory_space<semaphore_mem>>
      %dma_start3A = arith.constant 0 : i32
      %dma_start3A_49 = tpu.memref_slice %arg11[%add3A_17, %dma_start3A] : memref<10240x128xf32, #tpu.memory_space<vmem_shared>> -> memref<128x128xf32, #tpu.memory_space<vmem_shared>>
      %dma_start3A_50 = arith.constant 0 : i32
      %dma_start3A_51 = tpu.memref_slice %arg11[%add3A_17, %dma_start3A_50] : memref<10240x128xf32, #tpu.memory_space<vmem_shared>> -> memref<128x128xf32, #tpu.memory_space<vmem_shared>>
      tpu.enqueue_dma source(%arg8 : memref<128x128xf32, #tpu.memory_space<vmem>>) target(%dma_start3A_51 : memref<128x128xf32, #tpu.memory_space<vmem_shared>>) target_semaphore(%run_scoped3A : memref<!tpu.dma_semaphore, #tpu.memory_space<semaphore_mem>>)
      %dma_wait3A = arith.constant 0 : i32
      %dma_wait3A_52 = tpu.memref_slice %arg11[%add3A_17, %dma_wait3A] : memref<10240x128xf32, #tpu.memory_space<vmem_shared>> -> memref<128x128xf32, #tpu.memory_space<vmem_shared>>
      %dma_wait3A_53 = arith.constant 0 : i32
      %dma_wait3A_54 = tpu.memref_slice %arg11[%add3A_17, %dma_wait3A_53] : memref<10240x128xf32, #tpu.memory_space<vmem_shared>> -> memref<128x128xf32, #tpu.memory_space<vmem_shared>>
      tpu.wait_dma2 semaphore(%run_scoped3A : memref<!tpu.dma_semaphore, #tpu.memory_space<semaphore_mem>>) src(%arg8 : memref<128x128xf32, #tpu.memory_space<vmem>>) dst(%dma_wait3A_54 : memref<128x128xf32, #tpu.memory_space<vmem_shared>>)
      tpu.yield
    }) : () -> ()
    %mul3A_18 = arith.constant 640 : i32
    %mul3A_19 = arith.muli %arg1, %mul3A_18 : i32
    %add3A_20 = arith.constant 512 : i32
    %add3A_21 = arith.addi %mul3A_19, %add3A_20 : i32
    "tpu.region"() ({
      %run_scoped3A = tpu.sem_alloc : memref<!tpu.dma_semaphore, #tpu.memory_space<semaphore_mem>>
      %dma_start3A = arith.constant 0 : i32
      %dma_start3A_49 = tpu.memref_slice %arg11[%add3A_21, %dma_start3A] : memref<10240x128xf32, #tpu.memory_space<vmem_shared>> -> memref<128x128xf32, #tpu.memory_space<vmem_shared>>
      %dma_start3A_50 = arith.constant 0 : i32
      %dma_start3A_51 = tpu.memref_slice %arg11[%add3A_21, %dma_start3A_50] : memref<10240x128xf32, #tpu.memory_space<vmem_shared>> -> memref<128x128xf32, #tpu.memory_space<vmem_shared>>
      tpu.enqueue_dma source(%arg8 : memref<128x128xf32, #tpu.memory_space<vmem>>) target(%dma_start3A_51 : memref<128x128xf32, #tpu.memory_space<vmem_shared>>) target_semaphore(%run_scoped3A : memref<!tpu.dma_semaphore, #tpu.memory_space<semaphore_mem>>)
      %dma_wait3A = arith.constant 0 : i32
      %dma_wait3A_52 = tpu.memref_slice %arg11[%add3A_21, %dma_wait3A] : memref<10240x128xf32, #tpu.memory_space<vmem_shared>> -> memref<128x128xf32, #tpu.memory_space<vmem_shared>>
      %dma_wait3A_53 = arith.constant 0 : i32
      %dma_wait3A_54 = tpu.memref_slice %arg11[%add3A_21, %dma_wait3A_53] : memref<10240x128xf32, #tpu.memory_space<vmem_shared>> -> memref<128x128xf32, #tpu.memory_space<vmem_shared>>
      tpu.wait_dma2 semaphore(%run_scoped3A : memref<!tpu.dma_semaphore, #tpu.memory_space<semaphore_mem>>) src(%arg8 : memref<128x128xf32, #tpu.memory_space<vmem>>) dst(%dma_wait3A_54 : memref<128x128xf32, #tpu.memory_space<vmem_shared>>)
      tpu.yield
    }) : () -> ()
    %barrier3A = arith.constant 0 : index
    tpu.barrier barrier_id(%barrier3A)
    %eq3A = arith.constant 15 : i32
    %eq3A_22 = arith.cmpi eq, %arg1, %eq3A : i32
    %jit3A = arith.constant 80 : i32
    %jit3A_23 = arith.constant 78 : i32
    %select_n3A = arith.select %eq3A_22, %jit3A, %jit3A_23 : i32
    %mul3A_24 = arith.constant 9984 : i32
    %mul3A_25 = arith.muli %arg1, %mul3A_24 : i32
    %add3A_26 = arith.constant 0 : i32
    %add3A_27 = arith.addi %add3A_26, %mul3A_25 : i32
    %eq3A_28 = arith.constant 0 : i32
    %eq3A_29 = arith.cmpi eq, %arg0, %eq3A_28 : i32
    %convert_element_type3A = arith.extui %eq3A_29 : i1 to i32
    %cond3A = arith.constant 0 : i32
    %cond3A_30 = arith.cmpi ne, %convert_element_type3A, %cond3A : i32
    scf.if %cond3A_30 {
      %while3A = arith.constant 0 : i32
      %while3A_49 = arith.subi %select_n3A, %while3A : i32
      %while3A_50 = arith.addi %while3A, %while3A_49 : i32
      %while3A_51 = arith.constant 1 : i32
      %while3A_52 = arith.divsi %while3A_49, %while3A_51 : i32
      %while3A_53 = arith.muli %while3A_52, %while3A_51 : i32
      %while3A_54 = arith.addi %while3A, %while3A_53 : i32
      %while3A_55 = arith.constant 1 : i32
      scf.for %while3A_57 = %while3A to %while3A_54 step %while3A_55  : i32 {
        %mul3A_58 = arith.constant 128 : i32
        %mul3A_59 = arith.muli %while3A_57, %mul3A_58 : i32
        %add3A_60 = arith.addi %add3A_27, %mul3A_59 : i32
        "tpu.region"() ({
          %run_scoped3A = tpu.sem_alloc : memref<!tpu.dma_semaphore, #tpu.memory_space<semaphore_mem>>
          %dma_start3A_65 = tpu.memref_slice %arg4[%add3A_60] : memref<160000xi32, #tpu.memory_space<hbm>> -> memref<128xi32, #tpu.memory_space<hbm>>
          %dma_start3A_66 = tpu.memref_slice %arg4[%add3A_60] : memref<160000xi32, #tpu.memory_space<hbm>> -> memref<128xi32, #tpu.memory_space<hbm>>
          tpu.enqueue_dma source(%dma_start3A_66 : memref<128xi32, #tpu.memory_space<hbm>>) target(%arg9 : memref<128xi32, #tpu.memory_space<vmem>>) target_semaphore(%run_scoped3A : memref<!tpu.dma_semaphore, #tpu.memory_space<semaphore_mem>>)
          %dma_wait3A_67 = tpu.memref_slice %arg4[%add3A_60] : memref<160000xi32, #tpu.memory_space<hbm>> -> memref<128xi32, #tpu.memory_space<hbm>>
          %dma_wait3A_68 = tpu.memref_slice %arg4[%add3A_60] : memref<160000xi32, #tpu.memory_space<hbm>> -> memref<128xi32, #tpu.memory_space<hbm>>
          tpu.wait_dma2 semaphore(%run_scoped3A : memref<!tpu.dma_semaphore, #tpu.memory_space<semaphore_mem>>) src(%dma_wait3A_68 : memref<128xi32, #tpu.memory_space<hbm>>) dst(%arg9 : memref<128xi32, #tpu.memory_space<vmem>>)
          tpu.yield
        }) : () -> ()
        "tpu.region"() ({
          %run_scoped3A = tpu.sem_alloc : memref<!tpu.dma_semaphore, #tpu.memory_space<semaphore_mem>>
          %dma_start3A_65 = tpu.memref_slice %arg5[%add3A_60] : memref<160000xi32, #tpu.memory_space<hbm>> -> memref<128xi32, #tpu.memory_space<hbm>>
          %dma_start3A_66 = tpu.memref_slice %arg5[%add3A_60] : memref<160000xi32, #tpu.memory_space<hbm>> -> memref<128xi32, #tpu.memory_space<hbm>>
          tpu.enqueue_dma source(%dma_start3A_66 : memref<128xi32, #tpu.memory_space<hbm>>) target(%arg10 : memref<128xi32, #tpu.memory_space<vmem>>) target_semaphore(%run_scoped3A : memref<!tpu.dma_semaphore, #tpu.memory_space<semaphore_mem>>)
          %dma_wait3A_67 = tpu.memref_slice %arg5[%add3A_60] : memref<160000xi32, #tpu.memory_space<hbm>> -> memref<128xi32, #tpu.memory_space<hbm>>
          %dma_wait3A_68 = tpu.memref_slice %arg5[%add3A_60] : memref<160000xi32, #tpu.memory_space<hbm>> -> memref<128xi32, #tpu.memory_space<hbm>>
          tpu.wait_dma2 semaphore(%run_scoped3A : memref<!tpu.dma_semaphore, #tpu.memory_space<semaphore_mem>>) src(%dma_wait3A_68 : memref<128xi32, #tpu.memory_space<hbm>>) dst(%arg10 : memref<128xi32, #tpu.memory_space<vmem>>)
          tpu.yield
        }) : () -> ()
        %dma_start3A = arith.constant 0 : i32
        %dma_start3A_61 = arith.constant 0 : i32
        %dma_start3A_62 = tpu.memref_slice %arg2[%dma_start3A, %dma_start3A_61] : memref<10000x128xf32, #tpu.memory_space<hbm>> -> memref<10000x128xf32, #tpu.memory_space<hbm>>
        tpu.enqueue_indirect_dma source(%dma_start3A_62 : memref<10000x128xf32, #tpu.memory_space<hbm>>) target(%arg8 : memref<128x128xf32, #tpu.memory_space<vmem>>) offsets(%arg9 : memref<128xi32, #tpu.memory_space<vmem>>) semaphore(%arg12 : memref<!tpu.dma_semaphore, #tpu.memory_space<semaphore_mem>>)
        %dma_wait3A = arith.constant 0 : i32
        %dma_wait3A_63 = arith.constant 0 : i32
        %dma_wait3A_64 = tpu.memref_slice %arg2[%dma_wait3A, %dma_wait3A_63] : memref<10000x128xf32, #tpu.memory_space<hbm>> -> memref<10000x128xf32, #tpu.memory_space<hbm>>
        tpu.wait_indirect_dma semaphore(%arg12 : memref<!tpu.dma_semaphore, #tpu.memory_space<semaphore_mem>>) src(%dma_wait3A_64 : memref<10000x128xf32, #tpu.memory_space<hbm>>) dst(%arg8 : memref<128x128xf32, #tpu.memory_space<vmem>>)
        "tpu.region"() ({
          %run_scoped3A = tpu.sem_alloc : memref<!tpu.dma_semaphore, #tpu.memory_space<semaphore_mem>>
          %dma_start3A_65 = arith.constant 0 : i32
          %dma_start3A_66 = arith.constant 0 : i32
          %dma_start3A_67 = tpu.memref_slice %arg11[%dma_start3A_65, %dma_start3A_66] : memref<10240x128xf32, #tpu.memory_space<vmem_shared>> -> memref<10240x128xf32, #tpu.memory_space<vmem_shared>>
          tpu.enqueue_indirect_dma source(%arg8 : memref<128x128xf32, #tpu.memory_space<vmem>>) target(%dma_start3A_67 : memref<10240x128xf32, #tpu.memory_space<vmem_shared>>) offsets(%arg10 : memref<128xi32, #tpu.memory_space<vmem>>) semaphore(%run_scoped3A : memref<!tpu.dma_semaphore, #tpu.memory_space<semaphore_mem>>) {add = true}
          %dma_wait3A_68 = arith.constant 0 : i32
          %dma_wait3A_69 = arith.constant 0 : i32
          %dma_wait3A_70 = tpu.memref_slice %arg11[%dma_wait3A_68, %dma_wait3A_69] : memref<10240x128xf32, #tpu.memory_space<vmem_shared>> -> memref<10240x128xf32, #tpu.memory_space<vmem_shared>>
          tpu.wait_indirect_dma semaphore(%run_scoped3A : memref<!tpu.dma_semaphore, #tpu.memory_space<semaphore_mem>>) src(%arg8 : memref<128x128xf32, #tpu.memory_space<vmem>>) dst(%dma_wait3A_70 : memref<10240x128xf32, #tpu.memory_space<vmem_shared>>)
          tpu.yield
        }) : () -> ()
      }
      %while3A_56 = arith.constant 1 : i32
      scf.for %while3A_57 = %while3A_54 to %while3A_50 step %while3A_56  : i32 {
        %mul3A_58 = arith.constant 128 : i32
        %mul3A_59 = arith.muli %while3A_57, %mul3A_58 : i32
        %add3A_60 = arith.addi %add3A_27, %mul3A_59 : i32
        "tpu.region"() ({
          %run_scoped3A = tpu.sem_alloc : memref<!tpu.dma_semaphore, #tpu.memory_space<semaphore_mem>>
          %dma_start3A_65 = tpu.memref_slice %arg4[%add3A_60] : memref<160000xi32, #tpu.memory_space<hbm>> -> memref<128xi32, #tpu.memory_space<hbm>>
          %dma_start3A_66 = tpu.memref_slice %arg4[%add3A_60] : memref<160000xi32, #tpu.memory_space<hbm>> -> memref<128xi32, #tpu.memory_space<hbm>>
          tpu.enqueue_dma source(%dma_start3A_66 : memref<128xi32, #tpu.memory_space<hbm>>) target(%arg9 : memref<128xi32, #tpu.memory_space<vmem>>) target_semaphore(%run_scoped3A : memref<!tpu.dma_semaphore, #tpu.memory_space<semaphore_mem>>)
          %dma_wait3A_67 = tpu.memref_slice %arg4[%add3A_60] : memref<160000xi32, #tpu.memory_space<hbm>> -> memref<128xi32, #tpu.memory_space<hbm>>
          %dma_wait3A_68 = tpu.memref_slice %arg4[%add3A_60] : memref<160000xi32, #tpu.memory_space<hbm>> -> memref<128xi32, #tpu.memory_space<hbm>>
          tpu.wait_dma2 semaphore(%run_scoped3A : memref<!tpu.dma_semaphore, #tpu.memory_space<semaphore_mem>>) src(%dma_wait3A_68 : memref<128xi32, #tpu.memory_space<hbm>>) dst(%arg9 : memref<128xi32, #tpu.memory_space<vmem>>)
          tpu.yield
        }) : () -> ()
        "tpu.region"() ({
          %run_scoped3A = tpu.sem_alloc : memref<!tpu.dma_semaphore, #tpu.memory_space<semaphore_mem>>
          %dma_start3A_65 = tpu.memref_slice %arg5[%add3A_60] : memref<160000xi32, #tpu.memory_space<hbm>> -> memref<128xi32, #tpu.memory_space<hbm>>
          %dma_start3A_66 = tpu.memref_slice %arg5[%add3A_60] : memref<160000xi32, #tpu.memory_space<hbm>> -> memref<128xi32, #tpu.memory_space<hbm>>
          tpu.enqueue_dma source(%dma_start3A_66 : memref<128xi32, #tpu.memory_space<hbm>>) target(%arg10 : memref<128xi32, #tpu.memory_space<vmem>>) target_semaphore(%run_scoped3A : memref<!tpu.dma_semaphore, #tpu.memory_space<semaphore_mem>>)
          %dma_wait3A_67 = tpu.memref_slice %arg5[%add3A_60] : memref<160000xi32, #tpu.memory_space<hbm>> -> memref<128xi32, #tpu.memory_space<hbm>>
          %dma_wait3A_68 = tpu.memref_slice %arg5[%add3A_60] : memref<160000xi32, #tpu.memory_space<hbm>> -> memref<128xi32, #tpu.memory_space<hbm>>
          tpu.wait_dma2 semaphore(%run_scoped3A : memref<!tpu.dma_semaphore, #tpu.memory_space<semaphore_mem>>) src(%dma_wait3A_68 : memref<128xi32, #tpu.memory_space<hbm>>) dst(%arg10 : memref<128xi32, #tpu.memory_space<vmem>>)
          tpu.yield
        }) : () -> ()
        %dma_start3A = arith.constant 0 : i32
        %dma_start3A_61 = arith.constant 0 : i32
        %dma_start3A_62 = tpu.memref_slice %arg2[%dma_start3A, %dma_start3A_61] : memref<10000x128xf32, #tpu.memory_space<hbm>> -> memref<10000x128xf32, #tpu.memory_space<hbm>>
        tpu.enqueue_indirect_dma source(%dma_start3A_62 : memref<10000x128xf32, #tpu.memory_space<hbm>>) target(%arg8 : memref<128x128xf32, #tpu.memory_space<vmem>>) offsets(%arg9 : memref<128xi32, #tpu.memory_space<vmem>>) semaphore(%arg12 : memref<!tpu.dma_semaphore, #tpu.memory_space<semaphore_mem>>)
        %dma_wait3A = arith.constant 0 : i32
        %dma_wait3A_63 = arith.constant 0 : i32
        %dma_wait3A_64 = tpu.memref_slice %arg2[%dma_wait3A, %dma_wait3A_63] : memref<10000x128xf32, #tpu.memory_space<hbm>> -> memref<10000x128xf32, #tpu.memory_space<hbm>>
        tpu.wait_indirect_dma semaphore(%arg12 : memref<!tpu.dma_semaphore, #tpu.memory_space<semaphore_mem>>) src(%dma_wait3A_64 : memref<10000x128xf32, #tpu.memory_space<hbm>>) dst(%arg8 : memref<128x128xf32, #tpu.memory_space<vmem>>)
        "tpu.region"() ({
          %run_scoped3A = tpu.sem_alloc : memref<!tpu.dma_semaphore, #tpu.memory_space<semaphore_mem>>
          %dma_start3A_65 = arith.constant 0 : i32
          %dma_start3A_66 = arith.constant 0 : i32
          %dma_start3A_67 = tpu.memref_slice %arg11[%dma_start3A_65, %dma_start3A_66] : memref<10240x128xf32, #tpu.memory_space<vmem_shared>> -> memref<10240x128xf32, #tpu.memory_space<vmem_shared>>
          tpu.enqueue_indirect_dma source(%arg8 : memref<128x128xf32, #tpu.memory_space<vmem>>) target(%dma_start3A_67 : memref<10240x128xf32, #tpu.memory_space<vmem_shared>>) offsets(%arg10 : memref<128xi32, #tpu.memory_space<vmem>>) semaphore(%run_scoped3A : memref<!tpu.dma_semaphore, #tpu.memory_space<semaphore_mem>>) {add = true}
          %dma_wait3A_68 = arith.constant 0 : i32
          %dma_wait3A_69 = arith.constant 0 : i32
          %dma_wait3A_70 = tpu.memref_slice %arg11[%dma_wait3A_68, %dma_wait3A_69] : memref<10240x128xf32, #tpu.memory_space<vmem_shared>> -> memref<10240x128xf32, #tpu.memory_space<vmem_shared>>
          tpu.wait_indirect_dma semaphore(%run_scoped3A : memref<!tpu.dma_semaphore, #tpu.memory_space<semaphore_mem>>) src(%arg8 : memref<128x128xf32, #tpu.memory_space<vmem>>) dst(%dma_wait3A_70 : memref<10240x128xf32, #tpu.memory_space<vmem_shared>>)
          tpu.yield
        }) : () -> ()
      }
    } else {
    }
    %eq3A_31 = arith.constant 1 : i32
    %eq3A_32 = arith.cmpi eq, %arg0, %eq3A_31 : i32
    %convert_element_type3A_33 = arith.extui %eq3A_32 : i1 to i32
    %cond3A_34 = arith.constant 0 : i32
    %cond3A_35 = arith.cmpi ne, %convert_element_type3A_33, %cond3A_34 : i32
    scf.if %cond3A_35 {
      %while3A = arith.constant 0 : i32
      %while3A_49 = arith.subi %select_n3A, %while3A : i32
      %while3A_50 = arith.addi %while3A, %while3A_49 : i32
      %while3A_51 = arith.constant 1 : i32
      %while3A_52 = arith.divsi %while3A_49, %while3A_51 : i32
      %while3A_53 = arith.muli %while3A_52, %while3A_51 : i32
      %while3A_54 = arith.addi %while3A, %while3A_53 : i32
      %while3A_55 = arith.constant 1 : i32
      scf.for %while3A_57 = %while3A to %while3A_54 step %while3A_55  : i32 {
        %mul3A_58 = arith.constant 128 : i32
        %mul3A_59 = arith.muli %while3A_57, %mul3A_58 : i32
        %add3A_60 = arith.addi %add3A_27, %mul3A_59 : i32
        "tpu.region"() ({
          %run_scoped3A = tpu.sem_alloc : memref<!tpu.dma_semaphore, #tpu.memory_space<semaphore_mem>>
          %dma_start3A_65 = tpu.memref_slice %arg4[%add3A_60] : memref<160000xi32, #tpu.memory_space<hbm>> -> memref<128xi32, #tpu.memory_space<hbm>>
          %dma_start3A_66 = tpu.memref_slice %arg4[%add3A_60] : memref<160000xi32, #tpu.memory_space<hbm>> -> memref<128xi32, #tpu.memory_space<hbm>>
          tpu.enqueue_dma source(%dma_start3A_66 : memref<128xi32, #tpu.memory_space<hbm>>) target(%arg9 : memref<128xi32, #tpu.memory_space<vmem>>) target_semaphore(%run_scoped3A : memref<!tpu.dma_semaphore, #tpu.memory_space<semaphore_mem>>)
          %dma_wait3A_67 = tpu.memref_slice %arg4[%add3A_60] : memref<160000xi32, #tpu.memory_space<hbm>> -> memref<128xi32, #tpu.memory_space<hbm>>
          %dma_wait3A_68 = tpu.memref_slice %arg4[%add3A_60] : memref<160000xi32, #tpu.memory_space<hbm>> -> memref<128xi32, #tpu.memory_space<hbm>>
          tpu.wait_dma2 semaphore(%run_scoped3A : memref<!tpu.dma_semaphore, #tpu.memory_space<semaphore_mem>>) src(%dma_wait3A_68 : memref<128xi32, #tpu.memory_space<hbm>>) dst(%arg9 : memref<128xi32, #tpu.memory_space<vmem>>)
          tpu.yield
        }) : () -> ()
        "tpu.region"() ({
          %run_scoped3A = tpu.sem_alloc : memref<!tpu.dma_semaphore, #tpu.memory_space<semaphore_mem>>
          %dma_start3A_65 = tpu.memref_slice %arg5[%add3A_60] : memref<160000xi32, #tpu.memory_space<hbm>> -> memref<128xi32, #tpu.memory_space<hbm>>
          %dma_start3A_66 = tpu.memref_slice %arg5[%add3A_60] : memref<160000xi32, #tpu.memory_space<hbm>> -> memref<128xi32, #tpu.memory_space<hbm>>
          tpu.enqueue_dma source(%dma_start3A_66 : memref<128xi32, #tpu.memory_space<hbm>>) target(%arg10 : memref<128xi32, #tpu.memory_space<vmem>>) target_semaphore(%run_scoped3A : memref<!tpu.dma_semaphore, #tpu.memory_space<semaphore_mem>>)
          %dma_wait3A_67 = tpu.memref_slice %arg5[%add3A_60] : memref<160000xi32, #tpu.memory_space<hbm>> -> memref<128xi32, #tpu.memory_space<hbm>>
          %dma_wait3A_68 = tpu.memref_slice %arg5[%add3A_60] : memref<160000xi32, #tpu.memory_space<hbm>> -> memref<128xi32, #tpu.memory_space<hbm>>
          tpu.wait_dma2 semaphore(%run_scoped3A : memref<!tpu.dma_semaphore, #tpu.memory_space<semaphore_mem>>) src(%dma_wait3A_68 : memref<128xi32, #tpu.memory_space<hbm>>) dst(%arg10 : memref<128xi32, #tpu.memory_space<vmem>>)
          tpu.yield
        }) : () -> ()
        %dma_start3A = arith.constant 0 : i32
        %dma_start3A_61 = arith.constant 0 : i32
        %dma_start3A_62 = tpu.memref_slice %arg3[%dma_start3A, %dma_start3A_61] : memref<10000x128xf32, #tpu.memory_space<hbm>> -> memref<10000x128xf32, #tpu.memory_space<hbm>>
        tpu.enqueue_indirect_dma source(%dma_start3A_62 : memref<10000x128xf32, #tpu.memory_space<hbm>>) target(%arg8 : memref<128x128xf32, #tpu.memory_space<vmem>>) offsets(%arg9 : memref<128xi32, #tpu.memory_space<vmem>>) semaphore(%arg12 : memref<!tpu.dma_semaphore, #tpu.memory_space<semaphore_mem>>)
        %dma_wait3A = arith.constant 0 : i32
        %dma_wait3A_63 = arith.constant 0 : i32
        %dma_wait3A_64 = tpu.memref_slice %arg3[%dma_wait3A, %dma_wait3A_63] : memref<10000x128xf32, #tpu.memory_space<hbm>> -> memref<10000x128xf32, #tpu.memory_space<hbm>>
        tpu.wait_indirect_dma semaphore(%arg12 : memref<!tpu.dma_semaphore, #tpu.memory_space<semaphore_mem>>) src(%dma_wait3A_64 : memref<10000x128xf32, #tpu.memory_space<hbm>>) dst(%arg8 : memref<128x128xf32, #tpu.memory_space<vmem>>)
        "tpu.region"() ({
          %run_scoped3A = tpu.sem_alloc : memref<!tpu.dma_semaphore, #tpu.memory_space<semaphore_mem>>
          %dma_start3A_65 = arith.constant 0 : i32
          %dma_start3A_66 = arith.constant 0 : i32
          %dma_start3A_67 = tpu.memref_slice %arg11[%dma_start3A_65, %dma_start3A_66] : memref<10240x128xf32, #tpu.memory_space<vmem_shared>> -> memref<10240x128xf32, #tpu.memory_space<vmem_shared>>
          tpu.enqueue_indirect_dma source(%arg8 : memref<128x128xf32, #tpu.memory_space<vmem>>) target(%dma_start3A_67 : memref<10240x128xf32, #tpu.memory_space<vmem_shared>>) offsets(%arg10 : memref<128xi32, #tpu.memory_space<vmem>>) semaphore(%run_scoped3A : memref<!tpu.dma_semaphore, #tpu.memory_space<semaphore_mem>>) {add = true}
          %dma_wait3A_68 = arith.constant 0 : i32
          %dma_wait3A_69 = arith.constant 0 : i32
          %dma_wait3A_70 = tpu.memref_slice %arg11[%dma_wait3A_68, %dma_wait3A_69] : memref<10240x128xf32, #tpu.memory_space<vmem_shared>> -> memref<10240x128xf32, #tpu.memory_space<vmem_shared>>
          tpu.wait_indirect_dma semaphore(%run_scoped3A : memref<!tpu.dma_semaphore, #tpu.memory_space<semaphore_mem>>) src(%arg8 : memref<128x128xf32, #tpu.memory_space<vmem>>) dst(%dma_wait3A_70 : memref<10240x128xf32, #tpu.memory_space<vmem_shared>>)
          tpu.yield
        }) : () -> ()
      }
      %while3A_56 = arith.constant 1 : i32
      scf.for %while3A_57 = %while3A_54 to %while3A_50 step %while3A_56  : i32 {
        %mul3A_58 = arith.constant 128 : i32
        %mul3A_59 = arith.muli %while3A_57, %mul3A_58 : i32
        %add3A_60 = arith.addi %add3A_27, %mul3A_59 : i32
        "tpu.region"() ({
          %run_scoped3A = tpu.sem_alloc : memref<!tpu.dma_semaphore, #tpu.memory_space<semaphore_mem>>
          %dma_start3A_65 = tpu.memref_slice %arg4[%add3A_60] : memref<160000xi32, #tpu.memory_space<hbm>> -> memref<128xi32, #tpu.memory_space<hbm>>
          %dma_start3A_66 = tpu.memref_slice %arg4[%add3A_60] : memref<160000xi32, #tpu.memory_space<hbm>> -> memref<128xi32, #tpu.memory_space<hbm>>
          tpu.enqueue_dma source(%dma_start3A_66 : memref<128xi32, #tpu.memory_space<hbm>>) target(%arg9 : memref<128xi32, #tpu.memory_space<vmem>>) target_semaphore(%run_scoped3A : memref<!tpu.dma_semaphore, #tpu.memory_space<semaphore_mem>>)
          %dma_wait3A_67 = tpu.memref_slice %arg4[%add3A_60] : memref<160000xi32, #tpu.memory_space<hbm>> -> memref<128xi32, #tpu.memory_space<hbm>>
          %dma_wait3A_68 = tpu.memref_slice %arg4[%add3A_60] : memref<160000xi32, #tpu.memory_space<hbm>> -> memref<128xi32, #tpu.memory_space<hbm>>
          tpu.wait_dma2 semaphore(%run_scoped3A : memref<!tpu.dma_semaphore, #tpu.memory_space<semaphore_mem>>) src(%dma_wait3A_68 : memref<128xi32, #tpu.memory_space<hbm>>) dst(%arg9 : memref<128xi32, #tpu.memory_space<vmem>>)
          tpu.yield
        }) : () -> ()
        "tpu.region"() ({
          %run_scoped3A = tpu.sem_alloc : memref<!tpu.dma_semaphore, #tpu.memory_space<semaphore_mem>>
          %dma_start3A_65 = tpu.memref_slice %arg5[%add3A_60] : memref<160000xi32, #tpu.memory_space<hbm>> -> memref<128xi32, #tpu.memory_space<hbm>>
          %dma_start3A_66 = tpu.memref_slice %arg5[%add3A_60] : memref<160000xi32, #tpu.memory_space<hbm>> -> memref<128xi32, #tpu.memory_space<hbm>>
          tpu.enqueue_dma source(%dma_start3A_66 : memref<128xi32, #tpu.memory_space<hbm>>) target(%arg10 : memref<128xi32, #tpu.memory_space<vmem>>) target_semaphore(%run_scoped3A : memref<!tpu.dma_semaphore, #tpu.memory_space<semaphore_mem>>)
          %dma_wait3A_67 = tpu.memref_slice %arg5[%add3A_60] : memref<160000xi32, #tpu.memory_space<hbm>> -> memref<128xi32, #tpu.memory_space<hbm>>
          %dma_wait3A_68 = tpu.memref_slice %arg5[%add3A_60] : memref<160000xi32, #tpu.memory_space<hbm>> -> memref<128xi32, #tpu.memory_space<hbm>>
          tpu.wait_dma2 semaphore(%run_scoped3A : memref<!tpu.dma_semaphore, #tpu.memory_space<semaphore_mem>>) src(%dma_wait3A_68 : memref<128xi32, #tpu.memory_space<hbm>>) dst(%arg10 : memref<128xi32, #tpu.memory_space<vmem>>)
          tpu.yield
        }) : () -> ()
        %dma_start3A = arith.constant 0 : i32
        %dma_start3A_61 = arith.constant 0 : i32
        %dma_start3A_62 = tpu.memref_slice %arg3[%dma_start3A, %dma_start3A_61] : memref<10000x128xf32, #tpu.memory_space<hbm>> -> memref<10000x128xf32, #tpu.memory_space<hbm>>
        tpu.enqueue_indirect_dma source(%dma_start3A_62 : memref<10000x128xf32, #tpu.memory_space<hbm>>) target(%arg8 : memref<128x128xf32, #tpu.memory_space<vmem>>) offsets(%arg9 : memref<128xi32, #tpu.memory_space<vmem>>) semaphore(%arg12 : memref<!tpu.dma_semaphore, #tpu.memory_space<semaphore_mem>>)
        %dma_wait3A = arith.constant 0 : i32
        %dma_wait3A_63 = arith.constant 0 : i32
        %dma_wait3A_64 = tpu.memref_slice %arg3[%dma_wait3A, %dma_wait3A_63] : memref<10000x128xf32, #tpu.memory_space<hbm>> -> memref<10000x128xf32, #tpu.memory_space<hbm>>
        tpu.wait_indirect_dma semaphore(%arg12 : memref<!tpu.dma_semaphore, #tpu.memory_space<semaphore_mem>>) src(%dma_wait3A_64 : memref<10000x128xf32, #tpu.memory_space<hbm>>) dst(%arg8 : memref<128x128xf32, #tpu.memory_space<vmem>>)
        "tpu.region"() ({
          %run_scoped3A = tpu.sem_alloc : memref<!tpu.dma_semaphore, #tpu.memory_space<semaphore_mem>>
          %dma_start3A_65 = arith.constant 0 : i32
          %dma_start3A_66 = arith.constant 0 : i32
          %dma_start3A_67 = tpu.memref_slice %arg11[%dma_start3A_65, %dma_start3A_66] : memref<10240x128xf32, #tpu.memory_space<vmem_shared>> -> memref<10240x128xf32, #tpu.memory_space<vmem_shared>>
          tpu.enqueue_indirect_dma source(%arg8 : memref<128x128xf32, #tpu.memory_space<vmem>>) target(%dma_start3A_67 : memref<10240x128xf32, #tpu.memory_space<vmem_shared>>) offsets(%arg10 : memref<128xi32, #tpu.memory_space<vmem>>) semaphore(%run_scoped3A : memref<!tpu.dma_semaphore, #tpu.memory_space<semaphore_mem>>) {add = true}
          %dma_wait3A_68 = arith.constant 0 : i32
          %dma_wait3A_69 = arith.constant 0 : i32
          %dma_wait3A_70 = tpu.memref_slice %arg11[%dma_wait3A_68, %dma_wait3A_69] : memref<10240x128xf32, #tpu.memory_space<vmem_shared>> -> memref<10240x128xf32, #tpu.memory_space<vmem_shared>>
          tpu.wait_indirect_dma semaphore(%run_scoped3A : memref<!tpu.dma_semaphore, #tpu.memory_space<semaphore_mem>>) src(%arg8 : memref<128x128xf32, #tpu.memory_space<vmem>>) dst(%dma_wait3A_70 : memref<10240x128xf32, #tpu.memory_space<vmem_shared>>)
          tpu.yield
        }) : () -> ()
      }
    } else {
    }
    %barrier3A_36 = arith.constant 0 : index
    tpu.barrier barrier_id(%barrier3A_36)
    %mul3A_37 = arith.constant 640 : i32
    %mul3A_38 = arith.muli %arg1, %mul3A_37 : i32
    %eq3A_39 = arith.constant 0 : i32
    %eq3A_40 = arith.cmpi eq, %arg0, %eq3A_39 : i32
    %convert_element_type3A_41 = arith.extui %eq3A_40 : i1 to i32
    %cond3A_42 = arith.constant 0 : i32
    %cond3A_43 = arith.cmpi ne, %convert_element_type3A_41, %cond3A_42 : i32
    scf.if %cond3A_43 {
      "tpu.region"() ({
        %run_scoped3A = tpu.sem_alloc : memref<!tpu.dma_semaphore, #tpu.memory_space<semaphore_mem>>
        %dma_start3A = arith.constant 0 : i32
        %dma_start3A_49 = tpu.memref_slice %arg6[%mul3A_38, %dma_start3A] : memref<10240x128xf32, #tpu.memory_space<hbm>> -> memref<640x128xf32, #tpu.memory_space<hbm>>
        %dma_start3A_50 = arith.constant 0 : i32
        %dma_start3A_51 = tpu.memref_slice %arg11[%mul3A_38, %dma_start3A_50] : memref<10240x128xf32, #tpu.memory_space<vmem_shared>> -> memref<640x128xf32, #tpu.memory_space<vmem_shared>>
        tpu.enqueue_dma source(%dma_start3A_51 : memref<640x128xf32, #tpu.memory_space<vmem_shared>>) target(%dma_start3A_49 : memref<640x128xf32, #tpu.memory_space<hbm>>) target_semaphore(%run_scoped3A : memref<!tpu.dma_semaphore, #tpu.memory_space<semaphore_mem>>)
        %dma_wait3A = arith.constant 0 : i32
        %dma_wait3A_52 = tpu.memref_slice %arg6[%mul3A_38, %dma_wait3A] : memref<10240x128xf32, #tpu.memory_space<hbm>> -> memref<640x128xf32, #tpu.memory_space<hbm>>
        %dma_wait3A_53 = arith.constant 0 : i32
        %dma_wait3A_54 = tpu.memref_slice %arg11[%mul3A_38, %dma_wait3A_53] : memref<10240x128xf32, #tpu.memory_space<vmem_shared>> -> memref<640x128xf32, #tpu.memory_space<vmem_shared>>
        tpu.wait_dma2 semaphore(%run_scoped3A : memref<!tpu.dma_semaphore, #tpu.memory_space<semaphore_mem>>) src(%dma_wait3A_54 : memref<640x128xf32, #tpu.memory_space<vmem_shared>>) dst(%dma_wait3A_52 : memref<640x128xf32, #tpu.memory_space<hbm>>)
        tpu.yield
      }) : () -> ()
    } else {
    }
    %eq3A_44 = arith.constant 1 : i32
    %eq3A_45 = arith.cmpi eq, %arg0, %eq3A_44 : i32
    %convert_element_type3A_46 = arith.extui %eq3A_45 : i1 to i32
    %cond3A_47 = arith.constant 0 : i32
    %cond3A_48 = arith.cmpi ne, %convert_element_type3A_46, %cond3A_47 : i32
    scf.if %cond3A_48 {
      "tpu.region"() ({
        %run_scoped3A = tpu.sem_alloc : memref<!tpu.dma_semaphore, #tpu.memory_space<semaphore_mem>>
        %dma_start3A = arith.constant 0 : i32
        %dma_start3A_49 = tpu.memref_slice %arg7[%mul3A_38, %dma_start3A] : memref<10240x128xf32, #tpu.memory_space<hbm>> -> memref<640x128xf32, #tpu.memory_space<hbm>>
        %dma_start3A_50 = arith.constant 0 : i32
        %dma_start3A_51 = tpu.memref_slice %arg11[%mul3A_38, %dma_start3A_50] : memref<10240x128xf32, #tpu.memory_space<vmem_shared>> -> memref<640x128xf32, #tpu.memory_space<vmem_shared>>
        tpu.enqueue_dma source(%dma_start3A_51 : memref<640x128xf32, #tpu.memory_space<vmem_shared>>) target(%dma_start3A_49 : memref<640x128xf32, #tpu.memory_space<hbm>>) target_semaphore(%run_scoped3A : memref<!tpu.dma_semaphore, #tpu.memory_space<semaphore_mem>>)
        %dma_wait3A = arith.constant 0 : i32
        %dma_wait3A_52 = tpu.memref_slice %arg7[%mul3A_38, %dma_wait3A] : memref<10240x128xf32, #tpu.memory_space<hbm>> -> memref<640x128xf32, #tpu.memory_space<hbm>>
        %dma_wait3A_53 = arith.constant 0 : i32
        %dma_wait3A_54 = tpu.memref_slice %arg11[%mul3A_38, %dma_wait3A_53] : memref<10240x128xf32, #tpu.memory_space<vmem_shared>> -> memref<640x128xf32, #tpu.memory_space<vmem_shared>>
        tpu.wait_dma2 semaphore(%run_scoped3A : memref<!tpu.dma_semaphore, #tpu.memory_space<semaphore_mem>>) src(%dma_wait3A_54 : memref<640x128xf32, #tpu.memory_space<vmem_shared>>) dst(%dma_wait3A_52 : memref<640x128xf32, #tpu.memory_space<hbm>>)
        tpu.yield
      }) : () -> ()
    } else {
    }
    return
  }
}

module attributes {stable_mosaic.version = 14 : i64} {
  func.func @body(%arg0: i32, %arg1: memref<1000x256xf32, #tpu.memory_space<vmem>>, %arg2: memref<256x256xf32, #tpu.memory_space<vmem>>, %arg3: memref<1x256xf32, #tpu.memory_space<vmem>>, %arg4: memref<256x128xf32, #tpu.memory_space<vmem>>, %arg5: memref<2x1000x16xf32, #tpu.memory_space<vmem>>, %arg6: memref<1000x128xf32, #tpu.memory_space<vmem>>, %arg7: memref<1000x1xf32, #tpu.memory_space<vmem>>) attributes {dimension_semantics = [#tpu.dimension_semantics<arbitrary>], iteration_bounds = array<i64: 10>, scalar_prefetch = 0 : i64, scratch_operands = 0 : i64, tpu.core_type = #tpu.core_type<tc>, window_params = [{transform_indices = @transform_0, window_bounds = array<i64: 1000, 256>}, {pipeline_mode = #tpu.pipeline_mode<synchronous>, transform_indices = @transform_1, window_bounds = array<i64: 256, 256>}, {pipeline_mode = #tpu.pipeline_mode<synchronous>, transform_indices = @transform_2, window_bounds = array<i64: 1, 256>}, {pipeline_mode = #tpu.pipeline_mode<synchronous>, transform_indices = @transform_3, window_bounds = array<i64: 256, 128>}, {transform_indices = @transform_4, window_bounds = array<i64: 2, 1000, 16>}, {transform_indices = @transform_5, window_bounds = array<i64: 1000, 128>}, {transform_indices = @transform_6, window_bounds = array<i64: 1000, 1>}]} {
    %get3A = arith.constant 0 : index
    %get3A_0 = arith.constant 0 : index
    %get3A_1 = vector.load %arg2[%get3A, %get3A_0] : memref<256x256xf32, #tpu.memory_space<vmem>>, vector<256x256xf32>
    %get3A_2 = arith.constant 0 : index
    %get3A_3 = arith.constant 0 : index
    %get3A_4 = vector.load %arg4[%get3A_2, %get3A_3] : memref<256x128xf32, #tpu.memory_space<vmem>>, vector<256x128xf32>
    %dot_general3A = arith.constant dense<0.000000e+00> : vector<256x128xf32>
    %dot_general3A_5 = tpu.matmul %get3A_1, %get3A_4, %dot_general3A {dimension_numbers = #tpu.dot_dimension_numbers<[1], [0], [0], [1], [0, 0, 1, 1], [], []>, transpose_lhs_hint = false} : vector<256x256xf32>, vector<256x128xf32>, vector<256x128xf32> -> vector<256x128xf32>
    %get3A_6 = arith.constant 0 : index
    %get3A_7 = arith.constant 0 : index
    %get3A_8 = vector.load %arg3[%get3A_6, %get3A_7] : memref<1x256xf32, #tpu.memory_space<vmem>>, vector<1x256xf32>
    %get3A_9 = arith.constant 0 : index
    %get3A_10 = arith.constant 0 : index
    %get3A_11 = vector.load %arg4[%get3A_9, %get3A_10] : memref<256x128xf32, #tpu.memory_space<vmem>>, vector<256x128xf32>
    %dot_general3A_12 = arith.constant dense<0.000000e+00> : vector<1x128xf32>
    %dot_general3A_13 = tpu.matmul %get3A_8, %get3A_11, %dot_general3A_12 {dimension_numbers = #tpu.dot_dimension_numbers<[1], [0], [0], [1], [0, 0, 1, 1], [], []>, transpose_lhs_hint = false} : vector<1x256xf32>, vector<256x128xf32>, vector<1x128xf32> -> vector<1x128xf32>
    %get3A_14 = arith.constant 0 : index
    %get3A_15 = arith.constant 0 : index
    %get3A_16 = vector.load %arg1[%get3A_14, %get3A_15] : memref<1000x256xf32, #tpu.memory_space<vmem>>, vector<1000x256xf32>
    %dot_general3A_17 = arith.constant dense<0.000000e+00> : vector<1000x128xf32>
    %dot_general3A_18 = tpu.matmul %get3A_16, %dot_general3A_5, %dot_general3A_17 {dimension_numbers = #tpu.dot_dimension_numbers<[1], [0], [0], [1], [0, 0, 1, 1], [], []>, transpose_lhs_hint = false} : vector<1000x256xf32>, vector<256x128xf32>, vector<1000x128xf32> -> vector<1000x128xf32>
    %add3A = vector.broadcast %dot_general3A_13 : vector<1x128xf32> to vector<1000x128xf32>
    %add3A_19 = arith.addf %dot_general3A_18, %add3A : vector<1000x128xf32>
    %get3A_20 = arith.constant 0 : index
    %get3A_21 = arith.constant 0 : index
    %get3A_22 = arith.constant 0 : index
    %get3A_23 = vector.load %arg5[%get3A_20, %get3A_21, %get3A_22] : memref<2x1000x16xf32, #tpu.memory_space<vmem>>, vector<1x1000x1xf32>
    %get3A_24 = vector.shape_cast %get3A_23 : vector<1x1000x1xf32> to vector<1000x1xf32>
    %get3A_25 = arith.constant 1 : index
    %get3A_26 = arith.constant 0 : index
    %get3A_27 = arith.constant 0 : index
    %get3A_28 = vector.load %arg5[%get3A_25, %get3A_26, %get3A_27] : memref<2x1000x16xf32, #tpu.memory_space<vmem>>, vector<1x1000x1xf32>
    %get3A_29 = vector.shape_cast %get3A_28 : vector<1x1000x1xf32> to vector<1000x1xf32>
    %add3A_30 = arith.addf %get3A_24, %get3A_29 : vector<1000x1xf32>
    %add3A_31 = arith.constant 1.000000e+00 : f32
    %add3A_32 = vector.broadcast %add3A_31 : f32 to vector<1000x1xf32>
    %add3A_33 = arith.addf %add3A_30, %add3A_32 : vector<1000x1xf32>
    %rsqrt3A = math.rsqrt %add3A_33 : vector<1000x1xf32>
    %swap3A = arith.constant 0 : index
    %swap3A_34 = arith.constant 0 : index
    %swap3A_35 = vector.load %arg7[%swap3A, %swap3A_34] : memref<1000x1xf32, #tpu.memory_space<vmem>>, vector<1000x1xf32>
    tpu.vector_store %arg7[%swap3A, %swap3A_34], %rsqrt3A {strides = array<i32>} : memref<1000x1xf32, #tpu.memory_space<vmem>>, vector<1000x1xf32>,
    %mul3A = vector.broadcast %rsqrt3A : vector<1000x1xf32> to vector<1000x128xf32>
    %mul3A_36 = arith.mulf %add3A_19, %mul3A : vector<1000x128xf32>
    %swap3A_37 = arith.constant 0 : index
    %swap3A_38 = arith.constant 0 : index
    %swap3A_39 = vector.load %arg6[%swap3A_37, %swap3A_38] : memref<1000x128xf32, #tpu.memory_space<vmem>>, vector<1000x128xf32>
    tpu.vector_store %arg6[%swap3A_37, %swap3A_38], %mul3A_36 {strides = array<i32>} : memref<1000x128xf32, #tpu.memory_space<vmem>>, vector<1000x128xf32>,
    return
  }
  func.func @transform_0(%arg0: i32) -> (i32, i32) {
    %c0_i32 = arith.constant 0 : i32
    %c0_i32_0 = arith.constant 0 : i32
    return %arg0, %c0_i32 : i32, i32
  }
  func.func @transform_1(%arg0: i32) -> (i32, i32) {
    %c0_i32 = arith.constant 0 : i32
    %c0_i32_0 = arith.constant 0 : i32
    %c0_i32_1 = arith.constant 0 : i32
    return %c0_i32, %c0_i32_0 : i32, i32
  }
  func.func @transform_2(%arg0: i32) -> (i32, i32) {
    %c0_i32 = arith.constant 0 : i32
    %c0_i32_0 = arith.constant 0 : i32
    %c0_i32_1 = arith.constant 0 : i32
    return %c0_i32, %c0_i32_0 : i32, i32
  }
  func.func @transform_3(%arg0: i32) -> (i32, i32) {
    %c0_i32 = arith.constant 0 : i32
    %c0_i32_0 = arith.constant 0 : i32
    %c0_i32_1 = arith.constant 0 : i32
    return %c0_i32, %c0_i32_0 : i32, i32
  }
  func.func @transform_4(%arg0: i32) -> (i32, i32, i32) {
    %c0_i32 = arith.constant 0 : i32
    %c0_i32_0 = arith.constant 0 : i32
    %c0_i32_1 = arith.constant 0 : i32
    return %c0_i32, %arg0, %c0_i32_0 : i32, i32, i32
  }
  func.func @transform_5(%arg0: i32) -> (i32, i32) {
    %c0_i32 = arith.constant 0 : i32
    %c0_i32_0 = arith.constant 0 : i32
    return %arg0, %c0_i32 : i32, i32
  }
  func.func @transform_6(%arg0: i32) -> (i32, i32) {
    %c0_i32 = arith.constant 0 : i32
    %c0_i32_0 = arith.constant 0 : i32
    return %arg0, %c0_i32 : i32, i32
  }
}

module attributes {stable_mosaic.version = 14 : i64} {
  func.func @body(%arg0: i32, %arg1: memref<1000x128xf32, #tpu.memory_space<vmem>>, %arg2: memref<1000x128xf32, #tpu.memory_space<vmem>>, %arg3: memref<1000x128xf32, #tpu.memory_space<vmem>>, %arg4: memref<1000x1xf32, #tpu.memory_space<vmem>>, %arg5: memref<1x128xf32, #tpu.memory_space<vmem>>, %arg6: memref<1000x128xf32, #tpu.memory_space<vmem>>, %arg7: memref<2x128xf32, #tpu.memory_space<vmem>>) attributes {dimension_semantics = [#tpu.dimension_semantics<arbitrary>], iteration_bounds = array<i64: 10>, scalar_prefetch = 0 : i64, scratch_operands = 0 : i64, tpu.core_type = #tpu.core_type<tc>, window_params = [{transform_indices = @transform_0, window_bounds = array<i64: 1000, 128>}, {transform_indices = @transform_1, window_bounds = array<i64: 1000, 128>}, {transform_indices = @transform_2, window_bounds = array<i64: 1000, 128>}, {transform_indices = @transform_3, window_bounds = array<i64: 1000, 1>}, {pipeline_mode = #tpu.pipeline_mode<synchronous>, transform_indices = @transform_4, window_bounds = array<i64: 1, 128>}, {transform_indices = @transform_5, window_bounds = array<i64: 1000, 128>}, {pipeline_mode = #tpu.pipeline_mode<synchronous>, transform_indices = @transform_6, window_bounds = array<i64: 2, 128>}]} {
    %get3A = arith.constant 0 : index
    %get3A_0 = arith.constant 0 : index
    %get3A_1 = vector.load %arg1[%get3A, %get3A_0] : memref<1000x128xf32, #tpu.memory_space<vmem>>, vector<1000x128xf32>
    %get3A_2 = arith.constant 0 : index
    %get3A_3 = arith.constant 0 : index
    %get3A_4 = vector.load %arg2[%get3A_2, %get3A_3] : memref<1000x128xf32, #tpu.memory_space<vmem>>, vector<1000x128xf32>
    %add3A = arith.addf %get3A_1, %get3A_4 : vector<1000x128xf32>
    %get3A_5 = arith.constant 0 : index
    %get3A_6 = arith.constant 0 : index
    %get3A_7 = vector.load %arg3[%get3A_5, %get3A_6] : memref<1000x128xf32, #tpu.memory_space<vmem>>, vector<1000x128xf32>
    %add3A_8 = arith.addf %add3A, %get3A_7 : vector<1000x128xf32>
    %get3A_9 = arith.constant 0 : index
    %get3A_10 = arith.constant 0 : index
    %get3A_11 = vector.load %arg4[%get3A_9, %get3A_10] : memref<1000x1xf32, #tpu.memory_space<vmem>>, vector<1000x1xf32>
    %mul3A = vector.broadcast %get3A_11 : vector<1000x1xf32> to vector<1000x128xf32>
    %mul3A_12 = arith.mulf %add3A_8, %mul3A : vector<1000x128xf32>
    %get3A_13 = arith.constant 0 : index
    %get3A_14 = arith.constant 0 : index
    %get3A_15 = vector.load %arg5[%get3A_13, %get3A_14] : memref<1x128xf32, #tpu.memory_space<vmem>>, vector<1x128xf32>
    %add3A_16 = vector.broadcast %get3A_15 : vector<1x128xf32> to vector<1000x128xf32>
    %add3A_17 = arith.addf %mul3A_12, %add3A_16 : vector<1000x128xf32>
    %swap3A = arith.constant 0 : index
    %swap3A_18 = arith.constant 0 : index
    %swap3A_19 = vector.load %arg6[%swap3A, %swap3A_18] : memref<1000x128xf32, #tpu.memory_space<vmem>>, vector<1000x128xf32>
    tpu.vector_store %arg6[%swap3A, %swap3A_18], %add3A_17 {strides = array<i32>} : memref<1000x128xf32, #tpu.memory_space<vmem>>, vector<1000x128xf32>,
    %eq3A = arith.constant 0 : i32
    %eq3A_20 = arith.cmpi eq, %arg0, %eq3A : i32
    %convert_element_type3A = arith.extui %eq3A_20 : i1 to i32
    %cond3A = arith.constant 0 : i32
    %cond3A_21 = arith.cmpi ne, %convert_element_type3A, %cond3A : i32
    scf.if %cond3A_21 {
      %broadcast_in_dim3A_41 = arith.constant 0.000000e+00 : f32
      %broadcast_in_dim3A_42 = vector.broadcast %broadcast_in_dim3A_41 : f32 to vector<2x128xf32>
      %swap3A_43 = arith.constant 0 : index
      %swap3A_44 = arith.constant 0 : index
      %swap3A_45 = vector.load %arg7[%swap3A_43, %swap3A_44] : memref<2x128xf32, #tpu.memory_space<vmem>>, vector<2x128xf32>
      tpu.vector_store %arg7[%swap3A_43, %swap3A_44], %broadcast_in_dim3A_42 {strides = array<i32>} : memref<2x128xf32, #tpu.memory_space<vmem>>, vector<2x128xf32>,
    } else {
    }
    %get3A_22 = arith.constant 0 : index
    %get3A_23 = arith.constant 0 : index
    %get3A_24 = vector.load %arg7[%get3A_22, %get3A_23] : memref<2x128xf32, #tpu.memory_space<vmem>>, vector<1x128xf32>
    %reduce_sum3A = arith.constant dense<0.000000e+00> : vector<128xf32>
    %reduce_sum3A_25 = vector.multi_reduction <add>, %add3A_17, %reduce_sum3A [0] : vector<1000x128xf32> to vector<128xf32>
    %broadcast_in_dim3A = vector.shape_cast %reduce_sum3A_25 : vector<128xf32> to vector<1x128xf32>
    %add3A_26 = arith.addf %get3A_24, %broadcast_in_dim3A : vector<1x128xf32>
    %swap3A_27 = arith.constant 0 : index
    %swap3A_28 = arith.constant 0 : index
    %swap3A_29 = vector.load %arg7[%swap3A_27, %swap3A_28] : memref<2x128xf32, #tpu.memory_space<vmem>>, vector<1x128xf32>
    tpu.vector_store %arg7[%swap3A_27, %swap3A_28], %add3A_26 {strides = array<i32>} : memref<2x128xf32, #tpu.memory_space<vmem>>, vector<1x128xf32>,
    %get3A_30 = arith.constant 1 : index
    %get3A_31 = arith.constant 0 : index
    %get3A_32 = vector.load %arg7[%get3A_30, %get3A_31] : memref<2x128xf32, #tpu.memory_space<vmem>>, vector<1x128xf32>
    %mul3A_33 = arith.mulf %add3A_17, %add3A_17 : vector<1000x128xf32>
    %reduce_sum3A_34 = arith.constant dense<0.000000e+00> : vector<128xf32>
    %reduce_sum3A_35 = vector.multi_reduction <add>, %mul3A_33, %reduce_sum3A_34 [0] : vector<1000x128xf32> to vector<128xf32>
    %broadcast_in_dim3A_36 = vector.shape_cast %reduce_sum3A_35 : vector<128xf32> to vector<1x128xf32>
    %add3A_37 = arith.addf %get3A_32, %broadcast_in_dim3A_36 : vector<1x128xf32>
    %swap3A_38 = arith.constant 1 : index
    %swap3A_39 = arith.constant 0 : index
    %swap3A_40 = vector.load %arg7[%swap3A_38, %swap3A_39] : memref<2x128xf32, #tpu.memory_space<vmem>>, vector<1x128xf32>
    tpu.vector_store %arg7[%swap3A_38, %swap3A_39], %add3A_37 {strides = array<i32>} : memref<2x128xf32, #tpu.memory_space<vmem>>, vector<1x128xf32>,
    return
  }
  func.func @transform_0(%arg0: i32) -> (i32, i32) {
    %c0_i32 = arith.constant 0 : i32
    %c0_i32_0 = arith.constant 0 : i32
    return %arg0, %c0_i32 : i32, i32
  }
  func.func @transform_1(%arg0: i32) -> (i32, i32) {
    %c0_i32 = arith.constant 0 : i32
    %c0_i32_0 = arith.constant 0 : i32
    return %arg0, %c0_i32 : i32, i32
  }
  func.func @transform_2(%arg0: i32) -> (i32, i32) {
    %c0_i32 = arith.constant 0 : i32
    %c0_i32_0 = arith.constant 0 : i32
    return %arg0, %c0_i32 : i32, i32
  }
  func.func @transform_3(%arg0: i32) -> (i32, i32) {
    %c0_i32 = arith.constant 0 : i32
    %c0_i32_0 = arith.constant 0 : i32
    return %arg0, %c0_i32 : i32, i32
  }
  func.func @transform_4(%arg0: i32) -> (i32, i32) {
    %c0_i32 = arith.constant 0 : i32
    %c0_i32_0 = arith.constant 0 : i32
    %c0_i32_1 = arith.constant 0 : i32
    return %c0_i32, %c0_i32_0 : i32, i32
  }
  func.func @transform_5(%arg0: i32) -> (i32, i32) {
    %c0_i32 = arith.constant 0 : i32
    %c0_i32_0 = arith.constant 0 : i32
    return %arg0, %c0_i32 : i32, i32
  }
  func.func @transform_6(%arg0: i32) -> (i32, i32) {
    %c0_i32 = arith.constant 0 : i32
    %c0_i32_0 = arith.constant 0 : i32
    %c0_i32_1 = arith.constant 0 : i32
    return %c0_i32, %c0_i32_0 : i32, i32
  }
}

module attributes {stable_mosaic.version = 14 : i64} {
  func.func @body(%arg0: i32, %arg1: memref<1000x128xf32, #tpu.memory_space<vmem>>, %arg2: memref<2x128xf32, #tpu.memory_space<vmem>>, %arg3: memref<1x128xf32, #tpu.memory_space<vmem>>, %arg4: memref<1x128xf32, #tpu.memory_space<vmem>>, %arg5: memref<128x256xf32, #tpu.memory_space<vmem>>, %arg6: memref<1000x1xf32, #tpu.memory_space<vmem>>, %arg7: memref<1000x128xf32, #tpu.memory_space<vmem>>, %arg8: memref<1000x128xf32, #tpu.memory_space<vmem>>) attributes {dimension_semantics = [#tpu.dimension_semantics<arbitrary>], iteration_bounds = array<i64: 10>, scalar_prefetch = 0 : i64, scratch_operands = 0 : i64, tpu.core_type = #tpu.core_type<tc>, window_params = [{transform_indices = @transform_0, window_bounds = array<i64: 1000, 128>}, {pipeline_mode = #tpu.pipeline_mode<synchronous>, transform_indices = @transform_1, window_bounds = array<i64: 2, 128>}, {pipeline_mode = #tpu.pipeline_mode<synchronous>, transform_indices = @transform_2, window_bounds = array<i64: 1, 128>}, {pipeline_mode = #tpu.pipeline_mode<synchronous>, transform_indices = @transform_3, window_bounds = array<i64: 1, 128>}, {pipeline_mode = #tpu.pipeline_mode<synchronous>, transform_indices = @transform_4, window_bounds = array<i64: 128, 256>}, {transform_indices = @transform_5, window_bounds = array<i64: 1000, 1>}, {transform_indices = @transform_6, window_bounds = array<i64: 1000, 128>}, {transform_indices = @transform_7, window_bounds = array<i64: 1000, 128>}]} {
    %get3A = arith.constant 0 : index
    %get3A_0 = arith.constant 0 : index
    %get3A_1 = vector.load %arg1[%get3A, %get3A_0] : memref<1000x128xf32, #tpu.memory_space<vmem>>, vector<1000x128xf32>
    %get3A_2 = arith.constant 0 : index
    %get3A_3 = arith.constant 0 : index
    %get3A_4 = vector.load %arg2[%get3A_2, %get3A_3] : memref<2x128xf32, #tpu.memory_space<vmem>>, vector<2x128xf32>
    %get3A_5 = arith.constant 0 : index
    %get3A_6 = arith.constant 0 : index
    %get3A_7 = vector.load %arg3[%get3A_5, %get3A_6] : memref<1x128xf32, #tpu.memory_space<vmem>>, vector<1x128xf32>
    %get3A_8 = arith.constant 0 : index
    %get3A_9 = arith.constant 0 : index
    %get3A_10 = vector.load %arg4[%get3A_8, %get3A_9] : memref<1x128xf32, #tpu.memory_space<vmem>>, vector<1x128xf32>
    %slice3A = vector.extract_strided_slice %get3A_4 {offsets = [0, 0], sizes = [1, 128], strides = [1, 1]} : vector<2x128xf32> to vector<1x128xf32>
    %div3A = arith.constant 1.000000e+04 : f32
    %div3A_11 = vector.broadcast %div3A : f32 to vector<1x128xf32>
    %div3A_12 = arith.divf %slice3A, %div3A_11 : vector<1x128xf32>
    %slice3A_13 = vector.extract_strided_slice %get3A_4 {offsets = [1, 0], sizes = [1, 128], strides = [1, 1]} : vector<2x128xf32> to vector<1x128xf32>
    %div3A_14 = arith.constant 1.000000e+04 : f32
    %div3A_15 = vector.broadcast %div3A_14 : f32 to vector<1x128xf32>
    %div3A_16 = arith.divf %slice3A_13, %div3A_15 : vector<1x128xf32>
    %mul3A = arith.mulf %div3A_12, %div3A_12 : vector<1x128xf32>
    %sub3A = arith.subf %div3A_16, %mul3A : vector<1x128xf32>
    %sub3A_17 = vector.broadcast %div3A_12 : vector<1x128xf32> to vector<1000x128xf32>
    %sub3A_18 = arith.subf %get3A_1, %sub3A_17 : vector<1000x128xf32>
    %add3A = arith.constant 9.99999974E-6 : f32
    %add3A_19 = vector.broadcast %add3A : f32 to vector<1x128xf32>
    %add3A_20 = arith.addf %sub3A, %add3A_19 : vector<1x128xf32>
    %rsqrt3A = math.rsqrt %add3A_20 : vector<1x128xf32>
    %mul3A_21 = vector.broadcast %rsqrt3A : vector<1x128xf32> to vector<1000x128xf32>
    %mul3A_22 = arith.mulf %sub3A_18, %mul3A_21 : vector<1000x128xf32>
    %mul3A_23 = vector.broadcast %get3A_7 : vector<1x128xf32> to vector<1000x128xf32>
    %mul3A_24 = arith.mulf %mul3A_22, %mul3A_23 : vector<1000x128xf32>
    %add3A_25 = vector.broadcast %get3A_10 : vector<1x128xf32> to vector<1000x128xf32>
    %add3A_26 = arith.addf %mul3A_24, %add3A_25 : vector<1000x128xf32>
    %ge3A = arith.constant 0.000000e+00 : f32
    %ge3A_27 = vector.broadcast %ge3A : f32 to vector<1000x128xf32>
    %ge3A_28 = arith.cmpf oge, %add3A_26, %ge3A_27 : vector<1000x128xf32>
    %mul3A_29 = arith.constant 0.00999999977 : f32
    %mul3A_30 = vector.broadcast %mul3A_29 : f32 to vector<1000x128xf32>
    %mul3A_31 = arith.mulf %mul3A_30, %add3A_26 : vector<1000x128xf32>
    %select_n3A = arith.select %ge3A_28, %add3A_26, %mul3A_31 : vector<1000x128xi1>, vector<1000x128xf32>
    %get3A_32 = arith.constant 0 : index
    %get3A_33 = arith.constant 0 : index
    %get3A_34 = vector.load %arg5[%get3A_32, %get3A_33] : memref<128x256xf32, #tpu.memory_space<vmem>>, vector<128x256xf32>
    %dot_general3A = arith.constant dense<0.000000e+00> : vector<1000x256xf32>
    %dot_general3A_35 = tpu.matmul %select_n3A, %get3A_34, %dot_general3A {dimension_numbers = #tpu.dot_dimension_numbers<[1], [0], [0], [1], [0, 0, 1, 1], [], []>, transpose_lhs_hint = false} : vector<1000x128xf32>, vector<128x256xf32>, vector<1000x256xf32> -> vector<1000x256xf32>
    %get3A_36 = arith.constant 0 : index
    %get3A_37 = arith.constant 0 : index
    %get3A_38 = vector.load %arg6[%get3A_36, %get3A_37] : memref<1000x1xf32, #tpu.memory_space<vmem>>, vector<1000x1xf32>
    %mul3A_39 = vector.broadcast %get3A_38 : vector<1000x1xf32> to vector<1000x256xf32>
    %mul3A_40 = arith.mulf %dot_general3A_35, %mul3A_39 : vector<1000x256xf32>
    %slice3A_41 = vector.extract_strided_slice %mul3A_40 {offsets = [0, 0], sizes = [1000, 128], strides = [1, 1]} : vector<1000x256xf32> to vector<1000x128xf32>
    %swap3A = arith.constant 0 : index
    %swap3A_42 = arith.constant 0 : index
    %swap3A_43 = vector.load %arg7[%swap3A, %swap3A_42] : memref<1000x128xf32, #tpu.memory_space<vmem>>, vector<1000x128xf32>
    tpu.vector_store %arg7[%swap3A, %swap3A_42], %slice3A_41 {strides = array<i32>} : memref<1000x128xf32, #tpu.memory_space<vmem>>, vector<1000x128xf32>,
    %slice3A_44 = vector.extract_strided_slice %mul3A_40 {offsets = [0, 128], sizes = [1000, 128], strides = [1, 1]} : vector<1000x256xf32> to vector<1000x128xf32>
    %swap3A_45 = arith.constant 0 : index
    %swap3A_46 = arith.constant 0 : index
    %swap3A_47 = vector.load %arg8[%swap3A_45, %swap3A_46] : memref<1000x128xf32, #tpu.memory_space<vmem>>, vector<1000x128xf32>
    tpu.vector_store %arg8[%swap3A_45, %swap3A_46], %slice3A_44 {strides = array<i32>} : memref<1000x128xf32, #tpu.memory_space<vmem>>, vector<1000x128xf32>,
    return
  }
  func.func @transform_0(%arg0: i32) -> (i32, i32) {
    %c0_i32 = arith.constant 0 : i32
    %c0_i32_0 = arith.constant 0 : i32
    return %arg0, %c0_i32 : i32, i32
  }
  func.func @transform_1(%arg0: i32) -> (i32, i32) {
    %c0_i32 = arith.constant 0 : i32
    %c0_i32_0 = arith.constant 0 : i32
    %c0_i32_1 = arith.constant 0 : i32
    return %c0_i32, %c0_i32_0 : i32, i32
  }
  func.func @transform_2(%arg0: i32) -> (i32, i32) {
    %c0_i32 = arith.constant 0 : i32
    %c0_i32_0 = arith.constant 0 : i32
    %c0_i32_1 = arith.constant 0 : i32
    return %c0_i32, %c0_i32_0 : i32, i32
  }
  func.func @transform_3(%arg0: i32) -> (i32, i32) {
    %c0_i32 = arith.constant 0 : i32
    %c0_i32_0 = arith.constant 0 : i32
    %c0_i32_1 = arith.constant 0 : i32
    return %c0_i32, %c0_i32_0 : i32, i32
  }
  func.func @transform_4(%arg0: i32) -> (i32, i32) {
    %c0_i32 = arith.constant 0 : i32
    %c0_i32_0 = arith.constant 0 : i32
    %c0_i32_1 = arith.constant 0 : i32
    return %c0_i32, %c0_i32_0 : i32, i32
  }
  func.func @transform_5(%arg0: i32) -> (i32, i32) {
    %c0_i32 = arith.constant 0 : i32
    %c0_i32_0 = arith.constant 0 : i32
    return %arg0, %c0_i32 : i32, i32
  }
  func.func @transform_6(%arg0: i32) -> (i32, i32) {
    %c0_i32 = arith.constant 0 : i32
    %c0_i32_0 = arith.constant 0 : i32
    return %arg0, %c0_i32 : i32, i32
  }
  func.func @transform_7(%arg0: i32) -> (i32, i32) {
    %c0_i32 = arith.constant 0 : i32
    %c0_i32_0 = arith.constant 0 : i32
    return %arg0, %c0_i32 : i32, i32
  }
}

module attributes {stable_mosaic.version = 14 : i64} {
  func.func @body(%arg0: i32, %arg1: memref<1000x128xf32, #tpu.memory_space<vmem>>, %arg2: memref<1000x128xf32, #tpu.memory_space<vmem>>, %arg3: memref<1000x128xf32, #tpu.memory_space<vmem>>, %arg4: memref<1000x128xf32, #tpu.memory_space<vmem>>, %arg5: memref<1000x1xf32, #tpu.memory_space<vmem>>, %arg6: memref<1x256xf32, #tpu.memory_space<vmem>>, %arg7: memref<1000x256xf32, #tpu.memory_space<vmem>>, %arg8: memref<2x256xf32, #tpu.memory_space<vmem>>) attributes {dimension_semantics = [#tpu.dimension_semantics<arbitrary>], iteration_bounds = array<i64: 10>, scalar_prefetch = 0 : i64, scratch_operands = 0 : i64, tpu.core_type = #tpu.core_type<tc>, window_params = [{transform_indices = @transform_0, window_bounds = array<i64: 1000, 128>}, {transform_indices = @transform_1, window_bounds = array<i64: 1000, 128>}, {transform_indices = @transform_2, window_bounds = array<i64: 1000, 128>}, {transform_indices = @transform_3, window_bounds = array<i64: 1000, 128>}, {transform_indices = @transform_4, window_bounds = array<i64: 1000, 1>}, {pipeline_mode = #tpu.pipeline_mode<synchronous>, transform_indices = @transform_5, window_bounds = array<i64: 1, 256>}, {transform_indices = @transform_6, window_bounds = array<i64: 1000, 256>}, {pipeline_mode = #tpu.pipeline_mode<synchronous>, transform_indices = @transform_7, window_bounds = array<i64: 2, 256>}]} {
    %get3A = arith.constant 0 : index
    %get3A_0 = arith.constant 0 : index
    %get3A_1 = vector.load %arg1[%get3A, %get3A_0] : memref<1000x128xf32, #tpu.memory_space<vmem>>, vector<1000x128xf32>
    %get3A_2 = arith.constant 0 : index
    %get3A_3 = arith.constant 0 : index
    %get3A_4 = vector.load %arg3[%get3A_2, %get3A_3] : memref<1000x128xf32, #tpu.memory_space<vmem>>, vector<1000x128xf32>
    %add3A = arith.addf %get3A_1, %get3A_4 : vector<1000x128xf32>
    %get3A_5 = arith.constant 0 : index
    %get3A_6 = arith.constant 0 : index
    %get3A_7 = vector.load %arg5[%get3A_5, %get3A_6] : memref<1000x1xf32, #tpu.memory_space<vmem>>, vector<1000x1xf32>
    %mul3A = vector.broadcast %get3A_7 : vector<1000x1xf32> to vector<1000x128xf32>
    %mul3A_8 = arith.mulf %add3A, %mul3A : vector<1000x128xf32>
    %get3A_9 = arith.constant 0 : index
    %get3A_10 = arith.constant 0 : index
    %get3A_11 = vector.load %arg2[%get3A_9, %get3A_10] : memref<1000x128xf32, #tpu.memory_space<vmem>>, vector<1000x128xf32>
    %get3A_12 = arith.constant 0 : index
    %get3A_13 = arith.constant 0 : index
    %get3A_14 = vector.load %arg4[%get3A_12, %get3A_13] : memref<1000x128xf32, #tpu.memory_space<vmem>>, vector<1000x128xf32>
    %add3A_15 = arith.addf %get3A_11, %get3A_14 : vector<1000x128xf32>
    %get3A_16 = arith.constant 0 : index
    %get3A_17 = arith.constant 0 : index
    %get3A_18 = vector.load %arg5[%get3A_16, %get3A_17] : memref<1000x1xf32, #tpu.memory_space<vmem>>, vector<1000x1xf32>
    %mul3A_19 = vector.broadcast %get3A_18 : vector<1000x1xf32> to vector<1000x128xf32>
    %mul3A_20 = arith.mulf %add3A_15, %mul3A_19 : vector<1000x128xf32>
    %concatenate3A = tpu.concatenate %mul3A_8, %mul3A_20 in 1 : vector<1000x128xf32>, vector<1000x128xf32> -> vector<1000x256xf32>
    %get3A_21 = arith.constant 0 : index
    %get3A_22 = arith.constant 0 : index
    %get3A_23 = vector.load %arg6[%get3A_21, %get3A_22] : memref<1x256xf32, #tpu.memory_space<vmem>>, vector<1x256xf32>
    %add3A_24 = vector.broadcast %get3A_23 : vector<1x256xf32> to vector<1000x256xf32>
    %add3A_25 = arith.addf %concatenate3A, %add3A_24 : vector<1000x256xf32>
    %swap3A = arith.constant 0 : index
    %swap3A_26 = arith.constant 0 : index
    %swap3A_27 = vector.load %arg7[%swap3A, %swap3A_26] : memref<1000x256xf32, #tpu.memory_space<vmem>>, vector<1000x256xf32>
    tpu.vector_store %arg7[%swap3A, %swap3A_26], %add3A_25 {strides = array<i32>} : memref<1000x256xf32, #tpu.memory_space<vmem>>, vector<1000x256xf32>,
    %eq3A = arith.constant 0 : i32
    %eq3A_28 = arith.cmpi eq, %arg0, %eq3A : i32
    %convert_element_type3A = arith.extui %eq3A_28 : i1 to i32
    %cond3A = arith.constant 0 : i32
    %cond3A_29 = arith.cmpi ne, %convert_element_type3A, %cond3A : i32
    scf.if %cond3A_29 {
      %broadcast_in_dim3A_49 = arith.constant 0.000000e+00 : f32
      %broadcast_in_dim3A_50 = vector.broadcast %broadcast_in_dim3A_49 : f32 to vector<2x256xf32>
      %swap3A_51 = arith.constant 0 : index
      %swap3A_52 = arith.constant 0 : index
      %swap3A_53 = vector.load %arg8[%swap3A_51, %swap3A_52] : memref<2x256xf32, #tpu.memory_space<vmem>>, vector<2x256xf32>
      tpu.vector_store %arg8[%swap3A_51, %swap3A_52], %broadcast_in_dim3A_50 {strides = array<i32>} : memref<2x256xf32, #tpu.memory_space<vmem>>, vector<2x256xf32>,
    } else {
    }
    %get3A_30 = arith.constant 0 : index
    %get3A_31 = arith.constant 0 : index
    %get3A_32 = vector.load %arg8[%get3A_30, %get3A_31] : memref<2x256xf32, #tpu.memory_space<vmem>>, vector<1x256xf32>
    %reduce_sum3A = arith.constant dense<0.000000e+00> : vector<256xf32>
    %reduce_sum3A_33 = vector.multi_reduction <add>, %add3A_25, %reduce_sum3A [0] : vector<1000x256xf32> to vector<256xf32>
    %broadcast_in_dim3A = vector.shape_cast %reduce_sum3A_33 : vector<256xf32> to vector<1x256xf32>
    %add3A_34 = arith.addf %get3A_32, %broadcast_in_dim3A : vector<1x256xf32>
    %swap3A_35 = arith.constant 0 : index
    %swap3A_36 = arith.constant 0 : index
    %swap3A_37 = vector.load %arg8[%swap3A_35, %swap3A_36] : memref<2x256xf32, #tpu.memory_space<vmem>>, vector<1x256xf32>
    tpu.vector_store %arg8[%swap3A_35, %swap3A_36], %add3A_34 {strides = array<i32>} : memref<2x256xf32, #tpu.memory_space<vmem>>, vector<1x256xf32>,
    %get3A_38 = arith.constant 1 : index
    %get3A_39 = arith.constant 0 : index
    %get3A_40 = vector.load %arg8[%get3A_38, %get3A_39] : memref<2x256xf32, #tpu.memory_space<vmem>>, vector<1x256xf32>
    %mul3A_41 = arith.mulf %add3A_25, %add3A_25 : vector<1000x256xf32>
    %reduce_sum3A_42 = arith.constant dense<0.000000e+00> : vector<256xf32>
    %reduce_sum3A_43 = vector.multi_reduction <add>, %mul3A_41, %reduce_sum3A_42 [0] : vector<1000x256xf32> to vector<256xf32>
    %broadcast_in_dim3A_44 = vector.shape_cast %reduce_sum3A_43 : vector<256xf32> to vector<1x256xf32>
    %add3A_45 = arith.addf %get3A_40, %broadcast_in_dim3A_44 : vector<1x256xf32>
    %swap3A_46 = arith.constant 1 : index
    %swap3A_47 = arith.constant 0 : index
    %swap3A_48 = vector.load %arg8[%swap3A_46, %swap3A_47] : memref<2x256xf32, #tpu.memory_space<vmem>>, vector<1x256xf32>
    tpu.vector_store %arg8[%swap3A_46, %swap3A_47], %add3A_45 {strides = array<i32>} : memref<2x256xf32, #tpu.memory_space<vmem>>, vector<1x256xf32>,
    return
  }
  func.func @transform_0(%arg0: i32) -> (i32, i32) {
    %c0_i32 = arith.constant 0 : i32
    %c0_i32_0 = arith.constant 0 : i32
    return %arg0, %c0_i32 : i32, i32
  }
  func.func @transform_1(%arg0: i32) -> (i32, i32) {
    %c0_i32 = arith.constant 0 : i32
    %c0_i32_0 = arith.constant 0 : i32
    return %arg0, %c0_i32 : i32, i32
  }
  func.func @transform_2(%arg0: i32) -> (i32, i32) {
    %c0_i32 = arith.constant 0 : i32
    %c0_i32_0 = arith.constant 0 : i32
    return %arg0, %c0_i32 : i32, i32
  }
  func.func @transform_3(%arg0: i32) -> (i32, i32) {
    %c0_i32 = arith.constant 0 : i32
    %c0_i32_0 = arith.constant 0 : i32
    return %arg0, %c0_i32 : i32, i32
  }
  func.func @transform_4(%arg0: i32) -> (i32, i32) {
    %c0_i32 = arith.constant 0 : i32
    %c0_i32_0 = arith.constant 0 : i32
    return %arg0, %c0_i32 : i32, i32
  }
  func.func @transform_5(%arg0: i32) -> (i32, i32) {
    %c0_i32 = arith.constant 0 : i32
    %c0_i32_0 = arith.constant 0 : i32
    %c0_i32_1 = arith.constant 0 : i32
    return %c0_i32, %c0_i32_0 : i32, i32
  }
  func.func @transform_6(%arg0: i32) -> (i32, i32) {
    %c0_i32 = arith.constant 0 : i32
    %c0_i32_0 = arith.constant 0 : i32
    return %arg0, %c0_i32 : i32, i32
  }
  func.func @transform_7(%arg0: i32) -> (i32, i32) {
    %c0_i32 = arith.constant 0 : i32
    %c0_i32_0 = arith.constant 0 : i32
    %c0_i32_1 = arith.constant 0 : i32
    return %c0_i32, %c0_i32_0 : i32, i32
  }
}

module attributes {stable_mosaic.version = 14 : i64} {
  func.func @body(%arg0: i32, %arg1: memref<1000x256xf32, #tpu.memory_space<vmem>>, %arg2: memref<2x256xf32, #tpu.memory_space<vmem>>, %arg3: memref<1x256xf32, #tpu.memory_space<vmem>>, %arg4: memref<1x256xf32, #tpu.memory_space<vmem>>, %arg5: memref<256x1xf32, #tpu.memory_space<vmem>>, %arg6: memref<1x1xf32, #tpu.memory_space<vmem>>, %arg7: memref<1000x1xi32, #tpu.memory_space<vmem>>, %arg8: memref<1000x256xf32, #tpu.memory_space<vmem>>, %arg9: memref<1000x1xf32, #tpu.memory_space<vmem>>, %arg10: memref<1x64xf32, #tpu.memory_space<vmem>>) attributes {dimension_semantics = [#tpu.dimension_semantics<arbitrary>], iteration_bounds = array<i64: 10>, scalar_prefetch = 0 : i64, scratch_operands = 0 : i64, tpu.core_type = #tpu.core_type<tc>, window_params = [{transform_indices = @transform_0, window_bounds = array<i64: 1000, 256>}, {pipeline_mode = #tpu.pipeline_mode<synchronous>, transform_indices = @transform_1, window_bounds = array<i64: 2, 256>}, {pipeline_mode = #tpu.pipeline_mode<synchronous>, transform_indices = @transform_2, window_bounds = array<i64: 1, 256>}, {pipeline_mode = #tpu.pipeline_mode<synchronous>, transform_indices = @transform_3, window_bounds = array<i64: 1, 256>}, {pipeline_mode = #tpu.pipeline_mode<synchronous>, transform_indices = @transform_4, window_bounds = array<i64: 256, 1>}, {pipeline_mode = #tpu.pipeline_mode<synchronous>, transform_indices = @transform_5, window_bounds = array<i64: 1, 1>}, {transform_indices = @transform_6, window_bounds = array<i64: 1000, 1>}, {transform_indices = @transform_7, window_bounds = array<i64: 1000, 256>}, {transform_indices = @transform_8, window_bounds = array<i64: 1000, 1>}, {pipeline_mode = #tpu.pipeline_mode<synchronous>, transform_indices = @transform_9, window_bounds = array<i64: 1, 64>}]} {
    %get3A = arith.constant 0 : index
    %get3A_0 = arith.constant 0 : index
    %get3A_1 = vector.load %arg1[%get3A, %get3A_0] : memref<1000x256xf32, #tpu.memory_space<vmem>>, vector<1000x256xf32>
    %get3A_2 = arith.constant 0 : index
    %get3A_3 = arith.constant 0 : index
    %get3A_4 = vector.load %arg2[%get3A_2, %get3A_3] : memref<2x256xf32, #tpu.memory_space<vmem>>, vector<2x256xf32>
    %get3A_5 = arith.constant 0 : index
    %get3A_6 = arith.constant 0 : index
    %get3A_7 = vector.load %arg3[%get3A_5, %get3A_6] : memref<1x256xf32, #tpu.memory_space<vmem>>, vector<1x256xf32>
    %get3A_8 = arith.constant 0 : index
    %get3A_9 = arith.constant 0 : index
    %get3A_10 = vector.load %arg4[%get3A_8, %get3A_9] : memref<1x256xf32, #tpu.memory_space<vmem>>, vector<1x256xf32>
    %slice3A = vector.extract_strided_slice %get3A_4 {offsets = [0, 0], sizes = [1, 256], strides = [1, 1]} : vector<2x256xf32> to vector<1x256xf32>
    %div3A = arith.constant 1.000000e+04 : f32
    %div3A_11 = vector.broadcast %div3A : f32 to vector<1x256xf32>
    %div3A_12 = arith.divf %slice3A, %div3A_11 : vector<1x256xf32>
    %slice3A_13 = vector.extract_strided_slice %get3A_4 {offsets = [1, 0], sizes = [1, 256], strides = [1, 1]} : vector<2x256xf32> to vector<1x256xf32>
    %div3A_14 = arith.constant 1.000000e+04 : f32
    %div3A_15 = vector.broadcast %div3A_14 : f32 to vector<1x256xf32>
    %div3A_16 = arith.divf %slice3A_13, %div3A_15 : vector<1x256xf32>
    %mul3A = arith.mulf %div3A_12, %div3A_12 : vector<1x256xf32>
    %sub3A = arith.subf %div3A_16, %mul3A : vector<1x256xf32>
    %sub3A_17 = vector.broadcast %div3A_12 : vector<1x256xf32> to vector<1000x256xf32>
    %sub3A_18 = arith.subf %get3A_1, %sub3A_17 : vector<1000x256xf32>
    %add3A = arith.constant 9.99999974E-6 : f32
    %add3A_19 = vector.broadcast %add3A : f32 to vector<1x256xf32>
    %add3A_20 = arith.addf %sub3A, %add3A_19 : vector<1x256xf32>
    %rsqrt3A = math.rsqrt %add3A_20 : vector<1x256xf32>
    %mul3A_21 = vector.broadcast %rsqrt3A : vector<1x256xf32> to vector<1000x256xf32>
    %mul3A_22 = arith.mulf %sub3A_18, %mul3A_21 : vector<1000x256xf32>
    %mul3A_23 = vector.broadcast %get3A_7 : vector<1x256xf32> to vector<1000x256xf32>
    %mul3A_24 = arith.mulf %mul3A_22, %mul3A_23 : vector<1000x256xf32>
    %add3A_25 = vector.broadcast %get3A_10 : vector<1x256xf32> to vector<1000x256xf32>
    %add3A_26 = arith.addf %mul3A_24, %add3A_25 : vector<1000x256xf32>
    %ge3A = arith.constant 0.000000e+00 : f32
    %ge3A_27 = vector.broadcast %ge3A : f32 to vector<1000x256xf32>
    %ge3A_28 = arith.cmpf oge, %add3A_26, %ge3A_27 : vector<1000x256xf32>
    %mul3A_29 = arith.constant 0.00999999977 : f32
    %mul3A_30 = vector.broadcast %mul3A_29 : f32 to vector<1000x256xf32>
    %mul3A_31 = arith.mulf %mul3A_30, %add3A_26 : vector<1000x256xf32>
    %select_n3A = arith.select %ge3A_28, %add3A_26, %mul3A_31 : vector<1000x256xi1>, vector<1000x256xf32>
    %swap3A = arith.constant 0 : index
    %swap3A_32 = arith.constant 0 : index
    %swap3A_33 = vector.load %arg8[%swap3A, %swap3A_32] : memref<1000x256xf32, #tpu.memory_space<vmem>>, vector<1000x256xf32>
    tpu.vector_store %arg8[%swap3A, %swap3A_32], %select_n3A {strides = array<i32>} : memref<1000x256xf32, #tpu.memory_space<vmem>>, vector<1000x256xf32>,
    %get3A_34 = arith.constant 0 : index
    %get3A_35 = arith.constant 0 : index
    %get3A_36 = vector.load %arg5[%get3A_34, %get3A_35] : memref<256x1xf32, #tpu.memory_space<vmem>>, vector<256x1xf32>
    %dot_general3A = arith.constant dense<0.000000e+00> : vector<1000x1xf32>
    %dot_general3A_37 = tpu.matmul %select_n3A, %get3A_36, %dot_general3A {dimension_numbers = #tpu.dot_dimension_numbers<[1], [0], [0], [1], [0, 0, 1, 1], [], []>, transpose_lhs_hint = false} : vector<1000x256xf32>, vector<256x1xf32>, vector<1000x1xf32> -> vector<1000x1xf32>
    %get3A_38 = arith.constant 0 : index
    %get3A_39 = arith.constant 0 : index
    %get3A_40 = vector.load %arg6[%get3A_38, %get3A_39] : memref<1x1xf32, #tpu.memory_space<vmem>>, vector<1x1xf32>
    %add3A_41 = vector.broadcast %get3A_40 : vector<1x1xf32> to vector<1000x1xf32>
    %add3A_42 = arith.addf %dot_general3A_37, %add3A_41 : vector<1000x1xf32>
    %swap3A_43 = arith.constant 0 : index
    %swap3A_44 = arith.constant 0 : index
    %swap3A_45 = vector.load %arg9[%swap3A_43, %swap3A_44] : memref<1000x1xf32, #tpu.memory_space<vmem>>, vector<1000x1xf32>
    tpu.vector_store %arg9[%swap3A_43, %swap3A_44], %add3A_42 {strides = array<i32>} : memref<1000x1xf32, #tpu.memory_space<vmem>>, vector<1000x1xf32>,
    %get3A_46 = arith.constant 0 : index
    %get3A_47 = arith.constant 0 : index
    %get3A_48 = vector.load %arg7[%get3A_46, %get3A_47] : memref<1000x1xi32, #tpu.memory_space<vmem>>, vector<1000x1xi32>
    %iota3A = tpu.iota {dimensions = array<i32: 1>} : vector<1x64xi32>
    %eq3A = vector.broadcast %get3A_48 : vector<1000x1xi32> to vector<1000x64xi32>
    %eq3A_49 = vector.broadcast %iota3A : vector<1x64xi32> to vector<1000x64xi32>
    %eq3A_50 = arith.cmpi eq, %eq3A, %eq3A_49 : vector<1000x64xi32>
    %jit3A = arith.constant -3.000000e+38 : f32
    %broadcast_in_dim3A = vector.shape_cast %add3A_42 : vector<1000x1xf32> to vector<1000x1xf32>
    %broadcast_in_dim3A_51 = vector.broadcast %broadcast_in_dim3A : vector<1000x1xf32> to vector<1000x64xf32>
    %broadcast_in_dim3A_52 = vector.broadcast %jit3A : f32 to vector<1000x64xf32>
    %select_n3A_53 = arith.select %eq3A_50, %broadcast_in_dim3A_51, %broadcast_in_dim3A_52 : vector<1000x64xi1>, vector<1000x64xf32>
    %reduce_max3A = arith.constant dense<0xFF800000> : vector<64xf32>
    %reduce_max3A_54 = vector.multi_reduction <maximumf>, %select_n3A_53, %reduce_max3A [0] : vector<1000x64xf32> to vector<64xf32>
    %broadcast_in_dim3A_55 = vector.shape_cast %reduce_max3A_54 : vector<64xf32> to vector<1x64xf32>
    %eq3A_56 = arith.constant 0 : i32
    %eq3A_57 = arith.cmpi eq, %arg0, %eq3A_56 : i32
    %convert_element_type3A = arith.extui %eq3A_57 : i1 to i32
    %cond3A = arith.constant 0 : i32
    %cond3A_58 = arith.cmpi ne, %convert_element_type3A, %cond3A : i32
    scf.if %cond3A_58 {
      %broadcast_in_dim3A_65 = arith.constant -3.000000e+38 : f32
      %broadcast_in_dim3A_66 = vector.broadcast %broadcast_in_dim3A_65 : f32 to vector<1x64xf32>
      %swap3A_67 = arith.constant 0 : index
      %swap3A_68 = arith.constant 0 : index
      %swap3A_69 = vector.load %arg10[%swap3A_67, %swap3A_68] : memref<1x64xf32, #tpu.memory_space<vmem>>, vector<1x64xf32>
      tpu.vector_store %arg10[%swap3A_67, %swap3A_68], %broadcast_in_dim3A_66 {strides = array<i32>} : memref<1x64xf32, #tpu.memory_space<vmem>>, vector<1x64xf32>,
    } else {
    }
    %get3A_59 = arith.constant 0 : index
    %get3A_60 = arith.constant 0 : index
    %get3A_61 = vector.load %arg10[%get3A_59, %get3A_60] : memref<1x64xf32, #tpu.memory_space<vmem>>, vector<1x64xf32>
    %max3A = arith.maximumf %get3A_61, %broadcast_in_dim3A_55 : vector<1x64xf32>
    %swap3A_62 = arith.constant 0 : index
    %swap3A_63 = arith.constant 0 : index
    %swap3A_64 = vector.load %arg10[%swap3A_62, %swap3A_63] : memref<1x64xf32, #tpu.memory_space<vmem>>, vector<1x64xf32>
    tpu.vector_store %arg10[%swap3A_62, %swap3A_63], %max3A {strides = array<i32>} : memref<1x64xf32, #tpu.memory_space<vmem>>, vector<1x64xf32>,
    return
  }
  func.func @transform_0(%arg0: i32) -> (i32, i32) {
    %c0_i32 = arith.constant 0 : i32
    %c0_i32_0 = arith.constant 0 : i32
    return %arg0, %c0_i32 : i32, i32
  }
  func.func @transform_1(%arg0: i32) -> (i32, i32) {
    %c0_i32 = arith.constant 0 : i32
    %c0_i32_0 = arith.constant 0 : i32
    %c0_i32_1 = arith.constant 0 : i32
    return %c0_i32, %c0_i32_0 : i32, i32
  }
  func.func @transform_2(%arg0: i32) -> (i32, i32) {
    %c0_i32 = arith.constant 0 : i32
    %c0_i32_0 = arith.constant 0 : i32
    %c0_i32_1 = arith.constant 0 : i32
    return %c0_i32, %c0_i32_0 : i32, i32
  }
  func.func @transform_3(%arg0: i32) -> (i32, i32) {
    %c0_i32 = arith.constant 0 : i32
    %c0_i32_0 = arith.constant 0 : i32
    %c0_i32_1 = arith.constant 0 : i32
    return %c0_i32, %c0_i32_0 : i32, i32
  }
  func.func @transform_4(%arg0: i32) -> (i32, i32) {
    %c0_i32 = arith.constant 0 : i32
    %c0_i32_0 = arith.constant 0 : i32
    %c0_i32_1 = arith.constant 0 : i32
    return %c0_i32, %c0_i32_0 : i32, i32
  }
  func.func @transform_5(%arg0: i32) -> (i32, i32) {
    %c0_i32 = arith.constant 0 : i32
    %c0_i32_0 = arith.constant 0 : i32
    %c0_i32_1 = arith.constant 0 : i32
    return %c0_i32, %c0_i32_0 : i32, i32
  }
  func.func @transform_6(%arg0: i32) -> (i32, i32) {
    %c0_i32 = arith.constant 0 : i32
    %c0_i32_0 = arith.constant 0 : i32
    return %arg0, %c0_i32 : i32, i32
  }
  func.func @transform_7(%arg0: i32) -> (i32, i32) {
    %c0_i32 = arith.constant 0 : i32
    %c0_i32_0 = arith.constant 0 : i32
    return %arg0, %c0_i32 : i32, i32
  }
  func.func @transform_8(%arg0: i32) -> (i32, i32) {
    %c0_i32 = arith.constant 0 : i32
    %c0_i32_0 = arith.constant 0 : i32
    return %arg0, %c0_i32 : i32, i32
  }
  func.func @transform_9(%arg0: i32) -> (i32, i32) {
    %c0_i32 = arith.constant 0 : i32
    %c0_i32_0 = arith.constant 0 : i32
    %c0_i32_1 = arith.constant 0 : i32
    return %c0_i32, %c0_i32_0 : i32, i32
  }
}

module attributes {stable_mosaic.version = 14 : i64} {
  func.func @body(%arg0: i32, %arg1: memref<1000x256xf32, #tpu.memory_space<vmem>>, %arg2: memref<1000x1xf32, #tpu.memory_space<vmem>>, %arg3: memref<1x64xf32, #tpu.memory_space<vmem>>, %arg4: memref<1000x1xi32, #tpu.memory_space<vmem>>, %arg5: memref<64x256xf32, #tpu.memory_space<vmem>>, %arg6: memref<1x64xf32, #tpu.memory_space<vmem>>) attributes {dimension_semantics = [#tpu.dimension_semantics<arbitrary>], iteration_bounds = array<i64: 10>, scalar_prefetch = 0 : i64, scratch_operands = 0 : i64, tpu.core_type = #tpu.core_type<tc>, window_params = [{transform_indices = @transform_0, window_bounds = array<i64: 1000, 256>}, {transform_indices = @transform_1, window_bounds = array<i64: 1000, 1>}, {pipeline_mode = #tpu.pipeline_mode<synchronous>, transform_indices = @transform_2, window_bounds = array<i64: 1, 64>}, {transform_indices = @transform_3, window_bounds = array<i64: 1000, 1>}, {pipeline_mode = #tpu.pipeline_mode<synchronous>, transform_indices = @transform_4, window_bounds = array<i64: 64, 256>}, {pipeline_mode = #tpu.pipeline_mode<synchronous>, transform_indices = @transform_5, window_bounds = array<i64: 1, 64>}]} {
    %get3A = arith.constant 0 : index
    %get3A_0 = arith.constant 0 : index
    %get3A_1 = vector.load %arg4[%get3A, %get3A_0] : memref<1000x1xi32, #tpu.memory_space<vmem>>, vector<1000x1xi32>
    %iota3A = tpu.iota {dimensions = array<i32: 1>} : vector<1x64xi32>
    %eq3A = vector.broadcast %get3A_1 : vector<1000x1xi32> to vector<1000x64xi32>
    %eq3A_2 = vector.broadcast %iota3A : vector<1x64xi32> to vector<1000x64xi32>
    %eq3A_3 = arith.cmpi eq, %eq3A, %eq3A_2 : vector<1000x64xi32>
    %convert_element_type3A = arith.extui %eq3A_3 : vector<1000x64xi1> to vector<1000x64xi32>
    %convert_element_type3A_4 = arith.sitofp %convert_element_type3A : vector<1000x64xi32> to vector<1000x64xf32>
    %get3A_5 = arith.constant 0 : index
    %get3A_6 = arith.constant 0 : index
    %get3A_7 = vector.load %arg3[%get3A_5, %get3A_6] : memref<1x64xf32, #tpu.memory_space<vmem>>, vector<1x64xf32>
    %mul3A = vector.broadcast %get3A_7 : vector<1x64xf32> to vector<1000x64xf32>
    %mul3A_8 = arith.mulf %convert_element_type3A_4, %mul3A : vector<1000x64xf32>
    %reduce_sum3A = arith.constant dense<0.000000e+00> : vector<1000xf32>
    %reduce_sum3A_9 = vector.multi_reduction <add>, %mul3A_8, %reduce_sum3A [1] : vector<1000x64xf32> to vector<1000xf32>
    %broadcast_in_dim3A = vector.shape_cast %reduce_sum3A_9 : vector<1000xf32> to vector<1000x1xf32>
    %get3A_10 = arith.constant 0 : index
    %get3A_11 = arith.constant 0 : index
    %get3A_12 = vector.load %arg2[%get3A_10, %get3A_11] : memref<1000x1xf32, #tpu.memory_space<vmem>>, vector<1000x1xf32>
    %sub3A = arith.subf %get3A_12, %broadcast_in_dim3A : vector<1000x1xf32>
    %exp3A = math.exp %sub3A : vector<1000x1xf32>
    %eq3A_13 = arith.constant 0 : i32
    %eq3A_14 = arith.cmpi eq, %arg0, %eq3A_13 : i32
    %convert_element_type3A_15 = arith.extui %eq3A_14 : i1 to i32
    %cond3A = arith.constant 0 : i32
    %cond3A_16 = arith.cmpi ne, %convert_element_type3A_15, %cond3A : i32
    scf.if %cond3A_16 {
      %broadcast_in_dim3A_40 = arith.constant 0.000000e+00 : f32
      %broadcast_in_dim3A_41 = vector.broadcast %broadcast_in_dim3A_40 : f32 to vector<64x256xf32>
      %swap3A_42 = arith.constant 0 : index
      %swap3A_43 = arith.constant 0 : index
      %swap3A_44 = vector.load %arg5[%swap3A_42, %swap3A_43] : memref<64x256xf32, #tpu.memory_space<vmem>>, vector<64x256xf32>
      tpu.vector_store %arg5[%swap3A_42, %swap3A_43], %broadcast_in_dim3A_41 {strides = array<i32>} : memref<64x256xf32, #tpu.memory_space<vmem>>, vector<64x256xf32>,
      %broadcast_in_dim3A_45 = arith.constant 0.000000e+00 : f32
      %broadcast_in_dim3A_46 = vector.broadcast %broadcast_in_dim3A_45 : f32 to vector<1x64xf32>
      %swap3A_47 = arith.constant 0 : index
      %swap3A_48 = arith.constant 0 : index
      %swap3A_49 = vector.load %arg6[%swap3A_47, %swap3A_48] : memref<1x64xf32, #tpu.memory_space<vmem>>, vector<1x64xf32>
      tpu.vector_store %arg6[%swap3A_47, %swap3A_48], %broadcast_in_dim3A_46 {strides = array<i32>} : memref<1x64xf32, #tpu.memory_space<vmem>>, vector<1x64xf32>,
    } else {
    }
    %get3A_17 = arith.constant 0 : index
    %get3A_18 = arith.constant 0 : index
    %get3A_19 = vector.load %arg5[%get3A_17, %get3A_18] : memref<64x256xf32, #tpu.memory_space<vmem>>, vector<64x256xf32>
    %get3A_20 = arith.constant 0 : index
    %get3A_21 = arith.constant 0 : index
    %get3A_22 = vector.load %arg1[%get3A_20, %get3A_21] : memref<1000x256xf32, #tpu.memory_space<vmem>>, vector<1000x256xf32>
    %mul3A_23 = vector.broadcast %exp3A : vector<1000x1xf32> to vector<1000x256xf32>
    %mul3A_24 = arith.mulf %mul3A_23, %get3A_22 : vector<1000x256xf32>
    %dot_general3A = arith.constant dense<0.000000e+00> : vector<64x256xf32>
    %dot_general3A_25 = tpu.matmul %convert_element_type3A_4, %mul3A_24, %dot_general3A {dimension_numbers = #tpu.dot_dimension_numbers<[0], [0], [1], [1], [0, 1, 1, 1], [], []>, transpose_lhs_hint = false} : vector<1000x64xf32>, vector<1000x256xf32>, vector<64x256xf32> -> vector<64x256xf32>
    %add3A = arith.addf %get3A_19, %dot_general3A_25 : vector<64x256xf32>
    %swap3A = arith.constant 0 : index
    %swap3A_26 = arith.constant 0 : index
    %swap3A_27 = vector.load %arg5[%swap3A, %swap3A_26] : memref<64x256xf32, #tpu.memory_space<vmem>>, vector<64x256xf32>
    tpu.vector_store %arg5[%swap3A, %swap3A_26], %add3A {strides = array<i32>} : memref<64x256xf32, #tpu.memory_space<vmem>>, vector<64x256xf32>,
    %get3A_28 = arith.constant 0 : index
    %get3A_29 = arith.constant 0 : index
    %get3A_30 = vector.load %arg6[%get3A_28, %get3A_29] : memref<1x64xf32, #tpu.memory_space<vmem>>, vector<1x64xf32>
    %mul3A_31 = vector.broadcast %exp3A : vector<1000x1xf32> to vector<1000x64xf32>
    %mul3A_32 = arith.mulf %convert_element_type3A_4, %mul3A_31 : vector<1000x64xf32>
    %reduce_sum3A_33 = arith.constant dense<0.000000e+00> : vector<64xf32>
    %reduce_sum3A_34 = vector.multi_reduction <add>, %mul3A_32, %reduce_sum3A_33 [0] : vector<1000x64xf32> to vector<64xf32>
    %broadcast_in_dim3A_35 = vector.shape_cast %reduce_sum3A_34 : vector<64xf32> to vector<1x64xf32>
    %add3A_36 = arith.addf %get3A_30, %broadcast_in_dim3A_35 : vector<1x64xf32>
    %swap3A_37 = arith.constant 0 : index
    %swap3A_38 = arith.constant 0 : index
    %swap3A_39 = vector.load %arg6[%swap3A_37, %swap3A_38] : memref<1x64xf32, #tpu.memory_space<vmem>>, vector<1x64xf32>
    tpu.vector_store %arg6[%swap3A_37, %swap3A_38], %add3A_36 {strides = array<i32>} : memref<1x64xf32, #tpu.memory_space<vmem>>, vector<1x64xf32>,
    return
  }
  func.func @transform_0(%arg0: i32) -> (i32, i32) {
    %c0_i32 = arith.constant 0 : i32
    %c0_i32_0 = arith.constant 0 : i32
    return %arg0, %c0_i32 : i32, i32
  }
  func.func @transform_1(%arg0: i32) -> (i32, i32) {
    %c0_i32 = arith.constant 0 : i32
    %c0_i32_0 = arith.constant 0 : i32
    return %arg0, %c0_i32 : i32, i32
  }
  func.func @transform_2(%arg0: i32) -> (i32, i32) {
    %c0_i32 = arith.constant 0 : i32
    %c0_i32_0 = arith.constant 0 : i32
    %c0_i32_1 = arith.constant 0 : i32
    return %c0_i32, %c0_i32_0 : i32, i32
  }
  func.func @transform_3(%arg0: i32) -> (i32, i32) {
    %c0_i32 = arith.constant 0 : i32
    %c0_i32_0 = arith.constant 0 : i32
    return %arg0, %c0_i32 : i32, i32
  }
  func.func @transform_4(%arg0: i32) -> (i32, i32) {
    %c0_i32 = arith.constant 0 : i32
    %c0_i32_0 = arith.constant 0 : i32
    %c0_i32_1 = arith.constant 0 : i32
    return %c0_i32, %c0_i32_0 : i32, i32
  }
  func.func @transform_5(%arg0: i32) -> (i32, i32) {
    %c0_i32 = arith.constant 0 : i32
    %c0_i32_0 = arith.constant 0 : i32
    %c0_i32_1 = arith.constant 0 : i32
    return %c0_i32, %c0_i32_0 : i32, i32
  }
}

module attributes {stable_mosaic.version = 14 : i64} {
  func.func @body(%arg0: memref<64x256xf32, #tpu.memory_space<vmem>>, %arg1: memref<1x64xf32, #tpu.memory_space<vmem>>, %arg2: memref<64x256xf32, #tpu.memory_space<vmem>>) attributes {dimension_semantics = [], scalar_prefetch = 0 : i64, scratch_operands = 0 : i64, tpu.core_type = #tpu.core_type<tc>} {
    %get3A = arith.constant 0 : index
    %get3A_0 = arith.constant 0 : index
    %get3A_1 = vector.load %arg1[%get3A, %get3A_0] : memref<1x64xf32, #tpu.memory_space<vmem>>, vector<1x64xf32>
    %add3A = arith.constant 1.000000e-16 : f32
    %add3A_2 = vector.broadcast %add3A : f32 to vector<1x64xf32>
    %add3A_3 = arith.addf %get3A_1, %add3A_2 : vector<1x64xf32>
    %div3A = arith.constant 1.000000e+00 : f32
    %div3A_4 = vector.broadcast %div3A : f32 to vector<1x64xf32>
    %div3A_5 = arith.divf %div3A_4, %add3A_3 : vector<1x64xf32>
    %iota3A = tpu.iota {dimensions = array<i32: 0>} : vector<64x64xi32>
    %iota3A_6 = tpu.iota {dimensions = array<i32: 1>} : vector<64x64xi32>
    %eq3A = arith.cmpi eq, %iota3A, %iota3A_6 : vector<64x64xi32>
    %jit3A = arith.constant 0.000000e+00 : f32
    %broadcast_in_dim3A = vector.shape_cast %div3A_5 : vector<1x64xf32> to vector<1x64xf32>
    %broadcast_in_dim3A_7 = vector.broadcast %broadcast_in_dim3A : vector<1x64xf32> to vector<64x64xf32>
    %broadcast_in_dim3A_8 = vector.broadcast %jit3A : f32 to vector<64x64xf32>
    %select_n3A = arith.select %eq3A, %broadcast_in_dim3A_7, %broadcast_in_dim3A_8 : vector<64x64xi1>, vector<64x64xf32>
    %get3A_9 = arith.constant 0 : index
    %get3A_10 = arith.constant 0 : index
    %get3A_11 = vector.load %arg0[%get3A_9, %get3A_10] : memref<64x256xf32, #tpu.memory_space<vmem>>, vector<64x256xf32>
    %dot_general3A = arith.constant dense<0.000000e+00> : vector<64x256xf32>
    %dot_general3A_12 = tpu.matmul %select_n3A, %get3A_11, %dot_general3A {dimension_numbers = #tpu.dot_dimension_numbers<[1], [0], [0], [1], [0, 0, 1, 1], [], []>, transpose_lhs_hint = false} : vector<64x64xf32>, vector<64x256xf32>, vector<64x256xf32> -> vector<64x256xf32>
    %swap3A = arith.constant 0 : index
    %swap3A_13 = arith.constant 0 : index
    %swap3A_14 = vector.load %arg2[%swap3A, %swap3A_13] : memref<64x256xf32, #tpu.memory_space<vmem>>, vector<64x256xf32>
    tpu.vector_store %arg2[%swap3A, %swap3A_13], %dot_general3A_12 {strides = array<i32>} : memref<64x256xf32, #tpu.memory_space<vmem>>, vector<64x256xf32>,
    return
  }
}

</mosaic_0001>

<sc_bundles>
// kernel: kernel.12.cloned.1.call-start
scs
__scs_entry_jumppad:
0x0: {  	(pc) =	sbr.rel $0x88, $3  }
0x1: {  	(tag) =	ssettag $0x0;
	lr =	simm.s32 $0x1  }
0x2: {  	[smem:$0x3F92] =	sst lr;
	_ =	strace $0xD0000000  }
0x3: {  	_ = 	snop  }
0x4: {  	_ = 	snop  }
0x5: {  	_ = 	snop  }
0x6: {  	_ = 	snop  }
0x7: {  	_ = 	snop  }
__scs_overlays_trampoline_lowered:
0x8: {  	[smem:$0x3FA1] =	sst s0  }
0x9: {  	[smem:$0x3FA2] =	sst s1  }
0xa: {  	[smem:$0x3FA3] =	sst s2  }
0xb: {  	[smem:$0x3FA4] =	sst s3  }
0xc: {  	[smem:$0x3FA5] =	sst s4  }
0xd: {  	[smem:$0x3FA6] =	sst s5  }
0xe: {  	[smem:$0x3FA7] =	sst s6  }
0xf: {  	[smem:$0x3FA8] =	sst s7  }
0x10: {  	[smem:$0x3FA9] =	sst s8  }
0x11: {  	[smem:$0x3FAA] =	sst s9;
	s0 =	simm.s32 @!p0 $0x0  }
0x12: {  	s1 =	sld [smem:$0x3F90];
	s0 =	simm.s32 @p0 $0x1  }
0x13: {  	[smem:$0x3FAB] =	sst s0;
	s0 =	simm.s32 @!p1 $0x0  }
0x14: {  	s2 =	sld [smem:$0x3F8F];
	s0 =	simm.s32 @p1 $0x1  }
0x15: {  	[smem:$0x3FAC] =	sst s0;
	s0 =	simm.s32 @!p2 $0x0  }
0x16: {  	s3 =	sld [smem:$0x3FDB];
	s0 =	simm.s32 @p2 $0x1  }
0x17: {  	s4 =	simm.s32 $0x1BF5;
	[smem:$0x3FAE] =	sst s0  }
0x18: {  	s0 =	sld [smem:$0x3F91];
	_ =	swait.ge [sflag:s4], $0x0  }
0x19: {  	s7 =	sld [smem:$0x3F92]  }
0x1a: {  	s8 =	sadd.s32 $0xFFFFE003, lr  }
0x1b: {  	s9 =	sadd.s32 $0xFFFFFEF7, lr;
	s5 =	simm.s32 $0xFFFFFFFF;
	p2 =	slt.u32 s8, $0xFFFFF086  }
0x1c: {  	p1 =	slt.u32 s9, $0xF7A;
	s5 =	simm.s32 @!p2 $0x0  }
0x1d: {  	s5 =	simm.s32 @p1 $0x1;
	p0 =	seq.s32 s7, s2  }
0x1e: {  	s7 =	smul.u32 @!p0 $0xF7A, s2;
	p2 =	seq.s32 @!p0 s5, $0x0  }
0x1f: {  	s9 =	smul.u32 $0xF7A, s1;
	s8 =	simm.s32 @!p0 $0x1BF5;
	p2 =	por !p2, p0  }
0x20: {  	[sflag:s8] =	ssyncset.s32 @!p0 $0xFFFFF086;
	s6 =	sadd.s32 @!p0 s3, s7;
	s7 =	simm.s32 @!p0 $0x108  }
0x21: {  	s3 =	sadd.s32 s3, s9;
	s6 =	sadd.s32 @!p0 $0x88, s6;
	s7 =	simm.s32 @p2 $0x1082  }
0x22: {  	[simem:s7], [sflag:s8] =	dma.local @!p0 [hbm:s6], $0xF7A  }
0x23: {  	s9 =	sor.u32 $0xD0000000, s2;
	s6 =	simm.s32 $0x108;
	_ =	swait.ge @!p0 [sflag:s8], $0x0  }
0x24: {  	s3 =	sadd.s32 $0x88, s3;
	s6 =	simm.s32 @!p1 $0x1082;
	[sflag:s4] =	ssyncset.s32 $0xFFFFF086  }
0x25: {  	[simem:s6], [sflag:s4] =	dma.local [hbm:s3], $0xF7A  }
0x26: {  	[smem:$0x3F92] =	sst s1;
	(tag) =	ssettag s2;
	_ =	strace s9  }
0x27: {  	s1 =	sld [smem:$0x3FA2]  }
0x28: {  	s2 =	sld [smem:$0x3FA3]  }
0x29: {  	s4 =	sld [smem:$0x3FA5]  }
0x2a: {  	p0 =	seq.s32 s5, $0x0;
	s5 =	sld [smem:$0x3FA6]  }
0x2b: {  	s6 =	sld [smem:$0x3FA7]  }
0x2c: {  	s7 =	sld [smem:$0x3FA8]  }
0x2d: {  	s3 =	simm.s32 $0x108;
	s8 =	sld [smem:$0x3FA9]  }
0x2e: {  	s3 =	simm.s32 @!p0 $0x1082;
	s9 =	sld [smem:$0x3FAA]  }
0x2f: {  	lr =	sadd.s32 s0, s3;
	s0 =	sld [smem:$0x3FA1]  }
0x30: {  	s3 =	sld [smem:$0x3FA4]  }
0x31: {  	[smem:$0x3FAD] =	sst s10  }
0x32: {  	s10 =	sld [smem:$0x3FAB];
	_ =	sdelay $0x3  }
0x33: {  	p0 =	seq.s32 s10, $0x1;
	s10 =	sld [smem:$0x3FAD];
	_ =	sdelay $0x3  }
0x34: {  	[smem:$0x3FAD] =	sst s10  }
0x35: {  	s10 =	sld [smem:$0x3FAC];
	_ =	sdelay $0x3  }
0x36: {  	p1 =	seq.s32 s10, $0x1;
	s10 =	sld [smem:$0x3FAD];
	_ =	sdelay $0x3  }
0x37: {  	[smem:$0x3FAD] =	sst s10  }
0x38: {  	s10 =	sld [smem:$0x3FAE]  }
0x39: {  	_ = 	snop;
	(pc) =	sbr.ind lr, $3  }
0x3a: {  	_ = 	snop  }
0x3b: {  	_ = 	snop  }
0x3c: {  	p2 =	seq.s32 s10, $0x1;
	s10 =	sld [smem:$0x3FAD]  }
0x3d: {  	_ =	shalt  }
0x3e: {  	_ =	shalt  }
0x3f: {  	_ =	shalt  }
0x40: {  	_ =	shalt  }
0x41: {  	_ =	shalt  }
0x42: {  	_ =	shalt  }
0x43: {  	_ =	shalt  }
0x44: {  	_ =	shalt  }
0x45: {  	_ =	shalt  }
0x46: {  	_ =	shalt  }
0x47: {  	_ =	shalt  }
0x48: {  	_ =	shalt  }
0x49: {  	_ =	shalt  }
0x4a: {  	_ =	shalt  }
0x4b: {  	_ =	shalt  }
0x4c: {  	_ =	shalt  }
0x4d: {  	_ =	shalt  }
0x4e: {  	_ =	shalt  }
0x4f: {  	_ =	shalt  }
0x50: {  	_ =	shalt  }
0x51: {  	_ =	shalt  }
0x52: {  	_ =	shalt  }
0x53: {  	_ =	shalt  }
0x54: {  	_ =	shalt  }
0x55: {  	_ =	shalt  }
0x56: {  	_ =	shalt  }
0x57: {  	_ =	shalt  }
0x58: {  	_ =	shalt  }
0x59: {  	_ =	shalt  }
0x5a: {  	_ =	shalt  }
0x5b: {  	_ =	shalt  }
0x5c: {  	_ =	shalt  }
0x5d: {  	_ =	shalt  }
0x5e: {  	_ =	shalt  }
0x5f: {  	_ =	shalt  }
0x60: {  	_ =	shalt  }
0x61: {  	_ =	shalt  }
0x62: {  	_ =	shalt  }
0x63: {  	_ =	shalt  }
0x64: {  	_ =	shalt  }
0x65: {  	_ =	shalt  }
0x66: {  	_ =	shalt  }
0x67: {  	_ =	shalt  }
0x68: {  	_ =	shalt  }
0x69: {  	_ =	shalt  }
0x6a: {  	_ =	shalt  }
0x6b: {  	_ =	shalt  }
0x6c: {  	_ =	shalt  }
0x6d: {  	_ =	shalt  }
0x6e: {  	_ =	shalt  }
0x6f: {  	_ =	shalt  }
0x70: {  	_ =	shalt  }
0x71: {  	_ =	shalt  }
0x72: {  	_ =	shalt  }
0x73: {  	_ =	shalt  }
0x74: {  	_ =	shalt  }
0x75: {  	_ =	shalt  }
0x76: {  	_ =	shalt  }
0x77: {  	_ =	shalt  }
0x78: {  	_ =	shalt  }
0x79: {  	_ =	shalt  }
0x7a: {  	_ =	shalt  }
0x7b: {  	_ =	shalt  }
0x7c: {  	_ =	shalt  }
0x7d: {  	_ =	shalt  }
0x7e: {  	_ =	shalt  }
0x7f: {  	_ =	shalt  }
0x80: {  	_ =	shalt  }
0x81: {  	_ =	shalt  }
0x82: {  	_ =	shalt  }
0x83: {  	_ =	shalt  }
0x84: {  	_ =	shalt  }
0x85: {  	_ =	shalt  }
0x86: {  	_ =	shalt  }
0x87: {  	_ =	shalt  }
.Lfunc_end0:
.L_simem_size_0:
called_computation_lowered:
.L_overlay_start_0:
0x88: {  	s2 =	sld [smem:$0x3FD9]  }
0x89: {  	s3 =	sld [smem:$0x3FFE];
	_ =	sdelay $0x1  }
0x8a: {  	s1 =	srdreg.scid  }
0x8b: {  	s0 =	sand.u32 $0x1, s1  }
0x8c: {  	s16 =	sshll.u32 s0, $0xA;
	s2 =	sadd.s32 s3, s2  }
0x8d: {  	s2 =	sadd.s32 s2, s16  }
0x8e: {  	[smem:$0x3FB9] =	sst s2  }
0x8f: {  	_ = 	snop  }
0x90: {  	(tm) =	ssettm $0x1  }
0x91: {  	s17 =	sld [smem:$0x3FFB];
	_ =	sdelay $0x3  }
0x92: {  	_ =	strace s17  }
0x93: {  	s2 =	sld [smem:$0x3FFC];
	_ =	sdelay $0x3  }
0x94: {  	_ =	strace s2  }
0x95: {  	s2 =	sld [smem:$0x3FFD];
	_ =	sdelay $0x3  }
0x96: {  	_ =	strace s2  }
0x97: {  	_ =	strace $0x8FFFFFFF  }
0x98: {  	s18 =	sld [smem:$0x3FDB];
	_ =	sdelay $0x1  }
0x99: {  	s19 =	simm.s32 $_scs_section_size  }
0x9a: {  	s4 =	simm.s32 $_size__tile_overlayer_lowered;
	s5 =	simm.s32 $_tile_overlayer_lowered  }
0x9b: {  	s22 =	simm.s32 $0x1BFF;
	s21 =	sshll.u32 s5, $0x1;
	s2 =	sadd.s32 s19, s18  }
0x9c: {  	s6 =	simm.s32 $0x0;
	s20 =	sshll.u32 s4, $0x1;
	s4 =	sadd.s32 s21, s2  }
0x9d: {  	[timem:s6], [sflag:s22] =	dma.local [hbm:s4], s20  }
0x9e: {  	_ =	swait.ge [sflag:s22], s20  }
0x9f: {  	s3 =	ssub.s32 $0x0, s20;
	[sflag:s22] =	ssyncset.done $0x0  }
0xa0: {  	[sflag:s22] =	ssyncadd.s32 s3;
	_ =	sdelay $0x1  }
0xa1: {  	s23 =	simm.s32 $0x1B8B  }
0xa2: {  	_ =	swait.ge [sflag:s23], $0x1  }
0xa3: {  	[sflag:s23] =	ssyncset.done $0x0  }
0xa4: {  	s25 =	simm.s32 $0x1B8E;
	s24 =	sld [smem:$0x3FFE];
	[sflag:s23] =	ssyncadd.s32 $0xFFFFFFFF  }
0xa5: {  	s26 =	simm.s32 $execute0_lowered;
	[smem:$0x3FD2] =	sst s25  }
0xa6: {  	s4 =	sshll.u32 s26, $0x1;
	_ =	strace $0x80000046;
	[dreg:$0x1] =	wrdreg $0xFFFFFFFF  }
0xa7: {  	s28 =	simm.s32 $_size_execute0_lowered;
	s2 =	sadd.s32 s2, s4;
	[dreg:$0x0] =	wrdreg $0x0  }
0xa8: {  	s4 =	sshll.u32 s28, $0x1;
	[dreg:$0x2] =	wrdreg s2  }
0xa9: {  	[dreg:$0x3] =	wrdreg s4  }
0xaa: {  	[dreg:$0x4] =	wrdreg $0xC0  }
0xab: {  	_ =	task [dreg:s6], $0x5FFFF  }
0xac: {  	[dreg:$0x1] =	wrdreg $0xFFFFFFFF  }
0xad: {  	[dreg:$0x0] =	wrdreg $0x60  }
0xae: {  	[dreg:$0x2] =	wrdreg s24  }
0xaf: {  	[dreg:$0x3] =	wrdreg $0x40800  }
0xb0: {  	[dreg:$0x4] =	wrdreg $0x9  }
0xb1: {  	_ =	task.clear_ibuf [dreg:s6], $0x5FFFF;
	_ =	strace $0x90000046  }
0xb2: {  	s29 =	simm.s32 $0x9;
	_ =	strace $0x80000048  }
0xb3: {  	_ =	swait.ge [sflag:s29], $0x1  }
0xb4: {  	[sflag:s29] =	ssyncadd.s32 $0xFFFFFFFF  }
0xb5: {  	_ =	strace $0x90000048  }
0xb6: {  	_ =	sfence  }
0xb7: {  	s30 =	sld [smem:$0x0];
	_ =	sdelay $0x2  }
0xb8: {  	s31 =	sshll.u32 s1, $0xD;
	s1 =	sshrl.u32 s1, $0x2  }
0xb9: {  	s3 =	sand.u32 $0x4000, s31;
	s1 =	sadd.s32 s1, s30  }
0xba: {  	s0 =	sor.u32 s3, s0;
	s1 =	sshll.u32 s1, $0x11  }
0xbb: {  	s0 =	sor.u32 s1, s0  }
0xbc: {  	s0 =	sadd.s32 $0x8F2B, s0  }
0xbd: {  	[sflag:s0] =	ssyncadd.remote.s32 $0x1  }
0xbe: {  	_ =	sfence.sel $0xFFFF  }
0xbf: {  	[dreg:$0x0] =	wrdreg $0xFFFFFFFF;
	(pc) =	sbr.abs _section_cstart, $3  }
0xc0: {  	[dreg:$0x1] =	wrdreg $0xFFFFFFFF  }
0xc1: {  	_ =	task.clear_ibuf [dreg:s6], $0x2FFFF;
	_ =	strace $0x9FFFFFFF  }
0xc2: {  	(tm) =	ssettm $0x7FFFFFFF  }
0xc3: {  	_ =	shalt  }
tec
execute0_lowered:
.L_overlay_start_1:
0x0: {  	(tag) =	ssettag $0x1  }
0x1: {  	s4 =	rddreg [dreg:$0x0]  }
0x2: {  	s2 =	rddreg [dreg:$0x1]  }
0x3: {  	s0 =	rddreg [dreg:$0x2]  }
0x4: {  	s1 =	stileid.u32;
	s5 =	srdreg.scid;
	s3 =	simm.s32 $0x0  }
0x5: {  	s14 =	simm.s32 $0x80;
	s18 =	simm.s32 $0x0;
	s6 =	smul.u32 $0x500, s1  }
0x6: {  	s9 =	sand.u32 $0x1, s5;
	[smem:$0x7FF] =	sst s3;
	s7 =	smul.u32 $0x50000, s1  }
0x7: {  	s30 =	sshll.u32 s1, $0x1;
	s16 =	smul.u32 $0x2800, s1;
	s31 =	sshll.u32 s1, $0x6  }
0x8: {  	s5 =	smul.u32 $0x28000, s9;
	_ =	strace $0x80000047;
	s28 =	ssub.s32 $0x2, s9  }
0x9: {  	s8 =	sor.u32 s9, s30;
	s13 =	smul.u32 $0x280, s9;
	s11 =	sadd.s32 s6, s4  }
0xa: {  	s29 =	sshrl.u32 s28, $0x1;
	s7 =	sshrl.u32 s7, $0x2;
	p0 =	seq.s32 s8, $0x1F  }
0xb: {  	s8 =	simm.s32 $0xA;
	s10 =	sadd.s32 s5, s4;
	s12 =	ssub.s32 s28, s29  }
0xc: {  	s4 =	sadd.s32 s7, s2;
	s8 =	simm.s32 @!p0 $0x28;
	s11 =	sadd.s32 s13, s11  }
0xd: {  	s13 =	simm.s32 $0x4000;
	s5 =	sadd.s32 $0x4000, s4;
	s6 =	sadd.s32 $0x8000, s4  }
0xe: {  	s7 =	sadd.s32 $0xC000, s4;
	s9 =	sadd.s32 $0x10000, s4;
	s15 =	sadd.s32 $0x10600, s10  }
0xf: {  	s10 =	smax.u32 s12, $0x1;
	s11 =	sadd.s32 $0xB600, s11;
	s12 =	simm.s32 $0x1  }
0x10: {  	v0 =	vimm.f32 $0.0e+00;
	v1 =	vimm.f32 $1.000000000e+00;
	s17 =	sshrl.u32 s4, $0x3;
	s15 =	sadd.s32 s16, s15;
	s16 =	sor.u32 $0x1C01, s31  }
.LBB2_1:
0x11: {  	s19 =	simm.s32 $0x200;
	s20 =	simm.s32 $0x0  }
.LBB2_2:
0x12: {  	p0 =	sne.s32 s19, $0xFE00;
	[tilespmem:s20+$0x0] =	vst v0;
	s20 =	smov.u32 s19;
	s19 =	sadd.s32 $0x200, s19  }
.Ltmp0:
0x13: {  	(pc) =	sbr.rel @p0 .LBB2_2-.Ltmp0, $2  }
0x14: {  	_ =	sdelay $0x2  }
0x15: {  	s20 =	sshra.s32 s20, $0x2  }
0x16: {  	[tilespmem:s20+$0x0] =	vst v0;
	s19 =	simm.s32 $0x0  }
0x17: {  	[spmem:s4] =	stream.linear.scatter [tilespmem:s19], [sflag:$0x1], $0x4000, $0x38;
	[tilespmem:$0x6880] =	vst v63  }
0x18: {  	_ =	swait.ge [sflag:s12], $0x4000  }
0x19: {  	[sflag:s12] =	ssyncset.done $0x0  }
0x1a: {  	[sflag:s12] =	ssyncadd.s32 $0xFFFFC000  }
0x1b: {  	[spmem:s5] =	stream.linear.scatter [tilespmem:s19], [sflag:$0x1], $0x4000, $0x38;
	[tilespmem:$0x6880] =	vst v63  }
0x1c: {  	_ =	swait.ge [sflag:s12], $0x4000  }
0x1d: {  	[sflag:s12] =	ssyncset.done $0x0  }
0x1e: {  	[sflag:s12] =	ssyncadd.s32 $0xFFFFC000  }
0x1f: {  	[spmem:s6] =	stream.linear.scatter [tilespmem:s19], [sflag:$0x1], $0x4000, $0x38;
	[tilespmem:$0x6880] =	vst v63  }
0x20: {  	_ =	swait.ge [sflag:s12], $0x4000  }
0x21: {  	[sflag:s12] =	ssyncset.done $0x0  }
0x22: {  	[sflag:s12] =	ssyncadd.s32 $0xFFFFC000  }
0x23: {  	[spmem:s7] =	stream.linear.scatter [tilespmem:s19], [sflag:$0x1], $0x4000, $0x38;
	[tilespmem:$0x6880] =	vst v63  }
0x24: {  	_ =	swait.ge [sflag:s12], $0x4000  }
0x25: {  	[sflag:s12] =	ssyncset.done $0x0  }
0x26: {  	[sflag:s12] =	ssyncadd.s32 $0xFFFFC000  }
0x27: {  	[spmem:s9] =	stream.linear.scatter [tilespmem:s19], [sflag:$0x1], $0x4000, $0x38;
	[tilespmem:$0x6880] =	vst v63  }
0x28: {  	_ =	swait.ge [sflag:s12], $0x4000  }
0x29: {  	[sflag:s12] =	ssyncset.done $0x0  }
0x2a: {  	[sflag:s12] =	ssyncadd.s32 $0xFFFFC000  }
0x2b: {  	s20 =	simm.s32 $0x0;
	s19 =	simm.s32 $0x200;
	[bflag:$0x0] =	sbarrier.arrive $0xFFFF  }
.LBB2_4:
0x2c: {  	p0 =	sne.s32 s19, $0xFE00;
	[tilespmem:s20+$0x0] =	vst v1;
	s20 =	smov.u32 s19;
	s19 =	sadd.s32 $0x200, s19  }
.Ltmp1:
0x2d: {  	(pc) =	sbr.rel @p0 .LBB2_4-.Ltmp1, $2  }
0x2e: {  	_ =	sdelay $0x2  }
0x2f: {  	s20 =	sshra.s32 s20, $0x2  }
0x30: {  	[tilespmem:s20+$0x0] =	vst v1  }
0x31: {  	[tilespmem:s13], [sflag:$0x1] =	stream.linear.gather [hbm4b:s11+s3], $0x80, $0x38;
	[tilespmem:$0x6880] =	vst v63  }
0x32: {  	p0 =	sne.s32 s8, $0x1;
	_ =	swait.ge [sflag:s12], $0x80  }
.Ltmp2:
0x33: {  	[sflag:s12] =	ssyncset.done $0x0;
	(pc) =	sbr.rel @!p0 .LBB2_7-.Ltmp2, $4  }
0x34: {  	[sflag:s12] =	ssyncadd.s32 $0xFFFFFF80  }
0x35: {  	[spmem:s2] =	stream.indirect.scatter.add.f32 [tilespmem:s3], [sflag:$0x1], $0x10, s13, s14, $0xb8;
	[tilespmem:$0x6880] =	vst v63  }
0x36: {  	_ =	swait.ge [sflag:s12], $0x800  }
0x37: {  	s19 =	sadd.s32 $0xFFFFFFFF, s8;
	s20 =	smov.u32 s11;
	[sflag:s12] =	ssyncset.done $0x0  }
.LBB2_6:
0x38: {  	p0 =	sne.s32 s19, $0x1;
	[sflag:s12] =	ssyncadd.s32 $0xFFFFF800;
	s20 =	sadd.s32 $0x10, s20  }
0x39: {  	[tilespmem:s13], [sflag:$0x1] =	stream.linear.gather [hbm4b:s20+s3], $0x80, $0x38;
	[tilespmem:$0x6880] =	vst v63  }
0x3a: {  	s19 =	sadd.s32 $0xFFFFFFFF, s19;
	_ =	swait.ge [sflag:s12], $0x80  }
.Ltmp3:
0x3b: {  	[sflag:s12] =	ssyncset.done $0x0;
	(pc) =	sbr.rel @p0 .LBB2_6-.Ltmp3, $4  }
0x3c: {  	[sflag:s12] =	ssyncadd.s32 $0xFFFFFF80  }
0x3d: {  	[spmem:s2] =	stream.indirect.scatter.add.f32 [tilespmem:s3], [sflag:$0x1], $0x10, s13, s14, $0xb8;
	[tilespmem:$0x6880] =	vst v63  }
0x3e: {  	_ =	swait.ge [sflag:s12], $0x800  }
0x3f: {  	[sflag:s12] =	ssyncset.done $0x0  }
.LBB2_7:
0x40: {  	s18 =	sadd.s32 $0x1, s18  }
0x41: {  	[sflag:s12] =	ssyncadd.s32 $0xFFFFF800;
	p0 =	sne.s32 s18, s10  }
.Ltmp4:
0x42: {  	[bflag:$0x0] =	sbarrier.arrive $0xFFFF;
	(pc) =	sbr.rel @p0 .LBB2_1-.Ltmp4, $4  }
0x43: {  	[hbm:s15], [sflag:s16] =	dma.local [spmem:s17], $0x2800  }
0x44: {  	_ =	swait.ge [sflag:s12], $0x2800  }
0x45: {  	[sflag:s12] =	ssyncset.done $0x0  }
0x46: {  	[sflag:s12] =	ssyncadd.s32 $0xFFFFD800  }
0x47: {  	_ =	sfence.sel $0x180000  }
0x48: {  	[bflag:$0x0] =	sbarrier.arrive $0xFFFF  }
0x49: {  	p0 =	sne.s32 s1, $0x0;
	_ =	strace $0x90000047  }
0x4a: {  	s0 =	sadd.s32 @!p0 $0x100000, s0;
	[bflag:$0x2] =	sbarrier.arrive $0xFFFF  }
0x4b: {  	[sflag:s0] =	ssyncadd.tile.s32 @!p0 $0x1;
	_ =	shalt  }
.Lfunc_end2:
_tile_overlayer_lowered:
.L_overlay_start_2:
0x4c: {  	(tag) =	ssettag $0x2  }
0x4d: {  	s0 =	rddreg [dreg:$0x0];
	s2 =	stileid.u32  }
0x4e: {  	s1 =	rddreg [dreg:$0x1];
	p0 =	sne.s32 s2, $0x0  }
0x4f: {  	s3 =	rddreg [dreg:$0x2];
	[bflag:$0x3] =	sbarrier.arrive $0xFFFF;
	s2 =	simm.s32 @!p0 $0x1C01  }
0x50: {  	[timem:s3], [sflag:s2] =	dma.local @!p0 [hbm:s0], s1  }
0x51: {  	s0 =	simm.s32 @!p0 $0x1  }
0x52: {  	_ =	swait.ge @!p0 [sflag:s0], s1  }
0x53: {  	s1 =	ssub.s32 @!p0 $0x0, s1;
	[sflag:s0] =	ssyncset.done @!p0 $0x0  }
0x54: {  	[sflag:s0] =	ssyncadd.s32 @!p0 s1  }
0x55: {  	[bflag:$0x3] =	sbarrier.arrive $0xFFFF  }
0x56: {  	_ =	shalt  }

// kernel: kernel.15.cloned.1.call-start
scs
__scs_entry_jumppad:
0x0: {  	(pc) =	sbr.rel $0x88, $3  }
0x1: {  	(tag) =	ssettag $0x0;
	lr =	simm.s32 $0x1  }
0x2: {  	[smem:$0x3F92] =	sst lr;
	_ =	strace $0xD0000000  }
0x3: {  	_ = 	snop  }
0x4: {  	_ = 	snop  }
0x5: {  	_ = 	snop  }
0x6: {  	_ = 	snop  }
0x7: {  	_ = 	snop  }
__scs_overlays_trampoline_lowered:
0x8: {  	[smem:$0x3FA1] =	sst s0  }
0x9: {  	[smem:$0x3FA2] =	sst s1  }
0xa: {  	[smem:$0x3FA3] =	sst s2  }
0xb: {  	[smem:$0x3FA4] =	sst s3  }
0xc: {  	[smem:$0x3FA5] =	sst s4  }
0xd: {  	[smem:$0x3FA6] =	sst s5  }
0xe: {  	[smem:$0x3FA7] =	sst s6  }
0xf: {  	[smem:$0x3FA8] =	sst s7  }
0x10: {  	[smem:$0x3FA9] =	sst s8  }
0x11: {  	[smem:$0x3FAA] =	sst s9;
	s0 =	simm.s32 @!p0 $0x0  }
0x12: {  	s1 =	sld [smem:$0x3F90];
	s0 =	simm.s32 @p0 $0x1  }
0x13: {  	[smem:$0x3FAB] =	sst s0;
	s0 =	simm.s32 @!p1 $0x0  }
0x14: {  	s2 =	sld [smem:$0x3F8F];
	s0 =	simm.s32 @p1 $0x1  }
0x15: {  	[smem:$0x3FAC] =	sst s0;
	s0 =	simm.s32 @!p2 $0x0  }
0x16: {  	s3 =	sld [smem:$0x3FDB];
	s0 =	simm.s32 @p2 $0x1  }
0x17: {  	s4 =	simm.s32 $0x1BF5;
	[smem:$0x3FAE] =	sst s0  }
0x18: {  	s0 =	sld [smem:$0x3F91];
	_ =	swait.ge [sflag:s4], $0x0  }
0x19: {  	s7 =	sld [smem:$0x3F92]  }
0x1a: {  	s8 =	sadd.s32 $0xFFFFE003, lr  }
0x1b: {  	s9 =	sadd.s32 $0xFFFFFEF7, lr;
	s5 =	simm.s32 $0xFFFFFFFF;
	p2 =	slt.u32 s8, $0xFFFFF086  }
0x1c: {  	p1 =	slt.u32 s9, $0xF7A;
	s5 =	simm.s32 @!p2 $0x0  }
0x1d: {  	s5 =	simm.s32 @p1 $0x1;
	p0 =	seq.s32 s7, s2  }
0x1e: {  	s7 =	smul.u32 @!p0 $0xF7A, s2;
	p2 =	seq.s32 @!p0 s5, $0x0  }
0x1f: {  	s9 =	smul.u32 $0xF7A, s1;
	s8 =	simm.s32 @!p0 $0x1BF5;
	p2 =	por !p2, p0  }
0x20: {  	[sflag:s8] =	ssyncset.s32 @!p0 $0xFFFFF086;
	s6 =	sadd.s32 @!p0 s3, s7;
	s7 =	simm.s32 @!p0 $0x108  }
0x21: {  	s3 =	sadd.s32 s3, s9;
	s6 =	sadd.s32 @!p0 $0x88, s6;
	s7 =	simm.s32 @p2 $0x1082  }
0x22: {  	[simem:s7], [sflag:s8] =	dma.local @!p0 [hbm:s6], $0xF7A  }
0x23: {  	s9 =	sor.u32 $0xD0000000, s2;
	s6 =	simm.s32 $0x108;
	_ =	swait.ge @!p0 [sflag:s8], $0x0  }
0x24: {  	s3 =	sadd.s32 $0x88, s3;
	s6 =	simm.s32 @!p1 $0x1082;
	[sflag:s4] =	ssyncset.s32 $0xFFFFF086  }
0x25: {  	[simem:s6], [sflag:s4] =	dma.local [hbm:s3], $0xF7A  }
0x26: {  	[smem:$0x3F92] =	sst s1;
	(tag) =	ssettag s2;
	_ =	strace s9  }
0x27: {  	s1 =	sld [smem:$0x3FA2]  }
0x28: {  	s2 =	sld [smem:$0x3FA3]  }
0x29: {  	s4 =	sld [smem:$0x3FA5]  }
0x2a: {  	p0 =	seq.s32 s5, $0x0;
	s5 =	sld [smem:$0x3FA6]  }
0x2b: {  	s6 =	sld [smem:$0x3FA7]  }
0x2c: {  	s7 =	sld [smem:$0x3FA8]  }
0x2d: {  	s3 =	simm.s32 $0x108;
	s8 =	sld [smem:$0x3FA9]  }
0x2e: {  	s3 =	simm.s32 @!p0 $0x1082;
	s9 =	sld [smem:$0x3FAA]  }
0x2f: {  	lr =	sadd.s32 s0, s3;
	s0 =	sld [smem:$0x3FA1]  }
0x30: {  	s3 =	sld [smem:$0x3FA4]  }
0x31: {  	[smem:$0x3FAD] =	sst s10  }
0x32: {  	s10 =	sld [smem:$0x3FAB];
	_ =	sdelay $0x3  }
0x33: {  	p0 =	seq.s32 s10, $0x1;
	s10 =	sld [smem:$0x3FAD];
	_ =	sdelay $0x3  }
0x34: {  	[smem:$0x3FAD] =	sst s10  }
0x35: {  	s10 =	sld [smem:$0x3FAC];
	_ =	sdelay $0x3  }
0x36: {  	p1 =	seq.s32 s10, $0x1;
	s10 =	sld [smem:$0x3FAD];
	_ =	sdelay $0x3  }
0x37: {  	[smem:$0x3FAD] =	sst s10  }
0x38: {  	s10 =	sld [smem:$0x3FAE]  }
0x39: {  	_ = 	snop;
	(pc) =	sbr.ind lr, $3  }
0x3a: {  	_ = 	snop  }
0x3b: {  	_ = 	snop  }
0x3c: {  	p2 =	seq.s32 s10, $0x1;
	s10 =	sld [smem:$0x3FAD]  }
0x3d: {  	_ =	shalt  }
0x3e: {  	_ =	shalt  }
0x3f: {  	_ =	shalt  }
0x40: {  	_ =	shalt  }
0x41: {  	_ =	shalt  }
0x42: {  	_ =	shalt  }
0x43: {  	_ =	shalt  }
0x44: {  	_ =	shalt  }
0x45: {  	_ =	shalt  }
0x46: {  	_ =	shalt  }
0x47: {  	_ =	shalt  }
0x48: {  	_ =	shalt  }
0x49: {  	_ =	shalt  }
0x4a: {  	_ =	shalt  }
0x4b: {  	_ =	shalt  }
0x4c: {  	_ =	shalt  }
0x4d: {  	_ =	shalt  }
0x4e: {  	_ =	shalt  }
0x4f: {  	_ =	shalt  }
0x50: {  	_ =	shalt  }
0x51: {  	_ =	shalt  }
0x52: {  	_ =	shalt  }
0x53: {  	_ =	shalt  }
0x54: {  	_ =	shalt  }
0x55: {  	_ =	shalt  }
0x56: {  	_ =	shalt  }
0x57: {  	_ =	shalt  }
0x58: {  	_ =	shalt  }
0x59: {  	_ =	shalt  }
0x5a: {  	_ =	shalt  }
0x5b: {  	_ =	shalt  }
0x5c: {  	_ =	shalt  }
0x5d: {  	_ =	shalt  }
0x5e: {  	_ =	shalt  }
0x5f: {  	_ =	shalt  }
0x60: {  	_ =	shalt  }
0x61: {  	_ =	shalt  }
0x62: {  	_ =	shalt  }
0x63: {  	_ =	shalt  }
0x64: {  	_ =	shalt  }
0x65: {  	_ =	shalt  }
0x66: {  	_ =	shalt  }
0x67: {  	_ =	shalt  }
0x68: {  	_ =	shalt  }
0x69: {  	_ =	shalt  }
0x6a: {  	_ =	shalt  }
0x6b: {  	_ =	shalt  }
0x6c: {  	_ =	shalt  }
0x6d: {  	_ =	shalt  }
0x6e: {  	_ =	shalt  }
0x6f: {  	_ =	shalt  }
0x70: {  	_ =	shalt  }
0x71: {  	_ =	shalt  }
0x72: {  	_ =	shalt  }
0x73: {  	_ =	shalt  }
0x74: {  	_ =	shalt  }
0x75: {  	_ =	shalt  }
0x76: {  	_ =	shalt  }
0x77: {  	_ =	shalt  }
0x78: {  	_ =	shalt  }
0x79: {  	_ =	shalt  }
0x7a: {  	_ =	shalt  }
0x7b: {  	_ =	shalt  }
0x7c: {  	_ =	shalt  }
0x7d: {  	_ =	shalt  }
0x7e: {  	_ =	shalt  }
0x7f: {  	_ =	shalt  }
0x80: {  	_ =	shalt  }
0x81: {  	_ =	shalt  }
0x82: {  	_ =	shalt  }
0x83: {  	_ =	shalt  }
0x84: {  	_ =	shalt  }
0x85: {  	_ =	shalt  }
0x86: {  	_ =	shalt  }
0x87: {  	_ =	shalt  }
.Lfunc_end0:
.L_simem_size_0:
called_computation.1_lowered:
.L_overlay_start_0:
0x88: {  	s2 =	sld [smem:$0x3FD9]  }
0x89: {  	s3 =	sld [smem:$0x3FFE];
	_ =	sdelay $0x1  }
0x8a: {  	s1 =	srdreg.scid  }
0x8b: {  	s0 =	sand.u32 $0x1, s1  }
0x8c: {  	s16 =	sshll.u32 s0, $0xA;
	s2 =	sadd.s32 s3, s2  }
0x8d: {  	s2 =	sadd.s32 s2, s16  }
0x8e: {  	[smem:$0x3FB9] =	sst s2  }
0x8f: {  	_ = 	snop  }
0x90: {  	(tm) =	ssettm $0x1  }
0x91: {  	s17 =	sld [smem:$0x3FFB];
	_ =	sdelay $0x3  }
0x92: {  	_ =	strace s17  }
0x93: {  	s2 =	sld [smem:$0x3FFC];
	_ =	sdelay $0x3  }
0x94: {  	_ =	strace s2  }
0x95: {  	s2 =	sld [smem:$0x3FFD];
	_ =	sdelay $0x3  }
0x96: {  	_ =	strace s2  }
0x97: {  	_ =	strace $0x8FFFFFFF  }
0x98: {  	s18 =	sld [smem:$0x3FDB];
	_ =	sdelay $0x1  }
0x99: {  	s19 =	simm.s32 $_scs_section_size  }
0x9a: {  	s4 =	simm.s32 $_size__tile_overlayer_lowered;
	s5 =	simm.s32 $_tile_overlayer_lowered  }
0x9b: {  	s22 =	simm.s32 $0x1BFF;
	s21 =	sshll.u32 s5, $0x1;
	s2 =	sadd.s32 s19, s18  }
0x9c: {  	s6 =	simm.s32 $0x0;
	s20 =	sshll.u32 s4, $0x1;
	s4 =	sadd.s32 s21, s2  }
0x9d: {  	[timem:s6], [sflag:s22] =	dma.local [hbm:s4], s20  }
0x9e: {  	_ =	swait.ge [sflag:s22], s20  }
0x9f: {  	s3 =	ssub.s32 $0x0, s20;
	[sflag:s22] =	ssyncset.done $0x0  }
0xa0: {  	[sflag:s22] =	ssyncadd.s32 s3;
	_ =	sdelay $0x1  }
0xa1: {  	s23 =	simm.s32 $0x1B8B  }
0xa2: {  	_ =	swait.ge [sflag:s23], $0x1  }
0xa3: {  	[sflag:s23] =	ssyncset.done $0x0  }
0xa4: {  	s25 =	simm.s32 $0x1B8E;
	s24 =	sld [smem:$0x3FFE];
	[sflag:s23] =	ssyncadd.s32 $0xFFFFFFFF  }
0xa5: {  	s26 =	simm.s32 $execute0_lowered;
	[smem:$0x3FD2] =	sst s25  }
0xa6: {  	s4 =	sshll.u32 s26, $0x1;
	_ =	strace $0x80000049;
	[dreg:$0x1] =	wrdreg $0xFFFFFFFF  }
0xa7: {  	s28 =	simm.s32 $_size_execute0_lowered;
	s2 =	sadd.s32 s2, s4;
	[dreg:$0x0] =	wrdreg $0x0  }
0xa8: {  	s4 =	sshll.u32 s28, $0x1;
	[dreg:$0x2] =	wrdreg s2  }
0xa9: {  	[dreg:$0x3] =	wrdreg s4  }
0xaa: {  	[dreg:$0x4] =	wrdreg $0xC0  }
0xab: {  	_ =	task [dreg:s6], $0x5FFFF  }
0xac: {  	[dreg:$0x1] =	wrdreg $0xFFFFFFFF  }
0xad: {  	[dreg:$0x0] =	wrdreg $0x60  }
0xae: {  	[dreg:$0x2] =	wrdreg s24  }
0xaf: {  	[dreg:$0x3] =	wrdreg $0x41000  }
0xb0: {  	[dreg:$0x4] =	wrdreg $0x9  }
0xb1: {  	_ =	task.clear_ibuf [dreg:s6], $0x5FFFF;
	_ =	strace $0x90000049  }
0xb2: {  	s29 =	simm.s32 $0x9;
	_ =	strace $0x8000004B  }
0xb3: {  	_ =	swait.ge [sflag:s29], $0x1  }
0xb4: {  	[sflag:s29] =	ssyncadd.s32 $0xFFFFFFFF  }
0xb5: {  	_ =	strace $0x9000004B  }
0xb6: {  	_ =	sfence  }
0xb7: {  	s30 =	sld [smem:$0x0];
	_ =	sdelay $0x2  }
0xb8: {  	s31 =	sshll.u32 s1, $0xD;
	s1 =	sshrl.u32 s1, $0x2  }
0xb9: {  	s3 =	sand.u32 $0x4000, s31;
	s1 =	sadd.s32 s1, s30  }
0xba: {  	s0 =	sor.u32 s3, s0;
	s1 =	sshll.u32 s1, $0x11  }
0xbb: {  	s0 =	sor.u32 s1, s0  }
0xbc: {  	s0 =	sadd.s32 $0x8F2B, s0  }
0xbd: {  	[sflag:s0] =	ssyncadd.remote.s32 $0x1  }
0xbe: {  	_ =	sfence.sel $0xFFFF  }
0xbf: {  	[dreg:$0x0] =	wrdreg $0xFFFFFFFF;
	(pc) =	sbr.abs _section_cstart, $3  }
0xc0: {  	[dreg:$0x1] =	wrdreg $0xFFFFFFFF  }
0xc1: {  	_ =	task.clear_ibuf [dreg:s6], $0x2FFFF;
	_ =	strace $0x9FFFFFFF  }
0xc2: {  	(tm) =	ssettm $0x7FFFFFFF  }
0xc3: {  	_ =	shalt  }
tec
execute0_lowered:
.L_overlay_start_1:
0x0: {  	(tag) =	ssettag $0x1  }
0x1: {  	s6 =	rddreg [dreg:$0x0]  }
0x2: {  	s2 =	rddreg [dreg:$0x1]  }
0x3: {  	s0 =	rddreg [dreg:$0x2];
	s3 =	simm.s32 $0x0;
	s1 =	stileid.u32  }
0x4: {  	s7 =	srdreg.scid;
	s11 =	simm.s32 $0x28;
	s20 =	simm.s32 $0x4000  }
0x5: {  	s21 =	simm.s32 $0x4080;
	s22 =	simm.s32 $0x80;
	s23 =	simm.s32 $0x1  }
0x6: {  	s24 =	simm.s32 $0x0;
	[smem:$0x7FF] =	sst s3;
	s5 =	smul.u32 $0x270, s1  }
0x7: {  	s8 =	smul.u32 $0x50000, s1;
	s4 =	sadd.s32 $0x10600, s6;
	s19 =	sand.u32 $0x1, s7  }
0x8: {  	p0 =	seq.s32 s1, $0xF;
	s13 =	smul.u32 $0x2800, s1;
	_ =	strace $0x8000004A  }
0x9: {  	s9 =	ssub.s32 $0x2, s19;
	s11 =	simm.s32 @!p0 $0x27;
	p0 =	sne.s32 s19, $0x0  }
0xa: {  	s19 =	simm.s32 $0x2;
	s18 =	sadd.s32 s5, s6;
	s5 =	sadd.s32 $0x5EA00, s6  }
.Ltmp0:
0xb: {  	s30 =	sshrl.u32 s8, $0x2;
	s31 =	sshrl.u32 s9, $0x1;
	(pc) =	sbr.rel .LBB2_1-.Ltmp0, $4  }
0xc: {  	s6 =	sadd.s32 $0x86A00, s6;
	s7 =	sadd.s32 s30, s2;
	s14 =	ssub.s32 s9, s31  }
0xd: {  	s15 =	sadd.s32 $0xB600, s18;
	s16 =	sadd.s32 $0xDD10, s18;
	s17 =	sadd.s32 $0x6600, s18  }
0xe: {  	s18 =	sadd.s32 $0x8D10, s18;
	s8 =	sadd.s32 $0x4000, s7;
	s9 =	sadd.s32 $0x8000, s7  }
0xf: {  	v0 =	vimm.f32 $0.0e+00;
	s10 =	sadd.s32 $0xC000, s7;
	s12 =	sadd.s32 $0x10000, s7;
	s14 =	smax.u32 s14, $0x1  }
.LBB2_9:
0x10: {  	[sflag:s19] =	ssyncadd.s32 $0xFFFFC000;
	s25 =	smov.u32 s6  }
.LBB2_10:
0x11: {  	s25 =	sadd.s32 s25, s13;
	s24 =	sadd.s32 $0x1, s24  }
0x12: {  	s26 =	sshll.u32 s1, $0x6;
	[bflag:$0x0] =	sbarrier.arrive $0xFFFF;
	p1 =	sne.s32 s24, s14  }
.Ltmp1:
0x13: {  	s28 =	sshrl.u32 s7, $0x3;
	s26 =	sor.u32 $0x1C02, s26;
	(pc) =	sbr.rel @!p1 .LBB2_11-.Ltmp1, $4  }
0x14: {  	[hbm:s25], [sflag:s26] =	dma.local [spmem:s28], $0x2800  }
0x15: {  	_ =	swait.ge [sflag:s19], $0x2800  }
0x16: {  	[sflag:s19] =	ssyncset.done $0x0  }
0x17: {  	[sflag:s19] =	ssyncadd.s32 $0xFFFFD800  }
.LBB2_1:
0x18: {  	s25 =	simm.s32 $0x0;
	s26 =	simm.s32 $0x200  }
.LBB2_2:
0x19: {  	p1 =	sne.s32 s26, $0xFE00;
	[tilespmem:s25+$0x70] =	vst v0  }
0x1a: {  	[tilespmem:s25+$0x0] =	vst v0  }
0x1b: {  	[tilespmem:s25+$0x10] =	vst v0  }
.Ltmp2:
0x1c: {  	[tilespmem:s25+$0x20] =	vst v0;
	(pc) =	sbr.rel @p1 .LBB2_2-.Ltmp2, $4  }
0x1d: {  	[tilespmem:s25+$0x30] =	vst v0  }
0x1e: {  	[tilespmem:s25+$0x40] =	vst v0  }
0x1f: {  	[tilespmem:s25+$0x50] =	vst v0  }
0x20: {  	[tilespmem:s25+$0x60] =	vst v0;
	s25 =	sshra.s32 s26, $0x2;
	s26 =	sadd.s32 $0x200, s26  }
0x21: {  	[tilespmem:s25+$0x70] =	vst v0  }
0x22: {  	[tilespmem:s25+$0x0] =	vst v0  }
0x23: {  	[tilespmem:s25+$0x10] =	vst v0  }
0x24: {  	[tilespmem:s25+$0x20] =	vst v0  }
0x25: {  	[tilespmem:s25+$0x30] =	vst v0  }
0x26: {  	[tilespmem:s25+$0x40] =	vst v0  }
0x27: {  	[tilespmem:s25+$0x50] =	vst v0  }
0x28: {  	[tilespmem:s25+$0x60] =	vst v0  }
0x29: {  	[spmem:s7] =	stream.linear.scatter [tilespmem:s3], [sflag:$0x2], $0x4000, $0x38;
	[tilespmem:$0x18100] =	vst v63  }
0x2a: {  	_ =	swait.ge [sflag:s19], $0x4000  }
0x2b: {  	[sflag:s19] =	ssyncset.done $0x0  }
0x2c: {  	[sflag:s19] =	ssyncadd.s32 $0xFFFFC000  }
0x2d: {  	[spmem:s8] =	stream.linear.scatter [tilespmem:s3], [sflag:$0x2], $0x4000, $0x38;
	[tilespmem:$0x18100] =	vst v63  }
0x2e: {  	_ =	swait.ge [sflag:s19], $0x4000  }
0x2f: {  	[sflag:s19] =	ssyncset.done $0x0  }
0x30: {  	[sflag:s19] =	ssyncadd.s32 $0xFFFFC000  }
0x31: {  	[spmem:s9] =	stream.linear.scatter [tilespmem:s3], [sflag:$0x2], $0x4000, $0x38;
	[tilespmem:$0x18100] =	vst v63  }
0x32: {  	_ =	swait.ge [sflag:s19], $0x4000  }
0x33: {  	[sflag:s19] =	ssyncset.done $0x0  }
0x34: {  	[sflag:s19] =	ssyncadd.s32 $0xFFFFC000  }
0x35: {  	[spmem:s10] =	stream.linear.scatter [tilespmem:s3], [sflag:$0x2], $0x4000, $0x38;
	[tilespmem:$0x18100] =	vst v63  }
0x36: {  	_ =	swait.ge [sflag:s19], $0x4000  }
0x37: {  	[sflag:s19] =	ssyncset.done $0x0  }
0x38: {  	[sflag:s19] =	ssyncadd.s32 $0xFFFFC000  }
0x39: {  	[spmem:s12] =	stream.linear.scatter [tilespmem:s3], [sflag:$0x2], $0x4000, $0x38;
	[tilespmem:$0x18100] =	vst v63  }
.Ltmp3:
0x3a: {  	_ =	swait.ge [sflag:s19], $0x4000;
	(pc) =	sbr.rel @p0 .LBB2_7-.Ltmp3, $3  }
0x3b: {  	[sflag:s19] =	ssyncset.done $0x0  }
0x3c: {  	[sflag:s19] =	ssyncadd.s32 $0xFFFFC000  }
0x3d: {  	[bflag:$0x0] =	sbarrier.arrive $0xFFFF;
	_ =	sdelay $0x1  }
0x3e: {  	[tilespmem:s20], [sflag:$0x2] =	stream.linear.gather [hbm4b:s17+s3], $0x80, $0x38;
	[tilespmem:$0x18100] =	vst v63  }
0x3f: {  	_ =	swait.ge [sflag:s19], $0x80  }
0x40: {  	[sflag:s19] =	ssyncset.done $0x0  }
0x41: {  	[sflag:s19] =	ssyncadd.s32 $0xFFFFFF80  }
0x42: {  	[tilespmem:s21], [sflag:$0x2] =	stream.linear.gather [hbm4b:s15+s3], $0x80, $0x38;
	[tilespmem:$0x18100] =	vst v63  }
0x43: {  	_ =	swait.ge [sflag:s19], $0x80  }
0x44: {  	[sflag:s19] =	ssyncset.done $0x0  }
0x45: {  	[sflag:s19] =	ssyncadd.s32 $0xFFFFFF80  }
0x46: {  	[tilespmem:s3], [sflag:$0x1] =	stream.indirect.gather [hbm4b:s4+s22], $0x80, s20, s22, $0xb8;
	[tilespmem:$0x18100] =	vst v63  }
0x47: {  	p1 =	seq.s32 s11, $0x1;
	_ =	swait.ge [sflag:s23], $0x4000  }
.Ltmp4:
0x48: {  	[sflag:s23] =	ssyncset.done $0x0;
	(pc) =	sbr.rel @p1 .LBB2_6-.Ltmp4, $4  }
0x49: {  	[sflag:s23] =	ssyncadd.s32 $0xFFFFC000  }
0x4a: {  	[spmem:s2] =	stream.indirect.scatter.add.f32 [tilespmem:s3], [sflag:$0x2], $0x80, s21, s22, $0xb8;
	[tilespmem:$0x18100] =	vst v63  }
0x4b: {  	s25 =	sadd.s32 $0xFFFFFFFF, s11;
	_ =	swait.ge [sflag:s19], $0x4000  }
0x4c: {  	s26 =	smov.u32 s15;
	s28 =	smov.u32 s17;
	[sflag:s19] =	ssyncset.done $0x0  }
.LBB2_5:
0x4d: {  	[sflag:s19] =	ssyncadd.s32 $0xFFFFC000;
	s26 =	sadd.s32 $0x10, s26;
	s28 =	sadd.s32 $0x10, s28  }
0x4e: {  	[tilespmem:s20], [sflag:$0x2] =	stream.linear.gather [hbm4b:s28+s3], $0x80, $0x38;
	[tilespmem:$0x18100] =	vst v63  }
0x4f: {  	p1 =	seq.s32 s25, $0x1;
	s25 =	sadd.s32 $0xFFFFFFFF, s25;
	_ =	swait.ge [sflag:s19], $0x80  }
0x50: {  	[sflag:s19] =	ssyncset.done $0x0  }
0x51: {  	[sflag:s19] =	ssyncadd.s32 $0xFFFFFF80  }
0x52: {  	[tilespmem:s21], [sflag:$0x2] =	stream.linear.gather [hbm4b:s26+s3], $0x80, $0x38;
	[tilespmem:$0x18100] =	vst v63  }
0x53: {  	_ =	swait.ge [sflag:s19], $0x80  }
0x54: {  	[sflag:s19] =	ssyncset.done $0x0  }
0x55: {  	[sflag:s19] =	ssyncadd.s32 $0xFFFFFF80  }
0x56: {  	[tilespmem:s3], [sflag:$0x1] =	stream.indirect.gather [hbm4b:s4+s22], $0x80, s20, s22, $0xb8;
	[tilespmem:$0x18100] =	vst v63  }
0x57: {  	_ =	swait.ge [sflag:s23], $0x4000  }
.Ltmp5:
0x58: {  	[sflag:s23] =	ssyncset.done $0x0;
	(pc) =	sbr.rel @!p1 .LBB2_5-.Ltmp5, $4  }
0x59: {  	[sflag:s23] =	ssyncadd.s32 $0xFFFFC000  }
0x5a: {  	[spmem:s2] =	stream.indirect.scatter.add.f32 [tilespmem:s3], [sflag:$0x2], $0x80, s21, s22, $0xb8;
	[tilespmem:$0x18100] =	vst v63  }
0x5b: {  	_ =	swait.ge [sflag:s19], $0x4000  }
0x5c: {  	[sflag:s19] =	ssyncset.done $0x0  }
.LBB2_6:
.Ltmp6:
0x5d: {  	(pc) =	sbr.rel .LBB2_10-.Ltmp6, $2  }
0x5e: {  	_ =	sdelay $0x2  }
0x5f: {  	[sflag:s19] =	ssyncadd.s32 $0xFFFFC000;
	s25 =	smov.u32 s5  }
.LBB2_7:
0x60: {  	[tilespmem:s20], [sflag:$0x2] =	stream.linear.gather [hbm4b:s18+s3], $0x80, $0x38;
	[tilespmem:$0x18100] =	vst v63  }
0x61: {  	_ =	swait.ge [sflag:s19], $0x80  }
0x62: {  	[sflag:s19] =	ssyncset.done $0x0  }
0x63: {  	[sflag:s19] =	ssyncadd.s32 $0xFFFFFF80  }
0x64: {  	[tilespmem:s21], [sflag:$0x2] =	stream.linear.gather [hbm4b:s16+s3], $0x80, $0x38;
	[tilespmem:$0x18100] =	vst v63  }
0x65: {  	_ =	swait.ge [sflag:s19], $0x80  }
0x66: {  	[sflag:s19] =	ssyncset.done $0x0  }
0x67: {  	[sflag:s19] =	ssyncadd.s32 $0xFFFFFF80  }
0x68: {  	[tilespmem:s3], [sflag:$0x1] =	stream.indirect.gather [hbm4b:s4+s22], $0x80, s20, s22, $0xb8;
	[tilespmem:$0x18100] =	vst v63  }
0x69: {  	p1 =	sne.s32 s11, $0x1;
	_ =	swait.ge [sflag:s23], $0x4000  }
.Ltmp7:
0x6a: {  	[sflag:s23] =	ssyncset.done $0x0;
	(pc) =	sbr.rel @!p1 .LBB2_9-.Ltmp7, $4  }
0x6b: {  	[sflag:s23] =	ssyncadd.s32 $0xFFFFC000  }
0x6c: {  	[spmem:s2] =	stream.indirect.scatter.add.f32 [tilespmem:s3], [sflag:$0x2], $0x80, s21, s22, $0xb8;
	[tilespmem:$0x18100] =	vst v63  }
0x6d: {  	s25 =	sadd.s32 $0xFFFFFFFF, s11;
	_ =	swait.ge [sflag:s19], $0x4000  }
0x6e: {  	s26 =	smov.u32 s16;
	s28 =	smov.u32 s18;
	[sflag:s19] =	ssyncset.done $0x0  }
.LBB2_8:
0x6f: {  	[sflag:s19] =	ssyncadd.s32 $0xFFFFC000;
	s26 =	sadd.s32 $0x10, s26;
	s28 =	sadd.s32 $0x10, s28  }
0x70: {  	[tilespmem:s20], [sflag:$0x2] =	stream.linear.gather [hbm4b:s28+s3], $0x80, $0x38;
	[tilespmem:$0x18100] =	vst v63  }
0x71: {  	p1 =	sne.s32 s25, $0x1;
	s25 =	sadd.s32 $0xFFFFFFFF, s25;
	_ =	swait.ge [sflag:s19], $0x80  }
0x72: {  	[sflag:s19] =	ssyncset.done $0x0  }
0x73: {  	[sflag:s19] =	ssyncadd.s32 $0xFFFFFF80  }
0x74: {  	[tilespmem:s21], [sflag:$0x2] =	stream.linear.gather [hbm4b:s26+s3], $0x80, $0x38;
	[tilespmem:$0x18100] =	vst v63  }
0x75: {  	_ =	swait.ge [sflag:s19], $0x80  }
0x76: {  	[sflag:s19] =	ssyncset.done $0x0  }
0x77: {  	[sflag:s19] =	ssyncadd.s32 $0xFFFFFF80  }
0x78: {  	[tilespmem:s3], [sflag:$0x1] =	stream.indirect.gather [hbm4b:s4+s22], $0x80, s20, s22, $0xb8;
	[tilespmem:$0x18100] =	vst v63  }
0x79: {  	_ =	swait.ge [sflag:s23], $0x4000  }
.Ltmp8:
0x7a: {  	[sflag:s23] =	ssyncset.done $0x0;
	(pc) =	sbr.rel @p1 .LBB2_8-.Ltmp8, $4  }
0x7b: {  	[sflag:s23] =	ssyncadd.s32 $0xFFFFC000  }
0x7c: {  	[spmem:s2] =	stream.indirect.scatter.add.f32 [tilespmem:s3], [sflag:$0x2], $0x80, s21, s22, $0xb8;
	[tilespmem:$0x18100] =	vst v63  }
0x7d: {  	_ =	swait.ge [sflag:s19], $0x4000  }
0x7e: {  	[sflag:s19] =	ssyncset.done $0x0  }
.Ltmp9:
0x7f: {  	_ = 	snop;
	(pc) =	sbr.rel .LBB2_9-.Ltmp9, $1  }
0x80: {  	_ =	sdelay $0x3  }
.LBB2_11:
0x81: {  	_ =	sfence.sel $0x180000  }
0x82: {  	[bflag:$0x0] =	sbarrier.arrive $0xFFFF  }
0x83: {  	p0 =	sne.s32 s1, $0x0;
	_ =	strace $0x9000004A  }
0x84: {  	s0 =	sadd.s32 @!p0 $0x100000, s0;
	[bflag:$0x2] =	sbarrier.arrive $0xFFFF  }
0x85: {  	[sflag:s0] =	ssyncadd.tile.s32 @!p0 $0x1;
	_ =	shalt  }
.Lfunc_end2:
_tile_overlayer_lowered:
.L_overlay_start_2:
0x86: {  	(tag) =	ssettag $0x2  }
0x87: {  	s0 =	rddreg [dreg:$0x0];
	s2 =	stileid.u32  }
0x88: {  	s1 =	rddreg [dreg:$0x1];
	p0 =	sne.s32 s2, $0x0  }
0x89: {  	s3 =	rddreg [dreg:$0x2];
	[bflag:$0x3] =	sbarrier.arrive $0xFFFF;
	s2 =	simm.s32 @!p0 $0x1C02  }
0x8a: {  	[timem:s3], [sflag:s2] =	dma.local @!p0 [hbm:s0], s1  }
0x8b: {  	s0 =	simm.s32 @!p0 $0x2  }
0x8c: {  	_ =	swait.ge @!p0 [sflag:s0], s1  }
0x8d: {  	s1 =	ssub.s32 @!p0 $0x0, s1;
	[sflag:s0] =	ssyncset.done @!p0 $0x0  }
0x8e: {  	[sflag:s0] =	ssyncadd.s32 @!p0 s1  }
0x8f: {  	[bflag:$0x3] =	sbarrier.arrive $0xFFFF  }
0x90: {  	_ =	shalt  }

// kernel: kernel.18.cloned.1.call-start
scs
__scs_entry_jumppad:
0x0: {  	(pc) =	sbr.rel $0x88, $3  }
0x1: {  	(tag) =	ssettag $0x0;
	lr =	simm.s32 $0x1  }
0x2: {  	[smem:$0x3F92] =	sst lr;
	_ =	strace $0xD0000000  }
0x3: {  	_ = 	snop  }
0x4: {  	_ = 	snop  }
0x5: {  	_ = 	snop  }
0x6: {  	_ = 	snop  }
0x7: {  	_ = 	snop  }
__scs_overlays_trampoline_lowered:
0x8: {  	[smem:$0x3FA1] =	sst s0  }
0x9: {  	[smem:$0x3FA2] =	sst s1  }
0xa: {  	[smem:$0x3FA3] =	sst s2  }
0xb: {  	[smem:$0x3FA4] =	sst s3  }
0xc: {  	[smem:$0x3FA5] =	sst s4  }
0xd: {  	[smem:$0x3FA6] =	sst s5  }
0xe: {  	[smem:$0x3FA7] =	sst s6  }
0xf: {  	[smem:$0x3FA8] =	sst s7  }
0x10: {  	[smem:$0x3FA9] =	sst s8  }
0x11: {  	[smem:$0x3FAA] =	sst s9;
	s0 =	simm.s32 @!p0 $0x0  }
0x12: {  	s1 =	sld [smem:$0x3F90];
	s0 =	simm.s32 @p0 $0x1  }
0x13: {  	[smem:$0x3FAB] =	sst s0;
	s0 =	simm.s32 @!p1 $0x0  }
0x14: {  	s2 =	sld [smem:$0x3F8F];
	s0 =	simm.s32 @p1 $0x1  }
0x15: {  	[smem:$0x3FAC] =	sst s0;
	s0 =	simm.s32 @!p2 $0x0  }
0x16: {  	s3 =	sld [smem:$0x3FDB];
	s0 =	simm.s32 @p2 $0x1  }
0x17: {  	s4 =	simm.s32 $0x1BF5;
	[smem:$0x3FAE] =	sst s0  }
0x18: {  	s0 =	sld [smem:$0x3F91];
	_ =	swait.ge [sflag:s4], $0x0  }
0x19: {  	s7 =	sld [smem:$0x3F92]  }
0x1a: {  	s8 =	sadd.s32 $0xFFFFE003, lr  }
0x1b: {  	s9 =	sadd.s32 $0xFFFFFEF7, lr;
	s5 =	simm.s32 $0xFFFFFFFF;
	p2 =	slt.u32 s8, $0xFFFFF086  }
0x1c: {  	p1 =	slt.u32 s9, $0xF7A;
	s5 =	simm.s32 @!p2 $0x0  }
0x1d: {  	s5 =	simm.s32 @p1 $0x1;
	p0 =	seq.s32 s7, s2  }
0x1e: {  	s7 =	smul.u32 @!p0 $0xF7A, s2;
	p2 =	seq.s32 @!p0 s5, $0x0  }
0x1f: {  	s9 =	smul.u32 $0xF7A, s1;
	s8 =	simm.s32 @!p0 $0x1BF5;
	p2 =	por !p2, p0  }
0x20: {  	[sflag:s8] =	ssyncset.s32 @!p0 $0xFFFFF086;
	s6 =	sadd.s32 @!p0 s3, s7;
	s7 =	simm.s32 @!p0 $0x108  }
0x21: {  	s3 =	sadd.s32 s3, s9;
	s6 =	sadd.s32 @!p0 $0x88, s6;
	s7 =	simm.s32 @p2 $0x1082  }
0x22: {  	[simem:s7], [sflag:s8] =	dma.local @!p0 [hbm:s6], $0xF7A  }
0x23: {  	s9 =	sor.u32 $0xD0000000, s2;
	s6 =	simm.s32 $0x108;
	_ =	swait.ge @!p0 [sflag:s8], $0x0  }
0x24: {  	s3 =	sadd.s32 $0x88, s3;
	s6 =	simm.s32 @!p1 $0x1082;
	[sflag:s4] =	ssyncset.s32 $0xFFFFF086  }
0x25: {  	[simem:s6], [sflag:s4] =	dma.local [hbm:s3], $0xF7A  }
0x26: {  	[smem:$0x3F92] =	sst s1;
	(tag) =	ssettag s2;
	_ =	strace s9  }
0x27: {  	s1 =	sld [smem:$0x3FA2]  }
0x28: {  	s2 =	sld [smem:$0x3FA3]  }
0x29: {  	s4 =	sld [smem:$0x3FA5]  }
0x2a: {  	p0 =	seq.s32 s5, $0x0;
	s5 =	sld [smem:$0x3FA6]  }
0x2b: {  	s6 =	sld [smem:$0x3FA7]  }
0x2c: {  	s7 =	sld [smem:$0x3FA8]  }
0x2d: {  	s3 =	simm.s32 $0x108;
	s8 =	sld [smem:$0x3FA9]  }
0x2e: {  	s3 =	simm.s32 @!p0 $0x1082;
	s9 =	sld [smem:$0x3FAA]  }
0x2f: {  	lr =	sadd.s32 s0, s3;
	s0 =	sld [smem:$0x3FA1]  }
0x30: {  	s3 =	sld [smem:$0x3FA4]  }
0x31: {  	[smem:$0x3FAD] =	sst s10  }
0x32: {  	s10 =	sld [smem:$0x3FAB];
	_ =	sdelay $0x3  }
0x33: {  	p0 =	seq.s32 s10, $0x1;
	s10 =	sld [smem:$0x3FAD];
	_ =	sdelay $0x3  }
0x34: {  	[smem:$0x3FAD] =	sst s10  }
0x35: {  	s10 =	sld [smem:$0x3FAC];
	_ =	sdelay $0x3  }
0x36: {  	p1 =	seq.s32 s10, $0x1;
	s10 =	sld [smem:$0x3FAD];
	_ =	sdelay $0x3  }
0x37: {  	[smem:$0x3FAD] =	sst s10  }
0x38: {  	s10 =	sld [smem:$0x3FAE]  }
0x39: {  	_ = 	snop;
	(pc) =	sbr.ind lr, $3  }
0x3a: {  	_ = 	snop  }
0x3b: {  	_ = 	snop  }
0x3c: {  	p2 =	seq.s32 s10, $0x1;
	s10 =	sld [smem:$0x3FAD]  }
0x3d: {  	_ =	shalt  }
0x3e: {  	_ =	shalt  }
0x3f: {  	_ =	shalt  }
0x40: {  	_ =	shalt  }
0x41: {  	_ =	shalt  }
0x42: {  	_ =	shalt  }
0x43: {  	_ =	shalt  }
0x44: {  	_ =	shalt  }
0x45: {  	_ =	shalt  }
0x46: {  	_ =	shalt  }
0x47: {  	_ =	shalt  }
0x48: {  	_ =	shalt  }
0x49: {  	_ =	shalt  }
0x4a: {  	_ =	shalt  }
0x4b: {  	_ =	shalt  }
0x4c: {  	_ =	shalt  }
0x4d: {  	_ =	shalt  }
0x4e: {  	_ =	shalt  }
0x4f: {  	_ =	shalt  }
0x50: {  	_ =	shalt  }
0x51: {  	_ =	shalt  }
0x52: {  	_ =	shalt  }
0x53: {  	_ =	shalt  }
0x54: {  	_ =	shalt  }
0x55: {  	_ =	shalt  }
0x56: {  	_ =	shalt  }
0x57: {  	_ =	shalt  }
0x58: {  	_ =	shalt  }
0x59: {  	_ =	shalt  }
0x5a: {  	_ =	shalt  }
0x5b: {  	_ =	shalt  }
0x5c: {  	_ =	shalt  }
0x5d: {  	_ =	shalt  }
0x5e: {  	_ =	shalt  }
0x5f: {  	_ =	shalt  }
0x60: {  	_ =	shalt  }
0x61: {  	_ =	shalt  }
0x62: {  	_ =	shalt  }
0x63: {  	_ =	shalt  }
0x64: {  	_ =	shalt  }
0x65: {  	_ =	shalt  }
0x66: {  	_ =	shalt  }
0x67: {  	_ =	shalt  }
0x68: {  	_ =	shalt  }
0x69: {  	_ =	shalt  }
0x6a: {  	_ =	shalt  }
0x6b: {  	_ =	shalt  }
0x6c: {  	_ =	shalt  }
0x6d: {  	_ =	shalt  }
0x6e: {  	_ =	shalt  }
0x6f: {  	_ =	shalt  }
0x70: {  	_ =	shalt  }
0x71: {  	_ =	shalt  }
0x72: {  	_ =	shalt  }
0x73: {  	_ =	shalt  }
0x74: {  	_ =	shalt  }
0x75: {  	_ =	shalt  }
0x76: {  	_ =	shalt  }
0x77: {  	_ =	shalt  }
0x78: {  	_ =	shalt  }
0x79: {  	_ =	shalt  }
0x7a: {  	_ =	shalt  }
0x7b: {  	_ =	shalt  }
0x7c: {  	_ =	shalt  }
0x7d: {  	_ =	shalt  }
0x7e: {  	_ =	shalt  }
0x7f: {  	_ =	shalt  }
0x80: {  	_ =	shalt  }
0x81: {  	_ =	shalt  }
0x82: {  	_ =	shalt  }
0x83: {  	_ =	shalt  }
0x84: {  	_ =	shalt  }
0x85: {  	_ =	shalt  }
0x86: {  	_ =	shalt  }
0x87: {  	_ =	shalt  }
.Lfunc_end0:
.L_simem_size_0:
called_computation.2_lowered:
.L_overlay_start_0:
0x88: {  	s2 =	sld [smem:$0x3FD9]  }
0x89: {  	s3 =	sld [smem:$0x3FFE];
	_ =	sdelay $0x1  }
0x8a: {  	s1 =	srdreg.scid  }
0x8b: {  	s0 =	sand.u32 $0x1, s1  }
0x8c: {  	s16 =	sshll.u32 s0, $0xA;
	s2 =	sadd.s32 s3, s2  }
0x8d: {  	s2 =	sadd.s32 s2, s16  }
0x8e: {  	[smem:$0x3FB9] =	sst s2  }
0x8f: {  	_ = 	snop  }
0x90: {  	(tm) =	ssettm $0x1  }
0x91: {  	s17 =	sld [smem:$0x3FFB];
	_ =	sdelay $0x3  }
0x92: {  	_ =	strace s17  }
0x93: {  	s2 =	sld [smem:$0x3FFC];
	_ =	sdelay $0x3  }
0x94: {  	_ =	strace s2  }
0x95: {  	s2 =	sld [smem:$0x3FFD];
	_ =	sdelay $0x3  }
0x96: {  	_ =	strace s2  }
0x97: {  	_ =	strace $0x8FFFFFFF  }
0x98: {  	s18 =	sld [smem:$0x3FDB];
	_ =	sdelay $0x1  }
0x99: {  	s19 =	simm.s32 $_scs_section_size  }
0x9a: {  	s4 =	simm.s32 $_size__tile_overlayer_lowered;
	s5 =	simm.s32 $_tile_overlayer_lowered  }
0x9b: {  	s22 =	simm.s32 $0x1BFF;
	s21 =	sshll.u32 s5, $0x1;
	s2 =	sadd.s32 s19, s18  }
0x9c: {  	s6 =	simm.s32 $0x0;
	s20 =	sshll.u32 s4, $0x1;
	s4 =	sadd.s32 s21, s2  }
0x9d: {  	[timem:s6], [sflag:s22] =	dma.local [hbm:s4], s20  }
0x9e: {  	_ =	swait.ge [sflag:s22], s20  }
0x9f: {  	s3 =	ssub.s32 $0x0, s20;
	[sflag:s22] =	ssyncset.done $0x0  }
0xa0: {  	[sflag:s22] =	ssyncadd.s32 s3;
	_ =	sdelay $0x1  }
0xa1: {  	s23 =	simm.s32 $0x1B8B  }
0xa2: {  	_ =	swait.ge [sflag:s23], $0x1  }
0xa3: {  	[sflag:s23] =	ssyncset.done $0x0  }
0xa4: {  	s25 =	simm.s32 $0x1B8E;
	s24 =	sld [smem:$0x3FFE];
	[sflag:s23] =	ssyncadd.s32 $0xFFFFFFFF  }
0xa5: {  	s26 =	simm.s32 $execute0_lowered;
	[smem:$0x3FD2] =	sst s25  }
0xa6: {  	s4 =	sshll.u32 s26, $0x1;
	_ =	strace $0x8000004C;
	[dreg:$0x1] =	wrdreg $0xFFFFFFFF  }
0xa7: {  	s28 =	simm.s32 $_size_execute0_lowered;
	s2 =	sadd.s32 s2, s4;
	[dreg:$0x0] =	wrdreg $0x0  }
0xa8: {  	s4 =	sshll.u32 s28, $0x1;
	[dreg:$0x2] =	wrdreg s2  }
0xa9: {  	[dreg:$0x3] =	wrdreg s4  }
0xaa: {  	[dreg:$0x4] =	wrdreg $0xC0  }
0xab: {  	_ =	task [dreg:s6], $0x5FFFF  }
0xac: {  	[dreg:$0x1] =	wrdreg $0xFFFFFFFF  }
0xad: {  	[dreg:$0x0] =	wrdreg $0x60  }
0xae: {  	[dreg:$0x2] =	wrdreg s24  }
0xaf: {  	[dreg:$0x3] =	wrdreg $0x41000  }
0xb0: {  	[dreg:$0x4] =	wrdreg $0x9  }
0xb1: {  	_ =	task.clear_ibuf [dreg:s6], $0x5FFFF;
	_ =	strace $0x9000004C  }
0xb2: {  	s29 =	simm.s32 $0x9;
	_ =	strace $0x8000004E  }
0xb3: {  	_ =	swait.ge [sflag:s29], $0x1  }
0xb4: {  	[sflag:s29] =	ssyncadd.s32 $0xFFFFFFFF  }
0xb5: {  	_ =	strace $0x9000004E  }
0xb6: {  	_ =	sfence  }
0xb7: {  	s30 =	sld [smem:$0x0];
	_ =	sdelay $0x2  }
0xb8: {  	s31 =	sshll.u32 s1, $0xD;
	s1 =	sshrl.u32 s1, $0x2  }
0xb9: {  	s3 =	sand.u32 $0x4000, s31;
	s1 =	sadd.s32 s1, s30  }
0xba: {  	s0 =	sor.u32 s3, s0;
	s1 =	sshll.u32 s1, $0x11  }
0xbb: {  	s0 =	sor.u32 s1, s0  }
0xbc: {  	s0 =	sadd.s32 $0x8F2B, s0  }
0xbd: {  	[sflag:s0] =	ssyncadd.remote.s32 $0x1  }
0xbe: {  	_ =	sfence.sel $0xFFFF  }
0xbf: {  	[dreg:$0x0] =	wrdreg $0xFFFFFFFF;
	(pc) =	sbr.abs _section_cstart, $3  }
0xc0: {  	[dreg:$0x1] =	wrdreg $0xFFFFFFFF  }
0xc1: {  	_ =	task.clear_ibuf [dreg:s6], $0x2FFFF;
	_ =	strace $0x9FFFFFFF  }
0xc2: {  	(tm) =	ssettm $0x7FFFFFFF  }
0xc3: {  	_ =	shalt  }
tec
execute0_lowered:
.L_overlay_start_1:
0x0: {  	(tag) =	ssettag $0x1  }
0x1: {  	s7 =	rddreg [dreg:$0x0]  }
0x2: {  	s2 =	rddreg [dreg:$0x1]  }
0x3: {  	s0 =	rddreg [dreg:$0x2];
	s3 =	simm.s32 $0x0  }
0x4: {  	s1 =	stileid.u32;
	s5 =	srdreg.scid;
	s13 =	simm.s32 $0x50  }
0x5: {  	s19 =	simm.s32 $0x4000;
	s20 =	simm.s32 $0x4080;
	s21 =	simm.s32 $0x80  }
0x6: {  	s22 =	simm.s32 $0x1;
	s23 =	simm.s32 $0x0;
	[smem:$0x7FF] =	sst s3  }
0x7: {  	s6 =	smul.u32 $0x4E0, s1;
	s4 =	sadd.s32 $0x10600, s7;
	s18 =	sand.u32 $0x1, s5  }
0x8: {  	s8 =	smul.u32 $0x50000, s1;
	s5 =	sadd.s32 $0x5EA00, s7;
	p0 =	seq.s32 s1, $0xF  }
0x9: {  	s14 =	smul.u32 $0x2800, s1;
	_ =	strace $0x8000004D;
	s9 =	ssub.s32 $0x2, s18  }
0xa: {  	s13 =	simm.s32 @!p0 $0x4E;
	p0 =	sne.s32 s18, $0x0;
	s18 =	simm.s32 $0x2  }
.Ltmp0:
0xb: {  	s17 =	sadd.s32 s6, s7;
	s6 =	sadd.s32 $0x85C00, s7;
	(pc) =	sbr.rel .LBB2_1-.Ltmp0, $4  }
0xc: {  	s10 =	sshrl.u32 s9, $0x1;
	s8 =	sshrl.u32 s8, $0x2;
	s7 =	sadd.s32 $0xADC00, s7  }
0xd: {  	s15 =	ssub.s32 s9, s10;
	s8 =	sadd.s32 s8, s2;
	s16 =	sadd.s32 $0xB600, s17  }
0xe: {  	s17 =	sadd.s32 $0x6600, s17;
	s9 =	sadd.s32 $0x4000, s8;
	s10 =	sadd.s32 $0x8000, s8  }
0xf: {  	v0 =	vimm.f32 $0.0e+00;
	s11 =	sadd.s32 $0xC000, s8;
	s12 =	sadd.s32 $0x10000, s8;
	s15 =	smax.u32 s15, $0x1  }
.LBB2_9:
0x10: {  	[sflag:s18] =	ssyncadd.s32 $0xFFFFC000;
	s24 =	smov.u32 s7  }
.LBB2_10:
0x11: {  	s24 =	sadd.s32 s24, s14;
	s23 =	sadd.s32 $0x1, s23  }
0x12: {  	s25 =	sshll.u32 s1, $0x6;
	[bflag:$0x0] =	sbarrier.arrive $0xFFFF;
	p1 =	sne.s32 s23, s15  }
.Ltmp1:
0x13: {  	s26 =	sshrl.u32 s8, $0x3;
	s25 =	sor.u32 $0x1C02, s25;
	(pc) =	sbr.rel @!p1 .LBB2_11-.Ltmp1, $4  }
0x14: {  	[hbm:s24], [sflag:s25] =	dma.local [spmem:s26], $0x2800  }
0x15: {  	_ =	swait.ge [sflag:s18], $0x2800  }
0x16: {  	[sflag:s18] =	ssyncset.done $0x0  }
0x17: {  	[sflag:s18] =	ssyncadd.s32 $0xFFFFD800  }
.LBB2_1:
0x18: {  	s24 =	simm.s32 $0x0;
	s25 =	simm.s32 $0x200  }
.LBB2_2:
0x19: {  	p1 =	sne.s32 s25, $0xFE00;
	[tilespmem:s24+$0x70] =	vst v0  }
0x1a: {  	[tilespmem:s24+$0x0] =	vst v0  }
0x1b: {  	[tilespmem:s24+$0x10] =	vst v0  }
.Ltmp2:
0x1c: {  	[tilespmem:s24+$0x20] =	vst v0;
	(pc) =	sbr.rel @p1 .LBB2_2-.Ltmp2, $4  }
0x1d: {  	[tilespmem:s24+$0x30] =	vst v0  }
0x1e: {  	[tilespmem:s24+$0x40] =	vst v0  }
0x1f: {  	[tilespmem:s24+$0x50] =	vst v0  }
0x20: {  	[tilespmem:s24+$0x60] =	vst v0;
	s24 =	sshra.s32 s25, $0x2;
	s25 =	sadd.s32 $0x200, s25  }
0x21: {  	[tilespmem:s24+$0x70] =	vst v0  }
0x22: {  	[tilespmem:s24+$0x0] =	vst v0  }
0x23: {  	[tilespmem:s24+$0x10] =	vst v0  }
0x24: {  	[tilespmem:s24+$0x20] =	vst v0  }
0x25: {  	[tilespmem:s24+$0x30] =	vst v0  }
0x26: {  	[tilespmem:s24+$0x40] =	vst v0  }
0x27: {  	[tilespmem:s24+$0x50] =	vst v0  }
0x28: {  	[tilespmem:s24+$0x60] =	vst v0  }
0x29: {  	[spmem:s8] =	stream.linear.scatter [tilespmem:s3], [sflag:$0x2], $0x4000, $0x38;
	[tilespmem:$0x18100] =	vst v63  }
0x2a: {  	_ =	swait.ge [sflag:s18], $0x4000  }
0x2b: {  	[sflag:s18] =	ssyncset.done $0x0  }
0x2c: {  	[sflag:s18] =	ssyncadd.s32 $0xFFFFC000  }
0x2d: {  	[spmem:s9] =	stream.linear.scatter [tilespmem:s3], [sflag:$0x2], $0x4000, $0x38;
	[tilespmem:$0x18100] =	vst v63  }
0x2e: {  	_ =	swait.ge [sflag:s18], $0x4000  }
0x2f: {  	[sflag:s18] =	ssyncset.done $0x0  }
0x30: {  	[sflag:s18] =	ssyncadd.s32 $0xFFFFC000  }
0x31: {  	[spmem:s10] =	stream.linear.scatter [tilespmem:s3], [sflag:$0x2], $0x4000, $0x38;
	[tilespmem:$0x18100] =	vst v63  }
0x32: {  	_ =	swait.ge [sflag:s18], $0x4000  }
0x33: {  	[sflag:s18] =	ssyncset.done $0x0  }
0x34: {  	[sflag:s18] =	ssyncadd.s32 $0xFFFFC000  }
0x35: {  	[spmem:s11] =	stream.linear.scatter [tilespmem:s3], [sflag:$0x2], $0x4000, $0x38;
	[tilespmem:$0x18100] =	vst v63  }
0x36: {  	_ =	swait.ge [sflag:s18], $0x4000  }
0x37: {  	[sflag:s18] =	ssyncset.done $0x0  }
0x38: {  	[sflag:s18] =	ssyncadd.s32 $0xFFFFC000  }
0x39: {  	[spmem:s12] =	stream.linear.scatter [tilespmem:s3], [sflag:$0x2], $0x4000, $0x38;
	[tilespmem:$0x18100] =	vst v63  }
.Ltmp3:
0x3a: {  	_ =	swait.ge [sflag:s18], $0x4000;
	(pc) =	sbr.rel @p0 .LBB2_7-.Ltmp3, $3  }
0x3b: {  	[sflag:s18] =	ssyncset.done $0x0  }
0x3c: {  	[sflag:s18] =	ssyncadd.s32 $0xFFFFC000  }
0x3d: {  	[bflag:$0x0] =	sbarrier.arrive $0xFFFF;
	_ =	sdelay $0x1  }
0x3e: {  	[tilespmem:s19], [sflag:$0x2] =	stream.linear.gather [hbm4b:s17+s3], $0x80, $0x38;
	[tilespmem:$0x18100] =	vst v63  }
0x3f: {  	_ =	swait.ge [sflag:s18], $0x80  }
0x40: {  	[sflag:s18] =	ssyncset.done $0x0  }
0x41: {  	[sflag:s18] =	ssyncadd.s32 $0xFFFFFF80  }
0x42: {  	[tilespmem:s20], [sflag:$0x2] =	stream.linear.gather [hbm4b:s16+s3], $0x80, $0x38;
	[tilespmem:$0x18100] =	vst v63  }
0x43: {  	_ =	swait.ge [sflag:s18], $0x80  }
0x44: {  	[sflag:s18] =	ssyncset.done $0x0  }
0x45: {  	[sflag:s18] =	ssyncadd.s32 $0xFFFFFF80  }
0x46: {  	[tilespmem:s3], [sflag:$0x1] =	stream.indirect.gather [hbm4b:s4+s21], $0x80, s19, s21, $0xb8;
	[tilespmem:$0x18100] =	vst v63  }
0x47: {  	p1 =	seq.s32 s13, $0x1;
	_ =	swait.ge [sflag:s22], $0x4000  }
.Ltmp4:
0x48: {  	[sflag:s22] =	ssyncset.done $0x0;
	(pc) =	sbr.rel @p1 .LBB2_6-.Ltmp4, $4  }
0x49: {  	[sflag:s22] =	ssyncadd.s32 $0xFFFFC000  }
0x4a: {  	[spmem:s2] =	stream.indirect.scatter.add.f32 [tilespmem:s3], [sflag:$0x2], $0x80, s20, s21, $0xb8;
	[tilespmem:$0x18100] =	vst v63  }
0x4b: {  	s24 =	sadd.s32 $0xFFFFFFFF, s13;
	_ =	swait.ge [sflag:s18], $0x4000  }
0x4c: {  	s25 =	smov.u32 s16;
	s26 =	smov.u32 s17;
	[sflag:s18] =	ssyncset.done $0x0  }
.LBB2_5:
0x4d: {  	[sflag:s18] =	ssyncadd.s32 $0xFFFFC000;
	s25 =	sadd.s32 $0x10, s25;
	s26 =	sadd.s32 $0x10, s26  }
0x4e: {  	[tilespmem:s19], [sflag:$0x2] =	stream.linear.gather [hbm4b:s26+s3], $0x80, $0x38;
	[tilespmem:$0x18100] =	vst v63  }
0x4f: {  	p1 =	seq.s32 s24, $0x1;
	s24 =	sadd.s32 $0xFFFFFFFF, s24;
	_ =	swait.ge [sflag:s18], $0x80  }
0x50: {  	[sflag:s18] =	ssyncset.done $0x0  }
0x51: {  	[sflag:s18] =	ssyncadd.s32 $0xFFFFFF80  }
0x52: {  	[tilespmem:s20], [sflag:$0x2] =	stream.linear.gather [hbm4b:s25+s3], $0x80, $0x38;
	[tilespmem:$0x18100] =	vst v63  }
0x53: {  	_ =	swait.ge [sflag:s18], $0x80  }
0x54: {  	[sflag:s18] =	ssyncset.done $0x0  }
0x55: {  	[sflag:s18] =	ssyncadd.s32 $0xFFFFFF80  }
0x56: {  	[tilespmem:s3], [sflag:$0x1] =	stream.indirect.gather [hbm4b:s4+s21], $0x80, s19, s21, $0xb8;
	[tilespmem:$0x18100] =	vst v63  }
0x57: {  	_ =	swait.ge [sflag:s22], $0x4000  }
.Ltmp5:
0x58: {  	[sflag:s22] =	ssyncset.done $0x0;
	(pc) =	sbr.rel @!p1 .LBB2_5-.Ltmp5, $4  }
0x59: {  	[sflag:s22] =	ssyncadd.s32 $0xFFFFC000  }
0x5a: {  	[spmem:s2] =	stream.indirect.scatter.add.f32 [tilespmem:s3], [sflag:$0x2], $0x80, s20, s21, $0xb8;
	[tilespmem:$0x18100] =	vst v63  }
0x5b: {  	_ =	swait.ge [sflag:s18], $0x4000  }
0x5c: {  	[sflag:s18] =	ssyncset.done $0x0  }
.LBB2_6:
.Ltmp6:
0x5d: {  	(pc) =	sbr.rel .LBB2_10-.Ltmp6, $2  }
0x5e: {  	_ =	sdelay $0x2  }
0x5f: {  	[sflag:s18] =	ssyncadd.s32 $0xFFFFC000;
	s24 =	smov.u32 s6  }
.LBB2_7:
0x60: {  	[tilespmem:s19], [sflag:$0x2] =	stream.linear.gather [hbm4b:s17+s3], $0x80, $0x38;
	[tilespmem:$0x18100] =	vst v63  }
0x61: {  	_ =	swait.ge [sflag:s18], $0x80  }
0x62: {  	[sflag:s18] =	ssyncset.done $0x0  }
0x63: {  	[sflag:s18] =	ssyncadd.s32 $0xFFFFFF80  }
0x64: {  	[tilespmem:s20], [sflag:$0x2] =	stream.linear.gather [hbm4b:s16+s3], $0x80, $0x38;
	[tilespmem:$0x18100] =	vst v63  }
0x65: {  	_ =	swait.ge [sflag:s18], $0x80  }
0x66: {  	[sflag:s18] =	ssyncset.done $0x0  }
0x67: {  	[sflag:s18] =	ssyncadd.s32 $0xFFFFFF80  }
0x68: {  	[tilespmem:s3], [sflag:$0x1] =	stream.indirect.gather [hbm4b:s5+s21], $0x80, s19, s21, $0xb8;
	[tilespmem:$0x18100] =	vst v63  }
0x69: {  	p1 =	sne.s32 s13, $0x1;
	_ =	swait.ge [sflag:s22], $0x4000  }
.Ltmp7:
0x6a: {  	[sflag:s22] =	ssyncset.done $0x0;
	(pc) =	sbr.rel @!p1 .LBB2_9-.Ltmp7, $4  }
0x6b: {  	[sflag:s22] =	ssyncadd.s32 $0xFFFFC000  }
0x6c: {  	[spmem:s2] =	stream.indirect.scatter.add.f32 [tilespmem:s3], [sflag:$0x2], $0x80, s20, s21, $0xb8;
	[tilespmem:$0x18100] =	vst v63  }
0x6d: {  	s24 =	sadd.s32 $0xFFFFFFFF, s13;
	_ =	swait.ge [sflag:s18], $0x4000  }
0x6e: {  	s25 =	smov.u32 s16;
	s26 =	smov.u32 s17;
	[sflag:s18] =	ssyncset.done $0x0  }
.LBB2_8:
0x6f: {  	[sflag:s18] =	ssyncadd.s32 $0xFFFFC000;
	s25 =	sadd.s32 $0x10, s25;
	s26 =	sadd.s32 $0x10, s26  }
0x70: {  	[tilespmem:s19], [sflag:$0x2] =	stream.linear.gather [hbm4b:s26+s3], $0x80, $0x38;
	[tilespmem:$0x18100] =	vst v63  }
0x71: {  	p1 =	sne.s32 s24, $0x1;
	s24 =	sadd.s32 $0xFFFFFFFF, s24;
	_ =	swait.ge [sflag:s18], $0x80  }
0x72: {  	[sflag:s18] =	ssyncset.done $0x0  }
0x73: {  	[sflag:s18] =	ssyncadd.s32 $0xFFFFFF80  }
0x74: {  	[tilespmem:s20], [sflag:$0x2] =	stream.linear.gather [hbm4b:s25+s3], $0x80, $0x38;
	[tilespmem:$0x18100] =	vst v63  }
0x75: {  	_ =	swait.ge [sflag:s18], $0x80  }
0x76: {  	[sflag:s18] =	ssyncset.done $0x0  }
0x77: {  	[sflag:s18] =	ssyncadd.s32 $0xFFFFFF80  }
0x78: {  	[tilespmem:s3], [sflag:$0x1] =	stream.indirect.gather [hbm4b:s5+s21], $0x80, s19, s21, $0xb8;
	[tilespmem:$0x18100] =	vst v63  }
0x79: {  	_ =	swait.ge [sflag:s22], $0x4000  }
.Ltmp8:
0x7a: {  	[sflag:s22] =	ssyncset.done $0x0;
	(pc) =	sbr.rel @p1 .LBB2_8-.Ltmp8, $4  }
0x7b: {  	[sflag:s22] =	ssyncadd.s32 $0xFFFFC000  }
0x7c: {  	[spmem:s2] =	stream.indirect.scatter.add.f32 [tilespmem:s3], [sflag:$0x2], $0x80, s20, s21, $0xb8;
	[tilespmem:$0x18100] =	vst v63  }
0x7d: {  	_ =	swait.ge [sflag:s18], $0x4000  }
0x7e: {  	[sflag:s18] =	ssyncset.done $0x0  }
.Ltmp9:
0x7f: {  	_ = 	snop;
	(pc) =	sbr.rel .LBB2_9-.Ltmp9, $1  }
0x80: {  	_ =	sdelay $0x3  }
.LBB2_11:
0x81: {  	_ =	sfence.sel $0x180000  }
0x82: {  	[bflag:$0x0] =	sbarrier.arrive $0xFFFF  }
0x83: {  	p0 =	sne.s32 s1, $0x0;
	_ =	strace $0x9000004D  }
0x84: {  	s0 =	sadd.s32 @!p0 $0x100000, s0;
	[bflag:$0x2] =	sbarrier.arrive $0xFFFF  }
0x85: {  	[sflag:s0] =	ssyncadd.tile.s32 @!p0 $0x1;
	_ =	shalt  }
.Lfunc_end2:
_tile_overlayer_lowered:
.L_overlay_start_2:
0x86: {  	(tag) =	ssettag $0x2  }
0x87: {  	s0 =	rddreg [dreg:$0x0];
	s2 =	stileid.u32  }
0x88: {  	s1 =	rddreg [dreg:$0x1];
	p0 =	sne.s32 s2, $0x0  }
0x89: {  	s3 =	rddreg [dreg:$0x2];
	[bflag:$0x3] =	sbarrier.arrive $0xFFFF;
	s2 =	simm.s32 @!p0 $0x1C02  }
0x8a: {  	[timem:s3], [sflag:s2] =	dma.local @!p0 [hbm:s0], s1  }
0x8b: {  	s0 =	simm.s32 @!p0 $0x2  }
0x8c: {  	_ =	swait.ge @!p0 [sflag:s0], s1  }
0x8d: {  	s1 =	ssub.s32 @!p0 $0x0, s1;
	[sflag:s0] =	ssyncset.done @!p0 $0x0  }
0x8e: {  	[sflag:s0] =	ssyncadd.s32 @!p0 s1  }
0x8f: {  	[bflag:$0x3] =	sbarrier.arrive $0xFFFF  }
0x90: {  	_ =	shalt  }

</sc_bundles>
